<compile_context>
chip_gen: v7x
topology: tpu7x:2x2x1
jax: 0.10.2.dev20260603
libtpu: 0.0.44.dev20260713+nightly
codegen_flags: <defaults>
</compile_context>

<pallas_src>
import jax
import jax.numpy as jnp
from jax import lax
from jax.experimental import pallas as pl
from jax.experimental.pallas import tpu as pltpu
from jax.experimental.pallas import tpu_sc as plsc

N_NODES = 10000
N_EDGES = 320000
D_FEAT = 128
N_TARGETS = 1024

NC = 2
NS = 16
CHUNK = 128
E_TILE = N_EDGES // (NC * NS)
DUMP_SLOT = N_TARGETS
AGG_ROWS = 1280
SL_ROWS = 80
NF_SH_ROWS = 5120
INV_ROWS = N_NODES + 16


def _sc_body(nf_hbm, src_hbm, dst_hbm, tgt_hbm, o_hbm,
             inv_v, src_v, dst_v, slots2, srcs2, rows_v0,
             zb_v, tgt_v, ob_v, agg_sh, inv_sh, nf_sh):
    c = lax.axis_index("c")
    s = lax.axis_index("s")

    base = (c * NS + s) * E_TILE
    with jax.named_scope("stage_idx"):
        pltpu.sync_copy(src_hbm.at[pl.ds(base, E_TILE)], src_v)
        pltpu.sync_copy(dst_hbm.at[pl.ds(base, E_TILE)], dst_v)

    with jax.named_scope("stage_nf"):
        pltpu.sync_copy(nf_hbm.at[pl.ds(s * 320, 320)],
                        nf_sh.at[pl.ds(s * 320, 320)])

    for i in range(16):
        for k in range(D_FEAT // 16):
            zb_v[i, pl.ds(k * 16, 16)] = jnp.zeros((16,), jnp.float32)
    for k in range(5):
        pltpu.sync_copy(zb_v, agg_sh.at[pl.ds(s * 80 + k * 16, 16)])

    @pl.when(s == 0)
    def _():
        def clr(i, carry):
            inv_v[pl.ds(i * 16, 16)] = jnp.full((16,), -1, jnp.int32)
            return carry
        lax.fori_loop(0, INV_ROWS // 16, clr, 0)
        pltpu.sync_copy(tgt_hbm, tgt_v)
        def bld(j, carry):
            tv = tgt_v[pl.ds(j * 16, 16)]
            vals = lax.iota(jnp.int32, 16) + j * 16
            plsc.store_scatter(inv_v, [tv], vals)
            return carry
        lax.fori_loop(0, N_TARGETS // 16, bld, 0)
        pltpu.sync_copy(inv_v, inv_sh)

    plsc.subcore_barrier()
    with jax.named_scope("inv_fetch"):
        pltpu.sync_copy(inv_sh, inv_v)

    lane15 = jnp.full((16,), 15, jnp.int32)

    NSL = SL_ROWS * CHUNK

    def filt1(i, ptrl, ptrh):
        dvec = dst_v[pl.ds(i * 16, 16)]
        svec = src_v[pl.ds(i * 16, 16)]
        slot = plsc.load_gather(inv_v, [dvec])
        mask = slot >= 0
        is_lo = svec < NF_SH_ROWS
        lowm = jnp.logical_and(mask, is_lo)
        highm = jnp.logical_and(mask, jnp.logical_not(is_lo))
        csl = plsc.cumsum(lowm.astype(jnp.int32))
        csh = plsc.cumsum(highm.astype(jnp.int32))
        posl = ptrl + csl - 1
        posh = NSL - ptrh - csh
        rowl = lax.shift_right_logical(posl, 7)
        coll = lax.bitwise_and(posl, 127)
        rowh = lax.shift_right_logical(posh, 7)
        colh = lax.bitwise_and(posh, 127)
        plsc.store_scatter(slots2, [rowl, coll], slot, mask=lowm)
        plsc.store_scatter(srcs2, [rowl, coll], svec, mask=lowm)
        plsc.store_scatter(slots2, [rowh, colh], slot, mask=highm)
        plsc.store_scatter(srcs2, [rowh, colh], svec, mask=highm)
        return (ptrl + jnp.take(csl, lane15), ptrh + jnp.take(csh, lane15))

    def filt(p, ptrs):
        ptrl, ptrh = ptrs
        ptrl, ptrh = filt1(p * 2, ptrl, ptrh)
        return filt1(p * 2 + 1, ptrl, ptrh)
    with jax.named_scope("filter"):
        klvec, khvec = lax.fori_loop(
            0, E_TILE // 32, filt,
            (jnp.zeros((16,), jnp.int32), jnp.zeros((16,), jnp.int32)))
        klvec, khvec = filt1(E_TILE // 16 - 1, klvec, khvec)
    kl = jnp.max(klvec)
    kh = jnp.max(khvec)

    for m in range(CHUNK // 16):
        pos = kl + m * 16 + lax.iota(jnp.int32, 16)
        row = lax.shift_right_logical(pos, 7)
        col = lax.bitwise_and(pos, 127)
        plsc.store_scatter(slots2, [row, col],
                           jnp.full((16,), DUMP_SLOT, jnp.int32))
        plsc.store_scatter(srcs2, [row, col], jnp.zeros((16,), jnp.int32))
    for m in range(CHUNK // 16):
        pos = NSL - kh - 128 + m * 16 + lax.iota(jnp.int32, 16)
        row = lax.shift_right_logical(pos, 7)
        col = lax.bitwise_and(pos, 127)
        plsc.store_scatter(slots2, [row, col],
                           jnp.full((16,), DUMP_SLOT, jnp.int32))
        plsc.store_scatter(srcs2, [row, col], jnp.zeros((16,), jnp.int32))

    plsc.subcore_barrier()

    n_lo = lax.shift_right_logical(kl + CHUNK - 1, 7)
    n_hi = lax.shift_right_logical(kh + CHUNK - 1, 7)

    def step_lo(j, carry):
        pltpu.sync_copy(nf_sh.at[srcs2.at[j]], rows_v0)
        pltpu.sync_copy(rows_v0, agg_sh.at[slots2.at[j]], add=True)
        return carry

    def step_hi(j, carry):
        pltpu.sync_copy(nf_hbm.at[srcs2.at[j]], rows_v0)
        pltpu.sync_copy(rows_v0, agg_sh.at[slots2.at[j]], add=True)
        return carry
    with jax.named_scope("mainloop"):
        lax.fori_loop(0, n_lo, step_lo, 0)
        lax.fori_loop(SL_ROWS - n_hi, SL_ROWS, step_hi, 0)

    plsc.subcore_barrier()

    with jax.named_scope("readout"):
        pltpu.sync_copy(tgt_hbm.at[pl.ds(s * 64, 64)], tgt_v.at[pl.ds(0, 64)])
    for m in range(4):
        tv = tgt_v[pl.ds(m * 16, 16)]
        tgt_v[pl.ds(m * 16, 16)] = plsc.load_gather(inv_v, [tv])
    pltpu.sync_copy(agg_sh.at[tgt_v.at[pl.ds(0, 64)]], ob_v)
    pltpu.sync_copy(ob_v, o_hbm.at[c, pl.ds(s * 64, 64)])


def _combine_body(a_ref, o_ref):
    o_ref[...] = a_ref[0] + a_ref[1]


@jax.jit
def _sc_agg(nf, src, dst, tgt):
    mesh = plsc.VectorSubcoreMesh(core_axis_name="c", subcore_axis_name="s")
    f = pl.kernel(
        _sc_body,
        out_type=jax.ShapeDtypeStruct((NC, N_TARGETS, D_FEAT), jnp.float32),
        mesh=mesh,
        compiler_params=pltpu.CompilerParams(needs_layout_passes=False, use_tc_tiling_on_sc=False),
        scratch_types=[
            pltpu.VMEM((INV_ROWS,), jnp.int32),
            pltpu.VMEM((E_TILE,), jnp.int32),
            pltpu.VMEM((E_TILE,), jnp.int32),
            pltpu.VMEM((SL_ROWS, CHUNK), jnp.int32),
            pltpu.VMEM((SL_ROWS, CHUNK), jnp.int32),
            pltpu.VMEM((CHUNK, D_FEAT), jnp.float32),
            pltpu.VMEM((16, D_FEAT), jnp.float32),
            pltpu.VMEM((N_TARGETS,), jnp.int32),
            pltpu.VMEM((64, D_FEAT), jnp.float32),
            pltpu.VMEM_SHARED((AGG_ROWS, D_FEAT), jnp.float32),
            pltpu.VMEM_SHARED((INV_ROWS,), jnp.int32),
            pltpu.VMEM_SHARED((NF_SH_ROWS, D_FEAT), jnp.float32),
        ],
    )
    partial = f(nf, src, dst, tgt)
    return pl.pallas_call(
        _combine_body,
        out_shape=jax.ShapeDtypeStruct((N_TARGETS, D_FEAT), jnp.float32),
    )(partial)


def kernel(nf, edge_index, target_node_idx):
    return _sc_agg(nf, edge_index[0], edge_index[1], target_node_idx)

# --- scband reference (transcript-rebuilt; emitter-appended) ---
"""Pipeline reference for scband-policy-net-42339787604313 (READ-ONLY COPY).

The authoritative reference and input builder live on the scoring server;
editing this copy changes nothing except your own understanding.
"""

import jax, jax.numpy as jnp
import numpy as np

N_NODES = 10000
N_EDGES = 320000
D_FEAT = 128
N_TARGETS = 1024

def setup_inputs(seed: int = 0) -> dict:
    key = jax.random.key(seed)
    k1, k2, k3 = jax.random.split(key, 3)
    nf = jax.random.normal(k1, (N_NODES, D_FEAT), dtype=jnp.float32)
    edge_index = jax.random.randint(k2, (2, N_EDGES), 0, N_NODES, dtype=jnp.int64 if jax.config.jax_enable_x64 else jnp.int32).astype(jnp.int32)
    target_node_idx = jax.random.randint(k3, (N_TARGETS,), 0, N_NODES).astype(jnp.int32)
    return {"nf": nf, "edge_index": edge_index, "target_node_idx": target_node_idx}

def reference(nf, edge_index, target_node_idx):
    # DGL-style pull: each dst node pulls messages (copy_u) from its in-neighbors
    # and reduces by sum; then the features at target_node_idx are read out.
    src = edge_index[0]
    dst = edge_index[1]
    msgs = jnp.take(nf, src, axis=0)                      # gather: [E, d]
    agg = jax.ops.segment_sum(msgs, dst, num_segments=nf.shape[0])  # scatter-add: [N, d]
    out = jnp.take(agg, target_node_idx, axis=0)          # gather targets: [B, d]
    return out

if __name__ == "__main__":
    import jax
    _d = setup_inputs()
    print(jax.jit(kernel)(*tuple(_d.values())))

</pallas_src>

<mosaic_0001>
#map = affine_map<(d0, d1) -> (0, 0)>
#map1 = affine_map<(d0, d1) -> (0)>
#map2 = affine_map<(d0, d1) -> (0, 0, 0)>
module attributes {stable_mosaic.version = 14 : i64} {
  func.func @_sc_body(%arg0: i32, %arg1: i32, %arg2: memref<10000x128xf32, #tpu.memory_space<hbm>>, %arg3: memref<320000xi32, #tpu.memory_space<hbm>>, %arg4: memref<320000xi32, #tpu.memory_space<hbm>>, %arg5: memref<1024xi32, #tpu.memory_space<hbm>>, %arg6: memref<2x1024x128xf32, #tpu.memory_space<hbm>>, %arg7: memref<10016xi32, #tpu.memory_space<vmem>>, %arg8: memref<10000xi32, #tpu.memory_space<vmem>>, %arg9: memref<10000xi32, #tpu.memory_space<vmem>>, %arg10: memref<80x128xi32, #tpu.memory_space<vmem>>, %arg11: memref<80x128xi32, #tpu.memory_space<vmem>>, %arg12: memref<128x128xf32, #tpu.memory_space<vmem>>, %arg13: memref<16x128xf32, #tpu.memory_space<vmem>>, %arg14: memref<1024xi32, #tpu.memory_space<vmem>>, %arg15: memref<64x128xf32, #tpu.memory_space<vmem>>, %arg16: memref<1280x128xf32, #tpu.memory_space<vmem_shared>>, %arg17: memref<10016xi32, #tpu.memory_space<vmem_shared>>, %arg18: memref<5120x128xf32, #tpu.memory_space<vmem_shared>>) attributes {dimension_semantics = [#tpu.dimension_semantics<core_parallel>, #tpu.dimension_semantics<subcore_parallel>], iteration_bounds = array<i64: 2, 16>, scalar_prefetch = 0 : i64, scratch_operands = 12 : i64, tpu.core_type = #tpu.core_type<sc_vector_subcore>, window_params = [{transform_indices = #map}, {transform_indices = #map1}, {transform_indices = #map1}, {transform_indices = #map1}, {transform_indices = #map2}]} {
    %mul3A = arith.constant 16 : i32
    %mul3A_0 = arith.muli %arg0, %mul3A : i32
    %add3A = arith.addi %mul3A_0, %arg1 : i32
    %mul3A_1 = arith.constant 10000 : i32
    %mul3A_2 = arith.muli %add3A, %mul3A_1 : i32
    "tpu.trace_start"() <{level = 10 : i32, message = "stage_idx"}> : () -> ()
    "tpu.region"() ({
      %run_scoped3A = tpu.sem_alloc : memref<!tpu.dma_semaphore, #tpu.memory_space<semaphore_mem>>
      %dma_start3A = tpu.memref_slice %arg3[%mul3A_2] : memref<320000xi32, #tpu.memory_space<hbm>> -> memref<10000xi32, #tpu.memory_space<hbm>>
      %dma_start3A_1206 = tpu.memref_slice %arg3[%mul3A_2] : memref<320000xi32, #tpu.memory_space<hbm>> -> memref<10000xi32, #tpu.memory_space<hbm>>
      tpu.enqueue_dma source(%dma_start3A_1206 : memref<10000xi32, #tpu.memory_space<hbm>>) target(%arg8 : memref<10000xi32, #tpu.memory_space<vmem>>) target_semaphore(%run_scoped3A : memref<!tpu.dma_semaphore, #tpu.memory_space<semaphore_mem>>)
      %dma_wait3A = tpu.memref_slice %arg3[%mul3A_2] : memref<320000xi32, #tpu.memory_space<hbm>> -> memref<10000xi32, #tpu.memory_space<hbm>>
      %dma_wait3A_1207 = tpu.memref_slice %arg3[%mul3A_2] : memref<320000xi32, #tpu.memory_space<hbm>> -> memref<10000xi32, #tpu.memory_space<hbm>>
      tpu.wait_dma2 semaphore(%run_scoped3A : memref<!tpu.dma_semaphore, #tpu.memory_space<semaphore_mem>>) src(%dma_wait3A_1207 : memref<10000xi32, #tpu.memory_space<hbm>>) dst(%arg8 : memref<10000xi32, #tpu.memory_space<vmem>>)
      tpu.yield
    }) : () -> ()
    "tpu.region"() ({
      %run_scoped3A = tpu.sem_alloc : memref<!tpu.dma_semaphore, #tpu.memory_space<semaphore_mem>>
      %dma_start3A = tpu.memref_slice %arg4[%mul3A_2] : memref<320000xi32, #tpu.memory_space<hbm>> -> memref<10000xi32, #tpu.memory_space<hbm>>
      %dma_start3A_1206 = tpu.memref_slice %arg4[%mul3A_2] : memref<320000xi32, #tpu.memory_space<hbm>> -> memref<10000xi32, #tpu.memory_space<hbm>>
      tpu.enqueue_dma source(%dma_start3A_1206 : memref<10000xi32, #tpu.memory_space<hbm>>) target(%arg9 : memref<10000xi32, #tpu.memory_space<vmem>>) target_semaphore(%run_scoped3A : memref<!tpu.dma_semaphore, #tpu.memory_space<semaphore_mem>>)
      %dma_wait3A = tpu.memref_slice %arg4[%mul3A_2] : memref<320000xi32, #tpu.memory_space<hbm>> -> memref<10000xi32, #tpu.memory_space<hbm>>
      %dma_wait3A_1207 = tpu.memref_slice %arg4[%mul3A_2] : memref<320000xi32, #tpu.memory_space<hbm>> -> memref<10000xi32, #tpu.memory_space<hbm>>
      tpu.wait_dma2 semaphore(%run_scoped3A : memref<!tpu.dma_semaphore, #tpu.memory_space<semaphore_mem>>) src(%dma_wait3A_1207 : memref<10000xi32, #tpu.memory_space<hbm>>) dst(%arg9 : memref<10000xi32, #tpu.memory_space<vmem>>)
      tpu.yield
    }) : () -> ()
    "tpu.trace_stop"() : () -> ()
    "tpu.trace_start"() <{level = 10 : i32, message = "stage_nf"}> : () -> ()
    %mul3A_3 = arith.constant 320 : i32
    %mul3A_4 = arith.muli %arg1, %mul3A_3 : i32
    %mul3A_5 = arith.constant 320 : i32
    %mul3A_6 = arith.muli %arg1, %mul3A_5 : i32
    "tpu.region"() ({
      %run_scoped3A = tpu.sem_alloc : memref<!tpu.dma_semaphore, #tpu.memory_space<semaphore_mem>>
      %dma_start3A = arith.constant 0 : i32
      %dma_start3A_1206 = tpu.memref_slice %arg18[%mul3A_6, %dma_start3A] : memref<5120x128xf32, #tpu.memory_space<vmem_shared>> -> memref<320x128xf32, #tpu.memory_space<vmem_shared>>
      %dma_start3A_1207 = arith.constant 0 : i32
      %dma_start3A_1208 = tpu.memref_slice %arg2[%mul3A_4, %dma_start3A_1207] : memref<10000x128xf32, #tpu.memory_space<hbm>> -> memref<320x128xf32, #tpu.memory_space<hbm>>
      tpu.enqueue_dma source(%dma_start3A_1208 : memref<320x128xf32, #tpu.memory_space<hbm>>) target(%dma_start3A_1206 : memref<320x128xf32, #tpu.memory_space<vmem_shared>>) target_semaphore(%run_scoped3A : memref<!tpu.dma_semaphore, #tpu.memory_space<semaphore_mem>>)
      %dma_wait3A = arith.constant 0 : i32
      %dma_wait3A_1209 = tpu.memref_slice %arg18[%mul3A_6, %dma_wait3A] : memref<5120x128xf32, #tpu.memory_space<vmem_shared>> -> memref<320x128xf32, #tpu.memory_space<vmem_shared>>
      %dma_wait3A_1210 = arith.constant 0 : i32
      %dma_wait3A_1211 = tpu.memref_slice %arg2[%mul3A_4, %dma_wait3A_1210] : memref<10000x128xf32, #tpu.memory_space<hbm>> -> memref<320x128xf32, #tpu.memory_space<hbm>>
      tpu.wait_dma2 semaphore(%run_scoped3A : memref<!tpu.dma_semaphore, #tpu.memory_space<semaphore_mem>>) src(%dma_wait3A_1211 : memref<320x128xf32, #tpu.memory_space<hbm>>) dst(%dma_wait3A_1209 : memref<320x128xf32, #tpu.memory_space<vmem_shared>>)
      tpu.yield
    }) : () -> ()
    %broadcast_in_dim3A = arith.constant 0.000000e+00 : f32
    "tpu.trace_stop"() : () -> ()
    %broadcast_in_dim3A_7 = vector.broadcast %broadcast_in_dim3A : f32 to vector<16xf32>
    %swap3A = arith.constant 0 : i32
    %swap3A_8 = arith.index_cast %swap3A : i32 to index
    %swap3A_9 = arith.constant 0 : index
    %swap3A_10 = tpu.vector_load %arg13[%swap3A_8, %swap3A_9] {strides = array<i32>} : memref<16x128xf32, #tpu.memory_space<vmem>>, vector<16xf32>,
    tpu.vector_store %arg13[%swap3A_8, %swap3A_9], %broadcast_in_dim3A_7 {strides = array<i32>} : memref<16x128xf32, #tpu.memory_space<vmem>>, vector<16xf32>,
    %broadcast_in_dim3A_11 = arith.constant 0.000000e+00 : f32
    %broadcast_in_dim3A_12 = vector.broadcast %broadcast_in_dim3A_11 : f32 to vector<16xf32>
    %swap3A_13 = arith.constant 0 : i32
    %swap3A_14 = arith.index_cast %swap3A_13 : i32 to index
    %swap3A_15 = arith.constant 16 : index
    %swap3A_16 = tpu.vector_load %arg13[%swap3A_14, %swap3A_15] {strides = array<i32>} : memref<16x128xf32, #tpu.memory_space<vmem>>, vector<16xf32>,
    tpu.vector_store %arg13[%swap3A_14, %swap3A_15], %broadcast_in_dim3A_12 {strides = array<i32>} : memref<16x128xf32, #tpu.memory_space<vmem>>, vector<16xf32>,
    %broadcast_in_dim3A_17 = arith.constant 0.000000e+00 : f32
    %broadcast_in_dim3A_18 = vector.broadcast %broadcast_in_dim3A_17 : f32 to vector<16xf32>
    %swap3A_19 = arith.constant 0 : i32
    %swap3A_20 = arith.index_cast %swap3A_19 : i32 to index
    %swap3A_21 = arith.constant 32 : index
    %swap3A_22 = tpu.vector_load %arg13[%swap3A_20, %swap3A_21] {strides = array<i32>} : memref<16x128xf32, #tpu.memory_space<vmem>>, vector<16xf32>,
    tpu.vector_store %arg13[%swap3A_20, %swap3A_21], %broadcast_in_dim3A_18 {strides = array<i32>} : memref<16x128xf32, #tpu.memory_space<vmem>>, vector<16xf32>,
    %broadcast_in_dim3A_23 = arith.constant 0.000000e+00 : f32
    %broadcast_in_dim3A_24 = vector.broadcast %broadcast_in_dim3A_23 : f32 to vector<16xf32>
    %swap3A_25 = arith.constant 0 : i32
    %swap3A_26 = arith.index_cast %swap3A_25 : i32 to index
    %swap3A_27 = arith.constant 48 : index
    %swap3A_28 = tpu.vector_load %arg13[%swap3A_26, %swap3A_27] {strides = array<i32>} : memref<16x128xf32, #tpu.memory_space<vmem>>, vector<16xf32>,
    tpu.vector_store %arg13[%swap3A_26, %swap3A_27], %broadcast_in_dim3A_24 {strides = array<i32>} : memref<16x128xf32, #tpu.memory_space<vmem>>, vector<16xf32>,
    %broadcast_in_dim3A_29 = arith.constant 0.000000e+00 : f32
    %broadcast_in_dim3A_30 = vector.broadcast %broadcast_in_dim3A_29 : f32 to vector<16xf32>
    %swap3A_31 = arith.constant 0 : i32
    %swap3A_32 = arith.index_cast %swap3A_31 : i32 to index
    %swap3A_33 = arith.constant 64 : index
    %swap3A_34 = tpu.vector_load %arg13[%swap3A_32, %swap3A_33] {strides = array<i32>} : memref<16x128xf32, #tpu.memory_space<vmem>>, vector<16xf32>,
    tpu.vector_store %arg13[%swap3A_32, %swap3A_33], %broadcast_in_dim3A_30 {strides = array<i32>} : memref<16x128xf32, #tpu.memory_space<vmem>>, vector<16xf32>,
    %broadcast_in_dim3A_35 = arith.constant 0.000000e+00 : f32
    %broadcast_in_dim3A_36 = vector.broadcast %broadcast_in_dim3A_35 : f32 to vector<16xf32>
    %swap3A_37 = arith.constant 0 : i32
    %swap3A_38 = arith.index_cast %swap3A_37 : i32 to index
    %swap3A_39 = arith.constant 80 : index
    %swap3A_40 = tpu.vector_load %arg13[%swap3A_38, %swap3A_39] {strides = array<i32>} : memref<16x128xf32, #tpu.memory_space<vmem>>, vector<16xf32>,
    tpu.vector_store %arg13[%swap3A_38, %swap3A_39], %broadcast_in_dim3A_36 {strides = array<i32>} : memref<16x128xf32, #tpu.memory_space<vmem>>, vector<16xf32>,
    %broadcast_in_dim3A_41 = arith.constant 0.000000e+00 : f32
    %broadcast_in_dim3A_42 = vector.broadcast %broadcast_in_dim3A_41 : f32 to vector<16xf32>
    %swap3A_43 = arith.constant 0 : i32
    %swap3A_44 = arith.index_cast %swap3A_43 : i32 to index
    %swap3A_45 = arith.constant 96 : index
    %swap3A_46 = tpu.vector_load %arg13[%swap3A_44, %swap3A_45] {strides = array<i32>} : memref<16x128xf32, #tpu.memory_space<vmem>>, vector<16xf32>,
    tpu.vector_store %arg13[%swap3A_44, %swap3A_45], %broadcast_in_dim3A_42 {strides = array<i32>} : memref<16x128xf32, #tpu.memory_space<vmem>>, vector<16xf32>,
    %broadcast_in_dim3A_47 = arith.constant 0.000000e+00 : f32
    %broadcast_in_dim3A_48 = vector.broadcast %broadcast_in_dim3A_47 : f32 to vector<16xf32>
    %swap3A_49 = arith.constant 0 : i32
    %swap3A_50 = arith.index_cast %swap3A_49 : i32 to index
    %swap3A_51 = arith.constant 112 : index
    %swap3A_52 = tpu.vector_load %arg13[%swap3A_50, %swap3A_51] {strides = array<i32>} : memref<16x128xf32, #tpu.memory_space<vmem>>, vector<16xf32>,
    tpu.vector_store %arg13[%swap3A_50, %swap3A_51], %broadcast_in_dim3A_48 {strides = array<i32>} : memref<16x128xf32, #tpu.memory_space<vmem>>, vector<16xf32>,
    %broadcast_in_dim3A_53 = arith.constant 0.000000e+00 : f32
    %broadcast_in_dim3A_54 = vector.broadcast %broadcast_in_dim3A_53 : f32 to vector<16xf32>
    %swap3A_55 = arith.constant 1 : i32
    %swap3A_56 = arith.index_cast %swap3A_55 : i32 to index
    %swap3A_57 = arith.constant 0 : index
    %swap3A_58 = tpu.vector_load %arg13[%swap3A_56, %swap3A_57] {strides = array<i32>} : memref<16x128xf32, #tpu.memory_space<vmem>>, vector<16xf32>,
    tpu.vector_store %arg13[%swap3A_56, %swap3A_57], %broadcast_in_dim3A_54 {strides = array<i32>} : memref<16x128xf32, #tpu.memory_space<vmem>>, vector<16xf32>,
    %broadcast_in_dim3A_59 = arith.constant 0.000000e+00 : f32
    %broadcast_in_dim3A_60 = vector.broadcast %broadcast_in_dim3A_59 : f32 to vector<16xf32>
    %swap3A_61 = arith.constant 1 : i32
    %swap3A_62 = arith.index_cast %swap3A_61 : i32 to index
    %swap3A_63 = arith.constant 16 : index
    %swap3A_64 = tpu.vector_load %arg13[%swap3A_62, %swap3A_63] {strides = array<i32>} : memref<16x128xf32, #tpu.memory_space<vmem>>, vector<16xf32>,
    tpu.vector_store %arg13[%swap3A_62, %swap3A_63], %broadcast_in_dim3A_60 {strides = array<i32>} : memref<16x128xf32, #tpu.memory_space<vmem>>, vector<16xf32>,
    %broadcast_in_dim3A_65 = arith.constant 0.000000e+00 : f32
    %broadcast_in_dim3A_66 = vector.broadcast %broadcast_in_dim3A_65 : f32 to vector<16xf32>
    %swap3A_67 = arith.constant 1 : i32
    %swap3A_68 = arith.index_cast %swap3A_67 : i32 to index
    %swap3A_69 = arith.constant 32 : index
    %swap3A_70 = tpu.vector_load %arg13[%swap3A_68, %swap3A_69] {strides = array<i32>} : memref<16x128xf32, #tpu.memory_space<vmem>>, vector<16xf32>,
    tpu.vector_store %arg13[%swap3A_68, %swap3A_69], %broadcast_in_dim3A_66 {strides = array<i32>} : memref<16x128xf32, #tpu.memory_space<vmem>>, vector<16xf32>,
    %broadcast_in_dim3A_71 = arith.constant 0.000000e+00 : f32
    %broadcast_in_dim3A_72 = vector.broadcast %broadcast_in_dim3A_71 : f32 to vector<16xf32>
    %swap3A_73 = arith.constant 1 : i32
    %swap3A_74 = arith.index_cast %swap3A_73 : i32 to index
    %swap3A_75 = arith.constant 48 : index
    %swap3A_76 = tpu.vector_load %arg13[%swap3A_74, %swap3A_75] {strides = array<i32>} : memref<16x128xf32, #tpu.memory_space<vmem>>, vector<16xf32>,
    tpu.vector_store %arg13[%swap3A_74, %swap3A_75], %broadcast_in_dim3A_72 {strides = array<i32>} : memref<16x128xf32, #tpu.memory_space<vmem>>, vector<16xf32>,
    %broadcast_in_dim3A_77 = arith.constant 0.000000e+00 : f32
    %broadcast_in_dim3A_78 = vector.broadcast %broadcast_in_dim3A_77 : f32 to vector<16xf32>
    %swap3A_79 = arith.constant 1 : i32
    %swap3A_80 = arith.index_cast %swap3A_79 : i32 to index
    %swap3A_81 = arith.constant 64 : index
    %swap3A_82 = tpu.vector_load %arg13[%swap3A_80, %swap3A_81] {strides = array<i32>} : memref<16x128xf32, #tpu.memory_space<vmem>>, vector<16xf32>,
    tpu.vector_store %arg13[%swap3A_80, %swap3A_81], %broadcast_in_dim3A_78 {strides = array<i32>} : memref<16x128xf32, #tpu.memory_space<vmem>>, vector<16xf32>,
    %broadcast_in_dim3A_83 = arith.constant 0.000000e+00 : f32
    %broadcast_in_dim3A_84 = vector.broadcast %broadcast_in_dim3A_83 : f32 to vector<16xf32>
    %swap3A_85 = arith.constant 1 : i32
    %swap3A_86 = arith.index_cast %swap3A_85 : i32 to index
    %swap3A_87 = arith.constant 80 : index
    %swap3A_88 = tpu.vector_load %arg13[%swap3A_86, %swap3A_87] {strides = array<i32>} : memref<16x128xf32, #tpu.memory_space<vmem>>, vector<16xf32>,
    tpu.vector_store %arg13[%swap3A_86, %swap3A_87], %broadcast_in_dim3A_84 {strides = array<i32>} : memref<16x128xf32, #tpu.memory_space<vmem>>, vector<16xf32>,
    %broadcast_in_dim3A_89 = arith.constant 0.000000e+00 : f32
    %broadcast_in_dim3A_90 = vector.broadcast %broadcast_in_dim3A_89 : f32 to vector<16xf32>
    %swap3A_91 = arith.constant 1 : i32
    %swap3A_92 = arith.index_cast %swap3A_91 : i32 to index
    %swap3A_93 = arith.constant 96 : index
    %swap3A_94 = tpu.vector_load %arg13[%swap3A_92, %swap3A_93] {strides = array<i32>} : memref<16x128xf32, #tpu.memory_space<vmem>>, vector<16xf32>,
    tpu.vector_store %arg13[%swap3A_92, %swap3A_93], %broadcast_in_dim3A_90 {strides = array<i32>} : memref<16x128xf32, #tpu.memory_space<vmem>>, vector<16xf32>,
    %broadcast_in_dim3A_95 = arith.constant 0.000000e+00 : f32
    %broadcast_in_dim3A_96 = vector.broadcast %broadcast_in_dim3A_95 : f32 to vector<16xf32>
    %swap3A_97 = arith.constant 1 : i32
    %swap3A_98 = arith.index_cast %swap3A_97 : i32 to index
    %swap3A_99 = arith.constant 112 : index
    %swap3A_100 = tpu.vector_load %arg13[%swap3A_98, %swap3A_99] {strides = array<i32>} : memref<16x128xf32, #tpu.memory_space<vmem>>, vector<16xf32>,
    tpu.vector_store %arg13[%swap3A_98, %swap3A_99], %broadcast_in_dim3A_96 {strides = array<i32>} : memref<16x128xf32, #tpu.memory_space<vmem>>, vector<16xf32>,
    %broadcast_in_dim3A_101 = arith.constant 0.000000e+00 : f32
    %broadcast_in_dim3A_102 = vector.broadcast %broadcast_in_dim3A_101 : f32 to vector<16xf32>
    %swap3A_103 = arith.constant 2 : i32
    %swap3A_104 = arith.index_cast %swap3A_103 : i32 to index
    %swap3A_105 = arith.constant 0 : index
    %swap3A_106 = tpu.vector_load %arg13[%swap3A_104, %swap3A_105] {strides = array<i32>} : memref<16x128xf32, #tpu.memory_space<vmem>>, vector<16xf32>,
    tpu.vector_store %arg13[%swap3A_104, %swap3A_105], %broadcast_in_dim3A_102 {strides = array<i32>} : memref<16x128xf32, #tpu.memory_space<vmem>>, vector<16xf32>,
    %broadcast_in_dim3A_107 = arith.constant 0.000000e+00 : f32
    %broadcast_in_dim3A_108 = vector.broadcast %broadcast_in_dim3A_107 : f32 to vector<16xf32>
    %swap3A_109 = arith.constant 2 : i32
    %swap3A_110 = arith.index_cast %swap3A_109 : i32 to index
    %swap3A_111 = arith.constant 16 : index
    %swap3A_112 = tpu.vector_load %arg13[%swap3A_110, %swap3A_111] {strides = array<i32>} : memref<16x128xf32, #tpu.memory_space<vmem>>, vector<16xf32>,
    tpu.vector_store %arg13[%swap3A_110, %swap3A_111], %broadcast_in_dim3A_108 {strides = array<i32>} : memref<16x128xf32, #tpu.memory_space<vmem>>, vector<16xf32>,
    %broadcast_in_dim3A_113 = arith.constant 0.000000e+00 : f32
    %broadcast_in_dim3A_114 = vector.broadcast %broadcast_in_dim3A_113 : f32 to vector<16xf32>
    %swap3A_115 = arith.constant 2 : i32
    %swap3A_116 = arith.index_cast %swap3A_115 : i32 to index
    %swap3A_117 = arith.constant 32 : index
    %swap3A_118 = tpu.vector_load %arg13[%swap3A_116, %swap3A_117] {strides = array<i32>} : memref<16x128xf32, #tpu.memory_space<vmem>>, vector<16xf32>,
    tpu.vector_store %arg13[%swap3A_116, %swap3A_117], %broadcast_in_dim3A_114 {strides = array<i32>} : memref<16x128xf32, #tpu.memory_space<vmem>>, vector<16xf32>,
    %broadcast_in_dim3A_119 = arith.constant 0.000000e+00 : f32
    %broadcast_in_dim3A_120 = vector.broadcast %broadcast_in_dim3A_119 : f32 to vector<16xf32>
    %swap3A_121 = arith.constant 2 : i32
    %swap3A_122 = arith.index_cast %swap3A_121 : i32 to index
    %swap3A_123 = arith.constant 48 : index
    %swap3A_124 = tpu.vector_load %arg13[%swap3A_122, %swap3A_123] {strides = array<i32>} : memref<16x128xf32, #tpu.memory_space<vmem>>, vector<16xf32>,
    tpu.vector_store %arg13[%swap3A_122, %swap3A_123], %broadcast_in_dim3A_120 {strides = array<i32>} : memref<16x128xf32, #tpu.memory_space<vmem>>, vector<16xf32>,
    %broadcast_in_dim3A_125 = arith.constant 0.000000e+00 : f32
    %broadcast_in_dim3A_126 = vector.broadcast %broadcast_in_dim3A_125 : f32 to vector<16xf32>
    %swap3A_127 = arith.constant 2 : i32
    %swap3A_128 = arith.index_cast %swap3A_127 : i32 to index
    %swap3A_129 = arith.constant 64 : index
    %swap3A_130 = tpu.vector_load %arg13[%swap3A_128, %swap3A_129] {strides = array<i32>} : memref<16x128xf32, #tpu.memory_space<vmem>>, vector<16xf32>,
    tpu.vector_store %arg13[%swap3A_128, %swap3A_129], %broadcast_in_dim3A_126 {strides = array<i32>} : memref<16x128xf32, #tpu.memory_space<vmem>>, vector<16xf32>,
    %broadcast_in_dim3A_131 = arith.constant 0.000000e+00 : f32
    %broadcast_in_dim3A_132 = vector.broadcast %broadcast_in_dim3A_131 : f32 to vector<16xf32>
    %swap3A_133 = arith.constant 2 : i32
    %swap3A_134 = arith.index_cast %swap3A_133 : i32 to index
    %swap3A_135 = arith.constant 80 : index
    %swap3A_136 = tpu.vector_load %arg13[%swap3A_134, %swap3A_135] {strides = array<i32>} : memref<16x128xf32, #tpu.memory_space<vmem>>, vector<16xf32>,
    tpu.vector_store %arg13[%swap3A_134, %swap3A_135], %broadcast_in_dim3A_132 {strides = array<i32>} : memref<16x128xf32, #tpu.memory_space<vmem>>, vector<16xf32>,
    %broadcast_in_dim3A_137 = arith.constant 0.000000e+00 : f32
    %broadcast_in_dim3A_138 = vector.broadcast %broadcast_in_dim3A_137 : f32 to vector<16xf32>
    %swap3A_139 = arith.constant 2 : i32
    %swap3A_140 = arith.index_cast %swap3A_139 : i32 to index
    %swap3A_141 = arith.constant 96 : index
    %swap3A_142 = tpu.vector_load %arg13[%swap3A_140, %swap3A_141] {strides = array<i32>} : memref<16x128xf32, #tpu.memory_space<vmem>>, vector<16xf32>,
    tpu.vector_store %arg13[%swap3A_140, %swap3A_141], %broadcast_in_dim3A_138 {strides = array<i32>} : memref<16x128xf32, #tpu.memory_space<vmem>>, vector<16xf32>,
    %broadcast_in_dim3A_143 = arith.constant 0.000000e+00 : f32
    %broadcast_in_dim3A_144 = vector.broadcast %broadcast_in_dim3A_143 : f32 to vector<16xf32>
    %swap3A_145 = arith.constant 2 : i32
    %swap3A_146 = arith.index_cast %swap3A_145 : i32 to index
    %swap3A_147 = arith.constant 112 : index
    %swap3A_148 = tpu.vector_load %arg13[%swap3A_146, %swap3A_147] {strides = array<i32>} : memref<16x128xf32, #tpu.memory_space<vmem>>, vector<16xf32>,
    tpu.vector_store %arg13[%swap3A_146, %swap3A_147], %broadcast_in_dim3A_144 {strides = array<i32>} : memref<16x128xf32, #tpu.memory_space<vmem>>, vector<16xf32>,
    %broadcast_in_dim3A_149 = arith.constant 0.000000e+00 : f32
    %broadcast_in_dim3A_150 = vector.broadcast %broadcast_in_dim3A_149 : f32 to vector<16xf32>
    %swap3A_151 = arith.constant 3 : i32
    %swap3A_152 = arith.index_cast %swap3A_151 : i32 to index
    %swap3A_153 = arith.constant 0 : index
    %swap3A_154 = tpu.vector_load %arg13[%swap3A_152, %swap3A_153] {strides = array<i32>} : memref<16x128xf32, #tpu.memory_space<vmem>>, vector<16xf32>,
    tpu.vector_store %arg13[%swap3A_152, %swap3A_153], %broadcast_in_dim3A_150 {strides = array<i32>} : memref<16x128xf32, #tpu.memory_space<vmem>>, vector<16xf32>,
    %broadcast_in_dim3A_155 = arith.constant 0.000000e+00 : f32
    %broadcast_in_dim3A_156 = vector.broadcast %broadcast_in_dim3A_155 : f32 to vector<16xf32>
    %swap3A_157 = arith.constant 3 : i32
    %swap3A_158 = arith.index_cast %swap3A_157 : i32 to index
    %swap3A_159 = arith.constant 16 : index
    %swap3A_160 = tpu.vector_load %arg13[%swap3A_158, %swap3A_159] {strides = array<i32>} : memref<16x128xf32, #tpu.memory_space<vmem>>, vector<16xf32>,
    tpu.vector_store %arg13[%swap3A_158, %swap3A_159], %broadcast_in_dim3A_156 {strides = array<i32>} : memref<16x128xf32, #tpu.memory_space<vmem>>, vector<16xf32>,
    %broadcast_in_dim3A_161 = arith.constant 0.000000e+00 : f32
    %broadcast_in_dim3A_162 = vector.broadcast %broadcast_in_dim3A_161 : f32 to vector<16xf32>
    %swap3A_163 = arith.constant 3 : i32
    %swap3A_164 = arith.index_cast %swap3A_163 : i32 to index
    %swap3A_165 = arith.constant 32 : index
    %swap3A_166 = tpu.vector_load %arg13[%swap3A_164, %swap3A_165] {strides = array<i32>} : memref<16x128xf32, #tpu.memory_space<vmem>>, vector<16xf32>,
    tpu.vector_store %arg13[%swap3A_164, %swap3A_165], %broadcast_in_dim3A_162 {strides = array<i32>} : memref<16x128xf32, #tpu.memory_space<vmem>>, vector<16xf32>,
    %broadcast_in_dim3A_167 = arith.constant 0.000000e+00 : f32
    %broadcast_in_dim3A_168 = vector.broadcast %broadcast_in_dim3A_167 : f32 to vector<16xf32>
    %swap3A_169 = arith.constant 3 : i32
    %swap3A_170 = arith.index_cast %swap3A_169 : i32 to index
    %swap3A_171 = arith.constant 48 : index
    %swap3A_172 = tpu.vector_load %arg13[%swap3A_170, %swap3A_171] {strides = array<i32>} : memref<16x128xf32, #tpu.memory_space<vmem>>, vector<16xf32>,
    tpu.vector_store %arg13[%swap3A_170, %swap3A_171], %broadcast_in_dim3A_168 {strides = array<i32>} : memref<16x128xf32, #tpu.memory_space<vmem>>, vector<16xf32>,
    %broadcast_in_dim3A_173 = arith.constant 0.000000e+00 : f32
    %broadcast_in_dim3A_174 = vector.broadcast %broadcast_in_dim3A_173 : f32 to vector<16xf32>
    %swap3A_175 = arith.constant 3 : i32
    %swap3A_176 = arith.index_cast %swap3A_175 : i32 to index
    %swap3A_177 = arith.constant 64 : index
    %swap3A_178 = tpu.vector_load %arg13[%swap3A_176, %swap3A_177] {strides = array<i32>} : memref<16x128xf32, #tpu.memory_space<vmem>>, vector<16xf32>,
    tpu.vector_store %arg13[%swap3A_176, %swap3A_177], %broadcast_in_dim3A_174 {strides = array<i32>} : memref<16x128xf32, #tpu.memory_space<vmem>>, vector<16xf32>,
    %broadcast_in_dim3A_179 = arith.constant 0.000000e+00 : f32
    %broadcast_in_dim3A_180 = vector.broadcast %broadcast_in_dim3A_179 : f32 to vector<16xf32>
    %swap3A_181 = arith.constant 3 : i32
    %swap3A_182 = arith.index_cast %swap3A_181 : i32 to index
    %swap3A_183 = arith.constant 80 : index
    %swap3A_184 = tpu.vector_load %arg13[%swap3A_182, %swap3A_183] {strides = array<i32>} : memref<16x128xf32, #tpu.memory_space<vmem>>, vector<16xf32>,
    tpu.vector_store %arg13[%swap3A_182, %swap3A_183], %broadcast_in_dim3A_180 {strides = array<i32>} : memref<16x128xf32, #tpu.memory_space<vmem>>, vector<16xf32>,
    %broadcast_in_dim3A_185 = arith.constant 0.000000e+00 : f32
    %broadcast_in_dim3A_186 = vector.broadcast %broadcast_in_dim3A_185 : f32 to vector<16xf32>
    %swap3A_187 = arith.constant 3 : i32
    %swap3A_188 = arith.index_cast %swap3A_187 : i32 to index
    %swap3A_189 = arith.constant 96 : index
    %swap3A_190 = tpu.vector_load %arg13[%swap3A_188, %swap3A_189] {strides = array<i32>} : memref<16x128xf32, #tpu.memory_space<vmem>>, vector<16xf32>,
    tpu.vector_store %arg13[%swap3A_188, %swap3A_189], %broadcast_in_dim3A_186 {strides = array<i32>} : memref<16x128xf32, #tpu.memory_space<vmem>>, vector<16xf32>,
    %broadcast_in_dim3A_191 = arith.constant 0.000000e+00 : f32
    %broadcast_in_dim3A_192 = vector.broadcast %broadcast_in_dim3A_191 : f32 to vector<16xf32>
    %swap3A_193 = arith.constant 3 : i32
    %swap3A_194 = arith.index_cast %swap3A_193 : i32 to index
    %swap3A_195 = arith.constant 112 : index
    %swap3A_196 = tpu.vector_load %arg13[%swap3A_194, %swap3A_195] {strides = array<i32>} : memref<16x128xf32, #tpu.memory_space<vmem>>, vector<16xf32>,
    tpu.vector_store %arg13[%swap3A_194, %swap3A_195], %broadcast_in_dim3A_192 {strides = array<i32>} : memref<16x128xf32, #tpu.memory_space<vmem>>, vector<16xf32>,
    %broadcast_in_dim3A_197 = arith.constant 0.000000e+00 : f32
    %broadcast_in_dim3A_198 = vector.broadcast %broadcast_in_dim3A_197 : f32 to vector<16xf32>
    %swap3A_199 = arith.constant 4 : i32
    %swap3A_200 = arith.index_cast %swap3A_199 : i32 to index
    %swap3A_201 = arith.constant 0 : index
    %swap3A_202 = tpu.vector_load %arg13[%swap3A_200, %swap3A_201] {strides = array<i32>} : memref<16x128xf32, #tpu.memory_space<vmem>>, vector<16xf32>,
    tpu.vector_store %arg13[%swap3A_200, %swap3A_201], %broadcast_in_dim3A_198 {strides = array<i32>} : memref<16x128xf32, #tpu.memory_space<vmem>>, vector<16xf32>,
    %broadcast_in_dim3A_203 = arith.constant 0.000000e+00 : f32
    %broadcast_in_dim3A_204 = vector.broadcast %broadcast_in_dim3A_203 : f32 to vector<16xf32>
    %swap3A_205 = arith.constant 4 : i32
    %swap3A_206 = arith.index_cast %swap3A_205 : i32 to index
    %swap3A_207 = arith.constant 16 : index
    %swap3A_208 = tpu.vector_load %arg13[%swap3A_206, %swap3A_207] {strides = array<i32>} : memref<16x128xf32, #tpu.memory_space<vmem>>, vector<16xf32>,
    tpu.vector_store %arg13[%swap3A_206, %swap3A_207], %broadcast_in_dim3A_204 {strides = array<i32>} : memref<16x128xf32, #tpu.memory_space<vmem>>, vector<16xf32>,
    %broadcast_in_dim3A_209 = arith.constant 0.000000e+00 : f32
    %broadcast_in_dim3A_210 = vector.broadcast %broadcast_in_dim3A_209 : f32 to vector<16xf32>
    %swap3A_211 = arith.constant 4 : i32
    %swap3A_212 = arith.index_cast %swap3A_211 : i32 to index
    %swap3A_213 = arith.constant 32 : index
    %swap3A_214 = tpu.vector_load %arg13[%swap3A_212, %swap3A_213] {strides = array<i32>} : memref<16x128xf32, #tpu.memory_space<vmem>>, vector<16xf32>,
    tpu.vector_store %arg13[%swap3A_212, %swap3A_213], %broadcast_in_dim3A_210 {strides = array<i32>} : memref<16x128xf32, #tpu.memory_space<vmem>>, vector<16xf32>,
    %broadcast_in_dim3A_215 = arith.constant 0.000000e+00 : f32
    %broadcast_in_dim3A_216 = vector.broadcast %broadcast_in_dim3A_215 : f32 to vector<16xf32>
    %swap3A_217 = arith.constant 4 : i32
    %swap3A_218 = arith.index_cast %swap3A_217 : i32 to index
    %swap3A_219 = arith.constant 48 : index
    %swap3A_220 = tpu.vector_load %arg13[%swap3A_218, %swap3A_219] {strides = array<i32>} : memref<16x128xf32, #tpu.memory_space<vmem>>, vector<16xf32>,
    tpu.vector_store %arg13[%swap3A_218, %swap3A_219], %broadcast_in_dim3A_216 {strides = array<i32>} : memref<16x128xf32, #tpu.memory_space<vmem>>, vector<16xf32>,
    %broadcast_in_dim3A_221 = arith.constant 0.000000e+00 : f32
    %broadcast_in_dim3A_222 = vector.broadcast %broadcast_in_dim3A_221 : f32 to vector<16xf32>
    %swap3A_223 = arith.constant 4 : i32
    %swap3A_224 = arith.index_cast %swap3A_223 : i32 to index
    %swap3A_225 = arith.constant 64 : index
    %swap3A_226 = tpu.vector_load %arg13[%swap3A_224, %swap3A_225] {strides = array<i32>} : memref<16x128xf32, #tpu.memory_space<vmem>>, vector<16xf32>,
    tpu.vector_store %arg13[%swap3A_224, %swap3A_225], %broadcast_in_dim3A_222 {strides = array<i32>} : memref<16x128xf32, #tpu.memory_space<vmem>>, vector<16xf32>,
    %broadcast_in_dim3A_227 = arith.constant 0.000000e+00 : f32
    %broadcast_in_dim3A_228 = vector.broadcast %broadcast_in_dim3A_227 : f32 to vector<16xf32>
    %swap3A_229 = arith.constant 4 : i32
    %swap3A_230 = arith.index_cast %swap3A_229 : i32 to index
    %swap3A_231 = arith.constant 80 : index
    %swap3A_232 = tpu.vector_load %arg13[%swap3A_230, %swap3A_231] {strides = array<i32>} : memref<16x128xf32, #tpu.memory_space<vmem>>, vector<16xf32>,
    tpu.vector_store %arg13[%swap3A_230, %swap3A_231], %broadcast_in_dim3A_228 {strides = array<i32>} : memref<16x128xf32, #tpu.memory_space<vmem>>, vector<16xf32>,
    %broadcast_in_dim3A_233 = arith.constant 0.000000e+00 : f32
    %broadcast_in_dim3A_234 = vector.broadcast %broadcast_in_dim3A_233 : f32 to vector<16xf32>
    %swap3A_235 = arith.constant 4 : i32
    %swap3A_236 = arith.index_cast %swap3A_235 : i32 to index
    %swap3A_237 = arith.constant 96 : index
    %swap3A_238 = tpu.vector_load %arg13[%swap3A_236, %swap3A_237] {strides = array<i32>} : memref<16x128xf32, #tpu.memory_space<vmem>>, vector<16xf32>,
    tpu.vector_store %arg13[%swap3A_236, %swap3A_237], %broadcast_in_dim3A_234 {strides = array<i32>} : memref<16x128xf32, #tpu.memory_space<vmem>>, vector<16xf32>,
    %broadcast_in_dim3A_239 = arith.constant 0.000000e+00 : f32
    %broadcast_in_dim3A_240 = vector.broadcast %broadcast_in_dim3A_239 : f32 to vector<16xf32>
    %swap3A_241 = arith.constant 4 : i32
    %swap3A_242 = arith.index_cast %swap3A_241 : i32 to index
    %swap3A_243 = arith.constant 112 : index
    %swap3A_244 = tpu.vector_load %arg13[%swap3A_242, %swap3A_243] {strides = array<i32>} : memref<16x128xf32, #tpu.memory_space<vmem>>, vector<16xf32>,
    tpu.vector_store %arg13[%swap3A_242, %swap3A_243], %broadcast_in_dim3A_240 {strides = array<i32>} : memref<16x128xf32, #tpu.memory_space<vmem>>, vector<16xf32>,
    %broadcast_in_dim3A_245 = arith.constant 0.000000e+00 : f32
    %broadcast_in_dim3A_246 = vector.broadcast %broadcast_in_dim3A_245 : f32 to vector<16xf32>
    %swap3A_247 = arith.constant 5 : i32
    %swap3A_248 = arith.index_cast %swap3A_247 : i32 to index
    %swap3A_249 = arith.constant 0 : index
    %swap3A_250 = tpu.vector_load %arg13[%swap3A_248, %swap3A_249] {strides = array<i32>} : memref<16x128xf32, #tpu.memory_space<vmem>>, vector<16xf32>,
    tpu.vector_store %arg13[%swap3A_248, %swap3A_249], %broadcast_in_dim3A_246 {strides = array<i32>} : memref<16x128xf32, #tpu.memory_space<vmem>>, vector<16xf32>,
    %broadcast_in_dim3A_251 = arith.constant 0.000000e+00 : f32
    %broadcast_in_dim3A_252 = vector.broadcast %broadcast_in_dim3A_251 : f32 to vector<16xf32>
    %swap3A_253 = arith.constant 5 : i32
    %swap3A_254 = arith.index_cast %swap3A_253 : i32 to index
    %swap3A_255 = arith.constant 16 : index
    %swap3A_256 = tpu.vector_load %arg13[%swap3A_254, %swap3A_255] {strides = array<i32>} : memref<16x128xf32, #tpu.memory_space<vmem>>, vector<16xf32>,
    tpu.vector_store %arg13[%swap3A_254, %swap3A_255], %broadcast_in_dim3A_252 {strides = array<i32>} : memref<16x128xf32, #tpu.memory_space<vmem>>, vector<16xf32>,
    %broadcast_in_dim3A_257 = arith.constant 0.000000e+00 : f32
    %broadcast_in_dim3A_258 = vector.broadcast %broadcast_in_dim3A_257 : f32 to vector<16xf32>
    %swap3A_259 = arith.constant 5 : i32
    %swap3A_260 = arith.index_cast %swap3A_259 : i32 to index
    %swap3A_261 = arith.constant 32 : index
    %swap3A_262 = tpu.vector_load %arg13[%swap3A_260, %swap3A_261] {strides = array<i32>} : memref<16x128xf32, #tpu.memory_space<vmem>>, vector<16xf32>,
    tpu.vector_store %arg13[%swap3A_260, %swap3A_261], %broadcast_in_dim3A_258 {strides = array<i32>} : memref<16x128xf32, #tpu.memory_space<vmem>>, vector<16xf32>,
    %broadcast_in_dim3A_263 = arith.constant 0.000000e+00 : f32
    %broadcast_in_dim3A_264 = vector.broadcast %broadcast_in_dim3A_263 : f32 to vector<16xf32>
    %swap3A_265 = arith.constant 5 : i32
    %swap3A_266 = arith.index_cast %swap3A_265 : i32 to index
    %swap3A_267 = arith.constant 48 : index
    %swap3A_268 = tpu.vector_load %arg13[%swap3A_266, %swap3A_267] {strides = array<i32>} : memref<16x128xf32, #tpu.memory_space<vmem>>, vector<16xf32>,
    tpu.vector_store %arg13[%swap3A_266, %swap3A_267], %broadcast_in_dim3A_264 {strides = array<i32>} : memref<16x128xf32, #tpu.memory_space<vmem>>, vector<16xf32>,
    %broadcast_in_dim3A_269 = arith.constant 0.000000e+00 : f32
    %broadcast_in_dim3A_270 = vector.broadcast %broadcast_in_dim3A_269 : f32 to vector<16xf32>
    %swap3A_271 = arith.constant 5 : i32
    %swap3A_272 = arith.index_cast %swap3A_271 : i32 to index
    %swap3A_273 = arith.constant 64 : index
    %swap3A_274 = tpu.vector_load %arg13[%swap3A_272, %swap3A_273] {strides = array<i32>} : memref<16x128xf32, #tpu.memory_space<vmem>>, vector<16xf32>,
    tpu.vector_store %arg13[%swap3A_272, %swap3A_273], %broadcast_in_dim3A_270 {strides = array<i32>} : memref<16x128xf32, #tpu.memory_space<vmem>>, vector<16xf32>,
    %broadcast_in_dim3A_275 = arith.constant 0.000000e+00 : f32
    %broadcast_in_dim3A_276 = vector.broadcast %broadcast_in_dim3A_275 : f32 to vector<16xf32>
    %swap3A_277 = arith.constant 5 : i32
    %swap3A_278 = arith.index_cast %swap3A_277 : i32 to index
    %swap3A_279 = arith.constant 80 : index
    %swap3A_280 = tpu.vector_load %arg13[%swap3A_278, %swap3A_279] {strides = array<i32>} : memref<16x128xf32, #tpu.memory_space<vmem>>, vector<16xf32>,
    tpu.vector_store %arg13[%swap3A_278, %swap3A_279], %broadcast_in_dim3A_276 {strides = array<i32>} : memref<16x128xf32, #tpu.memory_space<vmem>>, vector<16xf32>,
    %broadcast_in_dim3A_281 = arith.constant 0.000000e+00 : f32
    %broadcast_in_dim3A_282 = vector.broadcast %broadcast_in_dim3A_281 : f32 to vector<16xf32>
    %swap3A_283 = arith.constant 5 : i32
    %swap3A_284 = arith.index_cast %swap3A_283 : i32 to index
    %swap3A_285 = arith.constant 96 : index
    %swap3A_286 = tpu.vector_load %arg13[%swap3A_284, %swap3A_285] {strides = array<i32>} : memref<16x128xf32, #tpu.memory_space<vmem>>, vector<16xf32>,
    tpu.vector_store %arg13[%swap3A_284, %swap3A_285], %broadcast_in_dim3A_282 {strides = array<i32>} : memref<16x128xf32, #tpu.memory_space<vmem>>, vector<16xf32>,
    %broadcast_in_dim3A_287 = arith.constant 0.000000e+00 : f32
    %broadcast_in_dim3A_288 = vector.broadcast %broadcast_in_dim3A_287 : f32 to vector<16xf32>
    %swap3A_289 = arith.constant 5 : i32
    %swap3A_290 = arith.index_cast %swap3A_289 : i32 to index
    %swap3A_291 = arith.constant 112 : index
    %swap3A_292 = tpu.vector_load %arg13[%swap3A_290, %swap3A_291] {strides = array<i32>} : memref<16x128xf32, #tpu.memory_space<vmem>>, vector<16xf32>,
    tpu.vector_store %arg13[%swap3A_290, %swap3A_291], %broadcast_in_dim3A_288 {strides = array<i32>} : memref<16x128xf32, #tpu.memory_space<vmem>>, vector<16xf32>,
    %broadcast_in_dim3A_293 = arith.constant 0.000000e+00 : f32
    %broadcast_in_dim3A_294 = vector.broadcast %broadcast_in_dim3A_293 : f32 to vector<16xf32>
    %swap3A_295 = arith.constant 6 : i32
    %swap3A_296 = arith.index_cast %swap3A_295 : i32 to index
    %swap3A_297 = arith.constant 0 : index
    %swap3A_298 = tpu.vector_load %arg13[%swap3A_296, %swap3A_297] {strides = array<i32>} : memref<16x128xf32, #tpu.memory_space<vmem>>, vector<16xf32>,
    tpu.vector_store %arg13[%swap3A_296, %swap3A_297], %broadcast_in_dim3A_294 {strides = array<i32>} : memref<16x128xf32, #tpu.memory_space<vmem>>, vector<16xf32>,
    %broadcast_in_dim3A_299 = arith.constant 0.000000e+00 : f32
    %broadcast_in_dim3A_300 = vector.broadcast %broadcast_in_dim3A_299 : f32 to vector<16xf32>
    %swap3A_301 = arith.constant 6 : i32
    %swap3A_302 = arith.index_cast %swap3A_301 : i32 to index
    %swap3A_303 = arith.constant 16 : index
    %swap3A_304 = tpu.vector_load %arg13[%swap3A_302, %swap3A_303] {strides = array<i32>} : memref<16x128xf32, #tpu.memory_space<vmem>>, vector<16xf32>,
    tpu.vector_store %arg13[%swap3A_302, %swap3A_303], %broadcast_in_dim3A_300 {strides = array<i32>} : memref<16x128xf32, #tpu.memory_space<vmem>>, vector<16xf32>,
    %broadcast_in_dim3A_305 = arith.constant 0.000000e+00 : f32
    %broadcast_in_dim3A_306 = vector.broadcast %broadcast_in_dim3A_305 : f32 to vector<16xf32>
    %swap3A_307 = arith.constant 6 : i32
    %swap3A_308 = arith.index_cast %swap3A_307 : i32 to index
    %swap3A_309 = arith.constant 32 : index
    %swap3A_310 = tpu.vector_load %arg13[%swap3A_308, %swap3A_309] {strides = array<i32>} : memref<16x128xf32, #tpu.memory_space<vmem>>, vector<16xf32>,
    tpu.vector_store %arg13[%swap3A_308, %swap3A_309], %broadcast_in_dim3A_306 {strides = array<i32>} : memref<16x128xf32, #tpu.memory_space<vmem>>, vector<16xf32>,
    %broadcast_in_dim3A_311 = arith.constant 0.000000e+00 : f32
    %broadcast_in_dim3A_312 = vector.broadcast %broadcast_in_dim3A_311 : f32 to vector<16xf32>
    %swap3A_313 = arith.constant 6 : i32
    %swap3A_314 = arith.index_cast %swap3A_313 : i32 to index
    %swap3A_315 = arith.constant 48 : index
    %swap3A_316 = tpu.vector_load %arg13[%swap3A_314, %swap3A_315] {strides = array<i32>} : memref<16x128xf32, #tpu.memory_space<vmem>>, vector<16xf32>,
    tpu.vector_store %arg13[%swap3A_314, %swap3A_315], %broadcast_in_dim3A_312 {strides = array<i32>} : memref<16x128xf32, #tpu.memory_space<vmem>>, vector<16xf32>,
    %broadcast_in_dim3A_317 = arith.constant 0.000000e+00 : f32
    %broadcast_in_dim3A_318 = vector.broadcast %broadcast_in_dim3A_317 : f32 to vector<16xf32>
    %swap3A_319 = arith.constant 6 : i32
    %swap3A_320 = arith.index_cast %swap3A_319 : i32 to index
    %swap3A_321 = arith.constant 64 : index
    %swap3A_322 = tpu.vector_load %arg13[%swap3A_320, %swap3A_321] {strides = array<i32>} : memref<16x128xf32, #tpu.memory_space<vmem>>, vector<16xf32>,
    tpu.vector_store %arg13[%swap3A_320, %swap3A_321], %broadcast_in_dim3A_318 {strides = array<i32>} : memref<16x128xf32, #tpu.memory_space<vmem>>, vector<16xf32>,
    %broadcast_in_dim3A_323 = arith.constant 0.000000e+00 : f32
    %broadcast_in_dim3A_324 = vector.broadcast %broadcast_in_dim3A_323 : f32 to vector<16xf32>
    %swap3A_325 = arith.constant 6 : i32
    %swap3A_326 = arith.index_cast %swap3A_325 : i32 to index
    %swap3A_327 = arith.constant 80 : index
    %swap3A_328 = tpu.vector_load %arg13[%swap3A_326, %swap3A_327] {strides = array<i32>} : memref<16x128xf32, #tpu.memory_space<vmem>>, vector<16xf32>,
    tpu.vector_store %arg13[%swap3A_326, %swap3A_327], %broadcast_in_dim3A_324 {strides = array<i32>} : memref<16x128xf32, #tpu.memory_space<vmem>>, vector<16xf32>,
    %broadcast_in_dim3A_329 = arith.constant 0.000000e+00 : f32
    %broadcast_in_dim3A_330 = vector.broadcast %broadcast_in_dim3A_329 : f32 to vector<16xf32>
    %swap3A_331 = arith.constant 6 : i32
    %swap3A_332 = arith.index_cast %swap3A_331 : i32 to index
    %swap3A_333 = arith.constant 96 : index
    %swap3A_334 = tpu.vector_load %arg13[%swap3A_332, %swap3A_333] {strides = array<i32>} : memref<16x128xf32, #tpu.memory_space<vmem>>, vector<16xf32>,
    tpu.vector_store %arg13[%swap3A_332, %swap3A_333], %broadcast_in_dim3A_330 {strides = array<i32>} : memref<16x128xf32, #tpu.memory_space<vmem>>, vector<16xf32>,
    %broadcast_in_dim3A_335 = arith.constant 0.000000e+00 : f32
    %broadcast_in_dim3A_336 = vector.broadcast %broadcast_in_dim3A_335 : f32 to vector<16xf32>
    %swap3A_337 = arith.constant 6 : i32
    %swap3A_338 = arith.index_cast %swap3A_337 : i32 to index
    %swap3A_339 = arith.constant 112 : index
    %swap3A_340 = tpu.vector_load %arg13[%swap3A_338, %swap3A_339] {strides = array<i32>} : memref<16x128xf32, #tpu.memory_space<vmem>>, vector<16xf32>,
    tpu.vector_store %arg13[%swap3A_338, %swap3A_339], %broadcast_in_dim3A_336 {strides = array<i32>} : memref<16x128xf32, #tpu.memory_space<vmem>>, vector<16xf32>,
    %broadcast_in_dim3A_341 = arith.constant 0.000000e+00 : f32
    %broadcast_in_dim3A_342 = vector.broadcast %broadcast_in_dim3A_341 : f32 to vector<16xf32>
    %swap3A_343 = arith.constant 7 : i32
    %swap3A_344 = arith.index_cast %swap3A_343 : i32 to index
    %swap3A_345 = arith.constant 0 : index
    %swap3A_346 = tpu.vector_load %arg13[%swap3A_344, %swap3A_345] {strides = array<i32>} : memref<16x128xf32, #tpu.memory_space<vmem>>, vector<16xf32>,
    tpu.vector_store %arg13[%swap3A_344, %swap3A_345], %broadcast_in_dim3A_342 {strides = array<i32>} : memref<16x128xf32, #tpu.memory_space<vmem>>, vector<16xf32>,
    %broadcast_in_dim3A_347 = arith.constant 0.000000e+00 : f32
    %broadcast_in_dim3A_348 = vector.broadcast %broadcast_in_dim3A_347 : f32 to vector<16xf32>
    %swap3A_349 = arith.constant 7 : i32
    %swap3A_350 = arith.index_cast %swap3A_349 : i32 to index
    %swap3A_351 = arith.constant 16 : index
    %swap3A_352 = tpu.vector_load %arg13[%swap3A_350, %swap3A_351] {strides = array<i32>} : memref<16x128xf32, #tpu.memory_space<vmem>>, vector<16xf32>,
    tpu.vector_store %arg13[%swap3A_350, %swap3A_351], %broadcast_in_dim3A_348 {strides = array<i32>} : memref<16x128xf32, #tpu.memory_space<vmem>>, vector<16xf32>,
    %broadcast_in_dim3A_353 = arith.constant 0.000000e+00 : f32
    %broadcast_in_dim3A_354 = vector.broadcast %broadcast_in_dim3A_353 : f32 to vector<16xf32>
    %swap3A_355 = arith.constant 7 : i32
    %swap3A_356 = arith.index_cast %swap3A_355 : i32 to index
    %swap3A_357 = arith.constant 32 : index
    %swap3A_358 = tpu.vector_load %arg13[%swap3A_356, %swap3A_357] {strides = array<i32>} : memref<16x128xf32, #tpu.memory_space<vmem>>, vector<16xf32>,
    tpu.vector_store %arg13[%swap3A_356, %swap3A_357], %broadcast_in_dim3A_354 {strides = array<i32>} : memref<16x128xf32, #tpu.memory_space<vmem>>, vector<16xf32>,
    %broadcast_in_dim3A_359 = arith.constant 0.000000e+00 : f32
    %broadcast_in_dim3A_360 = vector.broadcast %broadcast_in_dim3A_359 : f32 to vector<16xf32>
    %swap3A_361 = arith.constant 7 : i32
    %swap3A_362 = arith.index_cast %swap3A_361 : i32 to index
    %swap3A_363 = arith.constant 48 : index
    %swap3A_364 = tpu.vector_load %arg13[%swap3A_362, %swap3A_363] {strides = array<i32>} : memref<16x128xf32, #tpu.memory_space<vmem>>, vector<16xf32>,
    tpu.vector_store %arg13[%swap3A_362, %swap3A_363], %broadcast_in_dim3A_360 {strides = array<i32>} : memref<16x128xf32, #tpu.memory_space<vmem>>, vector<16xf32>,
    %broadcast_in_dim3A_365 = arith.constant 0.000000e+00 : f32
    %broadcast_in_dim3A_366 = vector.broadcast %broadcast_in_dim3A_365 : f32 to vector<16xf32>
    %swap3A_367 = arith.constant 7 : i32
    %swap3A_368 = arith.index_cast %swap3A_367 : i32 to index
    %swap3A_369 = arith.constant 64 : index
    %swap3A_370 = tpu.vector_load %arg13[%swap3A_368, %swap3A_369] {strides = array<i32>} : memref<16x128xf32, #tpu.memory_space<vmem>>, vector<16xf32>,
    tpu.vector_store %arg13[%swap3A_368, %swap3A_369], %broadcast_in_dim3A_366 {strides = array<i32>} : memref<16x128xf32, #tpu.memory_space<vmem>>, vector<16xf32>,
    %broadcast_in_dim3A_371 = arith.constant 0.000000e+00 : f32
    %broadcast_in_dim3A_372 = vector.broadcast %broadcast_in_dim3A_371 : f32 to vector<16xf32>
    %swap3A_373 = arith.constant 7 : i32
    %swap3A_374 = arith.index_cast %swap3A_373 : i32 to index
    %swap3A_375 = arith.constant 80 : index
    %swap3A_376 = tpu.vector_load %arg13[%swap3A_374, %swap3A_375] {strides = array<i32>} : memref<16x128xf32, #tpu.memory_space<vmem>>, vector<16xf32>,
    tpu.vector_store %arg13[%swap3A_374, %swap3A_375], %broadcast_in_dim3A_372 {strides = array<i32>} : memref<16x128xf32, #tpu.memory_space<vmem>>, vector<16xf32>,
    %broadcast_in_dim3A_377 = arith.constant 0.000000e+00 : f32
    %broadcast_in_dim3A_378 = vector.broadcast %broadcast_in_dim3A_377 : f32 to vector<16xf32>
    %swap3A_379 = arith.constant 7 : i32
    %swap3A_380 = arith.index_cast %swap3A_379 : i32 to index
    %swap3A_381 = arith.constant 96 : index
    %swap3A_382 = tpu.vector_load %arg13[%swap3A_380, %swap3A_381] {strides = array<i32>} : memref<16x128xf32, #tpu.memory_space<vmem>>, vector<16xf32>,
    tpu.vector_store %arg13[%swap3A_380, %swap3A_381], %broadcast_in_dim3A_378 {strides = array<i32>} : memref<16x128xf32, #tpu.memory_space<vmem>>, vector<16xf32>,
    %broadcast_in_dim3A_383 = arith.constant 0.000000e+00 : f32
    %broadcast_in_dim3A_384 = vector.broadcast %broadcast_in_dim3A_383 : f32 to vector<16xf32>
    %swap3A_385 = arith.constant 7 : i32
    %swap3A_386 = arith.index_cast %swap3A_385 : i32 to index
    %swap3A_387 = arith.constant 112 : index
    %swap3A_388 = tpu.vector_load %arg13[%swap3A_386, %swap3A_387] {strides = array<i32>} : memref<16x128xf32, #tpu.memory_space<vmem>>, vector<16xf32>,
    tpu.vector_store %arg13[%swap3A_386, %swap3A_387], %broadcast_in_dim3A_384 {strides = array<i32>} : memref<16x128xf32, #tpu.memory_space<vmem>>, vector<16xf32>,
    %broadcast_in_dim3A_389 = arith.constant 0.000000e+00 : f32
    %broadcast_in_dim3A_390 = vector.broadcast %broadcast_in_dim3A_389 : f32 to vector<16xf32>
    %swap3A_391 = arith.constant 8 : i32
    %swap3A_392 = arith.index_cast %swap3A_391 : i32 to index
    %swap3A_393 = arith.constant 0 : index
    %swap3A_394 = tpu.vector_load %arg13[%swap3A_392, %swap3A_393] {strides = array<i32>} : memref<16x128xf32, #tpu.memory_space<vmem>>, vector<16xf32>,
    tpu.vector_store %arg13[%swap3A_392, %swap3A_393], %broadcast_in_dim3A_390 {strides = array<i32>} : memref<16x128xf32, #tpu.memory_space<vmem>>, vector<16xf32>,
    %broadcast_in_dim3A_395 = arith.constant 0.000000e+00 : f32
    %broadcast_in_dim3A_396 = vector.broadcast %broadcast_in_dim3A_395 : f32 to vector<16xf32>
    %swap3A_397 = arith.constant 8 : i32
    %swap3A_398 = arith.index_cast %swap3A_397 : i32 to index
    %swap3A_399 = arith.constant 16 : index
    %swap3A_400 = tpu.vector_load %arg13[%swap3A_398, %swap3A_399] {strides = array<i32>} : memref<16x128xf32, #tpu.memory_space<vmem>>, vector<16xf32>,
    tpu.vector_store %arg13[%swap3A_398, %swap3A_399], %broadcast_in_dim3A_396 {strides = array<i32>} : memref<16x128xf32, #tpu.memory_space<vmem>>, vector<16xf32>,
    %broadcast_in_dim3A_401 = arith.constant 0.000000e+00 : f32
    %broadcast_in_dim3A_402 = vector.broadcast %broadcast_in_dim3A_401 : f32 to vector<16xf32>
    %swap3A_403 = arith.constant 8 : i32
    %swap3A_404 = arith.index_cast %swap3A_403 : i32 to index
    %swap3A_405 = arith.constant 32 : index
    %swap3A_406 = tpu.vector_load %arg13[%swap3A_404, %swap3A_405] {strides = array<i32>} : memref<16x128xf32, #tpu.memory_space<vmem>>, vector<16xf32>,
    tpu.vector_store %arg13[%swap3A_404, %swap3A_405], %broadcast_in_dim3A_402 {strides = array<i32>} : memref<16x128xf32, #tpu.memory_space<vmem>>, vector<16xf32>,
    %broadcast_in_dim3A_407 = arith.constant 0.000000e+00 : f32
    %broadcast_in_dim3A_408 = vector.broadcast %broadcast_in_dim3A_407 : f32 to vector<16xf32>
    %swap3A_409 = arith.constant 8 : i32
    %swap3A_410 = arith.index_cast %swap3A_409 : i32 to index
    %swap3A_411 = arith.constant 48 : index
    %swap3A_412 = tpu.vector_load %arg13[%swap3A_410, %swap3A_411] {strides = array<i32>} : memref<16x128xf32, #tpu.memory_space<vmem>>, vector<16xf32>,
    tpu.vector_store %arg13[%swap3A_410, %swap3A_411], %broadcast_in_dim3A_408 {strides = array<i32>} : memref<16x128xf32, #tpu.memory_space<vmem>>, vector<16xf32>,
    %broadcast_in_dim3A_413 = arith.constant 0.000000e+00 : f32
    %broadcast_in_dim3A_414 = vector.broadcast %broadcast_in_dim3A_413 : f32 to vector<16xf32>
    %swap3A_415 = arith.constant 8 : i32
    %swap3A_416 = arith.index_cast %swap3A_415 : i32 to index
    %swap3A_417 = arith.constant 64 : index
    %swap3A_418 = tpu.vector_load %arg13[%swap3A_416, %swap3A_417] {strides = array<i32>} : memref<16x128xf32, #tpu.memory_space<vmem>>, vector<16xf32>,
    tpu.vector_store %arg13[%swap3A_416, %swap3A_417], %broadcast_in_dim3A_414 {strides = array<i32>} : memref<16x128xf32, #tpu.memory_space<vmem>>, vector<16xf32>,
    %broadcast_in_dim3A_419 = arith.constant 0.000000e+00 : f32
    %broadcast_in_dim3A_420 = vector.broadcast %broadcast_in_dim3A_419 : f32 to vector<16xf32>
    %swap3A_421 = arith.constant 8 : i32
    %swap3A_422 = arith.index_cast %swap3A_421 : i32 to index
    %swap3A_423 = arith.constant 80 : index
    %swap3A_424 = tpu.vector_load %arg13[%swap3A_422, %swap3A_423] {strides = array<i32>} : memref<16x128xf32, #tpu.memory_space<vmem>>, vector<16xf32>,
    tpu.vector_store %arg13[%swap3A_422, %swap3A_423], %broadcast_in_dim3A_420 {strides = array<i32>} : memref<16x128xf32, #tpu.memory_space<vmem>>, vector<16xf32>,
    %broadcast_in_dim3A_425 = arith.constant 0.000000e+00 : f32
    %broadcast_in_dim3A_426 = vector.broadcast %broadcast_in_dim3A_425 : f32 to vector<16xf32>
    %swap3A_427 = arith.constant 8 : i32
    %swap3A_428 = arith.index_cast %swap3A_427 : i32 to index
    %swap3A_429 = arith.constant 96 : index
    %swap3A_430 = tpu.vector_load %arg13[%swap3A_428, %swap3A_429] {strides = array<i32>} : memref<16x128xf32, #tpu.memory_space<vmem>>, vector<16xf32>,
    tpu.vector_store %arg13[%swap3A_428, %swap3A_429], %broadcast_in_dim3A_426 {strides = array<i32>} : memref<16x128xf32, #tpu.memory_space<vmem>>, vector<16xf32>,
    %broadcast_in_dim3A_431 = arith.constant 0.000000e+00 : f32
    %broadcast_in_dim3A_432 = vector.broadcast %broadcast_in_dim3A_431 : f32 to vector<16xf32>
    %swap3A_433 = arith.constant 8 : i32
    %swap3A_434 = arith.index_cast %swap3A_433 : i32 to index
    %swap3A_435 = arith.constant 112 : index
    %swap3A_436 = tpu.vector_load %arg13[%swap3A_434, %swap3A_435] {strides = array<i32>} : memref<16x128xf32, #tpu.memory_space<vmem>>, vector<16xf32>,
    tpu.vector_store %arg13[%swap3A_434, %swap3A_435], %broadcast_in_dim3A_432 {strides = array<i32>} : memref<16x128xf32, #tpu.memory_space<vmem>>, vector<16xf32>,
    %broadcast_in_dim3A_437 = arith.constant 0.000000e+00 : f32
    %broadcast_in_dim3A_438 = vector.broadcast %broadcast_in_dim3A_437 : f32 to vector<16xf32>
    %swap3A_439 = arith.constant 9 : i32
    %swap3A_440 = arith.index_cast %swap3A_439 : i32 to index
    %swap3A_441 = arith.constant 0 : index
    %swap3A_442 = tpu.vector_load %arg13[%swap3A_440, %swap3A_441] {strides = array<i32>} : memref<16x128xf32, #tpu.memory_space<vmem>>, vector<16xf32>,
    tpu.vector_store %arg13[%swap3A_440, %swap3A_441], %broadcast_in_dim3A_438 {strides = array<i32>} : memref<16x128xf32, #tpu.memory_space<vmem>>, vector<16xf32>,
    %broadcast_in_dim3A_443 = arith.constant 0.000000e+00 : f32
    %broadcast_in_dim3A_444 = vector.broadcast %broadcast_in_dim3A_443 : f32 to vector<16xf32>
    %swap3A_445 = arith.constant 9 : i32
    %swap3A_446 = arith.index_cast %swap3A_445 : i32 to index
    %swap3A_447 = arith.constant 16 : index
    %swap3A_448 = tpu.vector_load %arg13[%swap3A_446, %swap3A_447] {strides = array<i32>} : memref<16x128xf32, #tpu.memory_space<vmem>>, vector<16xf32>,
    tpu.vector_store %arg13[%swap3A_446, %swap3A_447], %broadcast_in_dim3A_444 {strides = array<i32>} : memref<16x128xf32, #tpu.memory_space<vmem>>, vector<16xf32>,
    %broadcast_in_dim3A_449 = arith.constant 0.000000e+00 : f32
    %broadcast_in_dim3A_450 = vector.broadcast %broadcast_in_dim3A_449 : f32 to vector<16xf32>
    %swap3A_451 = arith.constant 9 : i32
    %swap3A_452 = arith.index_cast %swap3A_451 : i32 to index
    %swap3A_453 = arith.constant 32 : index
    %swap3A_454 = tpu.vector_load %arg13[%swap3A_452, %swap3A_453] {strides = array<i32>} : memref<16x128xf32, #tpu.memory_space<vmem>>, vector<16xf32>,
    tpu.vector_store %arg13[%swap3A_452, %swap3A_453], %broadcast_in_dim3A_450 {strides = array<i32>} : memref<16x128xf32, #tpu.memory_space<vmem>>, vector<16xf32>,
    %broadcast_in_dim3A_455 = arith.constant 0.000000e+00 : f32
    %broadcast_in_dim3A_456 = vector.broadcast %broadcast_in_dim3A_455 : f32 to vector<16xf32>
    %swap3A_457 = arith.constant 9 : i32
    %swap3A_458 = arith.index_cast %swap3A_457 : i32 to index
    %swap3A_459 = arith.constant 48 : index
    %swap3A_460 = tpu.vector_load %arg13[%swap3A_458, %swap3A_459] {strides = array<i32>} : memref<16x128xf32, #tpu.memory_space<vmem>>, vector<16xf32>,
    tpu.vector_store %arg13[%swap3A_458, %swap3A_459], %broadcast_in_dim3A_456 {strides = array<i32>} : memref<16x128xf32, #tpu.memory_space<vmem>>, vector<16xf32>,
    %broadcast_in_dim3A_461 = arith.constant 0.000000e+00 : f32
    %broadcast_in_dim3A_462 = vector.broadcast %broadcast_in_dim3A_461 : f32 to vector<16xf32>
    %swap3A_463 = arith.constant 9 : i32
    %swap3A_464 = arith.index_cast %swap3A_463 : i32 to index
    %swap3A_465 = arith.constant 64 : index
    %swap3A_466 = tpu.vector_load %arg13[%swap3A_464, %swap3A_465] {strides = array<i32>} : memref<16x128xf32, #tpu.memory_space<vmem>>, vector<16xf32>,
    tpu.vector_store %arg13[%swap3A_464, %swap3A_465], %broadcast_in_dim3A_462 {strides = array<i32>} : memref<16x128xf32, #tpu.memory_space<vmem>>, vector<16xf32>,
    %broadcast_in_dim3A_467 = arith.constant 0.000000e+00 : f32
    %broadcast_in_dim3A_468 = vector.broadcast %broadcast_in_dim3A_467 : f32 to vector<16xf32>
    %swap3A_469 = arith.constant 9 : i32
    %swap3A_470 = arith.index_cast %swap3A_469 : i32 to index
    %swap3A_471 = arith.constant 80 : index
    %swap3A_472 = tpu.vector_load %arg13[%swap3A_470, %swap3A_471] {strides = array<i32>} : memref<16x128xf32, #tpu.memory_space<vmem>>, vector<16xf32>,
    tpu.vector_store %arg13[%swap3A_470, %swap3A_471], %broadcast_in_dim3A_468 {strides = array<i32>} : memref<16x128xf32, #tpu.memory_space<vmem>>, vector<16xf32>,
    %broadcast_in_dim3A_473 = arith.constant 0.000000e+00 : f32
    %broadcast_in_dim3A_474 = vector.broadcast %broadcast_in_dim3A_473 : f32 to vector<16xf32>
    %swap3A_475 = arith.constant 9 : i32
    %swap3A_476 = arith.index_cast %swap3A_475 : i32 to index
    %swap3A_477 = arith.constant 96 : index
    %swap3A_478 = tpu.vector_load %arg13[%swap3A_476, %swap3A_477] {strides = array<i32>} : memref<16x128xf32, #tpu.memory_space<vmem>>, vector<16xf32>,
    tpu.vector_store %arg13[%swap3A_476, %swap3A_477], %broadcast_in_dim3A_474 {strides = array<i32>} : memref<16x128xf32, #tpu.memory_space<vmem>>, vector<16xf32>,
    %broadcast_in_dim3A_479 = arith.constant 0.000000e+00 : f32
    %broadcast_in_dim3A_480 = vector.broadcast %broadcast_in_dim3A_479 : f32 to vector<16xf32>
    %swap3A_481 = arith.constant 9 : i32
    %swap3A_482 = arith.index_cast %swap3A_481 : i32 to index
    %swap3A_483 = arith.constant 112 : index
    %swap3A_484 = tpu.vector_load %arg13[%swap3A_482, %swap3A_483] {strides = array<i32>} : memref<16x128xf32, #tpu.memory_space<vmem>>, vector<16xf32>,
    tpu.vector_store %arg13[%swap3A_482, %swap3A_483], %broadcast_in_dim3A_480 {strides = array<i32>} : memref<16x128xf32, #tpu.memory_space<vmem>>, vector<16xf32>,
    %broadcast_in_dim3A_485 = arith.constant 0.000000e+00 : f32
    %broadcast_in_dim3A_486 = vector.broadcast %broadcast_in_dim3A_485 : f32 to vector<16xf32>
    %swap3A_487 = arith.constant 10 : i32
    %swap3A_488 = arith.index_cast %swap3A_487 : i32 to index
    %swap3A_489 = arith.constant 0 : index
    %swap3A_490 = tpu.vector_load %arg13[%swap3A_488, %swap3A_489] {strides = array<i32>} : memref<16x128xf32, #tpu.memory_space<vmem>>, vector<16xf32>,
    tpu.vector_store %arg13[%swap3A_488, %swap3A_489], %broadcast_in_dim3A_486 {strides = array<i32>} : memref<16x128xf32, #tpu.memory_space<vmem>>, vector<16xf32>,
    %broadcast_in_dim3A_491 = arith.constant 0.000000e+00 : f32
    %broadcast_in_dim3A_492 = vector.broadcast %broadcast_in_dim3A_491 : f32 to vector<16xf32>
    %swap3A_493 = arith.constant 10 : i32
    %swap3A_494 = arith.index_cast %swap3A_493 : i32 to index
    %swap3A_495 = arith.constant 16 : index
    %swap3A_496 = tpu.vector_load %arg13[%swap3A_494, %swap3A_495] {strides = array<i32>} : memref<16x128xf32, #tpu.memory_space<vmem>>, vector<16xf32>,
    tpu.vector_store %arg13[%swap3A_494, %swap3A_495], %broadcast_in_dim3A_492 {strides = array<i32>} : memref<16x128xf32, #tpu.memory_space<vmem>>, vector<16xf32>,
    %broadcast_in_dim3A_497 = arith.constant 0.000000e+00 : f32
    %broadcast_in_dim3A_498 = vector.broadcast %broadcast_in_dim3A_497 : f32 to vector<16xf32>
    %swap3A_499 = arith.constant 10 : i32
    %swap3A_500 = arith.index_cast %swap3A_499 : i32 to index
    %swap3A_501 = arith.constant 32 : index
    %swap3A_502 = tpu.vector_load %arg13[%swap3A_500, %swap3A_501] {strides = array<i32>} : memref<16x128xf32, #tpu.memory_space<vmem>>, vector<16xf32>,
    tpu.vector_store %arg13[%swap3A_500, %swap3A_501], %broadcast_in_dim3A_498 {strides = array<i32>} : memref<16x128xf32, #tpu.memory_space<vmem>>, vector<16xf32>,
    %broadcast_in_dim3A_503 = arith.constant 0.000000e+00 : f32
    %broadcast_in_dim3A_504 = vector.broadcast %broadcast_in_dim3A_503 : f32 to vector<16xf32>
    %swap3A_505 = arith.constant 10 : i32
    %swap3A_506 = arith.index_cast %swap3A_505 : i32 to index
    %swap3A_507 = arith.constant 48 : index
    %swap3A_508 = tpu.vector_load %arg13[%swap3A_506, %swap3A_507] {strides = array<i32>} : memref<16x128xf32, #tpu.memory_space<vmem>>, vector<16xf32>,
    tpu.vector_store %arg13[%swap3A_506, %swap3A_507], %broadcast_in_dim3A_504 {strides = array<i32>} : memref<16x128xf32, #tpu.memory_space<vmem>>, vector<16xf32>,
    %broadcast_in_dim3A_509 = arith.constant 0.000000e+00 : f32
    %broadcast_in_dim3A_510 = vector.broadcast %broadcast_in_dim3A_509 : f32 to vector<16xf32>
    %swap3A_511 = arith.constant 10 : i32
    %swap3A_512 = arith.index_cast %swap3A_511 : i32 to index
    %swap3A_513 = arith.constant 64 : index
    %swap3A_514 = tpu.vector_load %arg13[%swap3A_512, %swap3A_513] {strides = array<i32>} : memref<16x128xf32, #tpu.memory_space<vmem>>, vector<16xf32>,
    tpu.vector_store %arg13[%swap3A_512, %swap3A_513], %broadcast_in_dim3A_510 {strides = array<i32>} : memref<16x128xf32, #tpu.memory_space<vmem>>, vector<16xf32>,
    %broadcast_in_dim3A_515 = arith.constant 0.000000e+00 : f32
    %broadcast_in_dim3A_516 = vector.broadcast %broadcast_in_dim3A_515 : f32 to vector<16xf32>
    %swap3A_517 = arith.constant 10 : i32
    %swap3A_518 = arith.index_cast %swap3A_517 : i32 to index
    %swap3A_519 = arith.constant 80 : index
    %swap3A_520 = tpu.vector_load %arg13[%swap3A_518, %swap3A_519] {strides = array<i32>} : memref<16x128xf32, #tpu.memory_space<vmem>>, vector<16xf32>,
    tpu.vector_store %arg13[%swap3A_518, %swap3A_519], %broadcast_in_dim3A_516 {strides = array<i32>} : memref<16x128xf32, #tpu.memory_space<vmem>>, vector<16xf32>,
    %broadcast_in_dim3A_521 = arith.constant 0.000000e+00 : f32
    %broadcast_in_dim3A_522 = vector.broadcast %broadcast_in_dim3A_521 : f32 to vector<16xf32>
    %swap3A_523 = arith.constant 10 : i32
    %swap3A_524 = arith.index_cast %swap3A_523 : i32 to index
    %swap3A_525 = arith.constant 96 : index
    %swap3A_526 = tpu.vector_load %arg13[%swap3A_524, %swap3A_525] {strides = array<i32>} : memref<16x128xf32, #tpu.memory_space<vmem>>, vector<16xf32>,
    tpu.vector_store %arg13[%swap3A_524, %swap3A_525], %broadcast_in_dim3A_522 {strides = array<i32>} : memref<16x128xf32, #tpu.memory_space<vmem>>, vector<16xf32>,
    %broadcast_in_dim3A_527 = arith.constant 0.000000e+00 : f32
    %broadcast_in_dim3A_528 = vector.broadcast %broadcast_in_dim3A_527 : f32 to vector<16xf32>
    %swap3A_529 = arith.constant 10 : i32
    %swap3A_530 = arith.index_cast %swap3A_529 : i32 to index
    %swap3A_531 = arith.constant 112 : index
    %swap3A_532 = tpu.vector_load %arg13[%swap3A_530, %swap3A_531] {strides = array<i32>} : memref<16x128xf32, #tpu.memory_space<vmem>>, vector<16xf32>,
    tpu.vector_store %arg13[%swap3A_530, %swap3A_531], %broadcast_in_dim3A_528 {strides = array<i32>} : memref<16x128xf32, #tpu.memory_space<vmem>>, vector<16xf32>,
    %broadcast_in_dim3A_533 = arith.constant 0.000000e+00 : f32
    %broadcast_in_dim3A_534 = vector.broadcast %broadcast_in_dim3A_533 : f32 to vector<16xf32>
    %swap3A_535 = arith.constant 11 : i32
    %swap3A_536 = arith.index_cast %swap3A_535 : i32 to index
    %swap3A_537 = arith.constant 0 : index
    %swap3A_538 = tpu.vector_load %arg13[%swap3A_536, %swap3A_537] {strides = array<i32>} : memref<16x128xf32, #tpu.memory_space<vmem>>, vector<16xf32>,
    tpu.vector_store %arg13[%swap3A_536, %swap3A_537], %broadcast_in_dim3A_534 {strides = array<i32>} : memref<16x128xf32, #tpu.memory_space<vmem>>, vector<16xf32>,
    %broadcast_in_dim3A_539 = arith.constant 0.000000e+00 : f32
    %broadcast_in_dim3A_540 = vector.broadcast %broadcast_in_dim3A_539 : f32 to vector<16xf32>
    %swap3A_541 = arith.constant 11 : i32
    %swap3A_542 = arith.index_cast %swap3A_541 : i32 to index
    %swap3A_543 = arith.constant 16 : index
    %swap3A_544 = tpu.vector_load %arg13[%swap3A_542, %swap3A_543] {strides = array<i32>} : memref<16x128xf32, #tpu.memory_space<vmem>>, vector<16xf32>,
    tpu.vector_store %arg13[%swap3A_542, %swap3A_543], %broadcast_in_dim3A_540 {strides = array<i32>} : memref<16x128xf32, #tpu.memory_space<vmem>>, vector<16xf32>,
    %broadcast_in_dim3A_545 = arith.constant 0.000000e+00 : f32
    %broadcast_in_dim3A_546 = vector.broadcast %broadcast_in_dim3A_545 : f32 to vector<16xf32>
    %swap3A_547 = arith.constant 11 : i32
    %swap3A_548 = arith.index_cast %swap3A_547 : i32 to index
    %swap3A_549 = arith.constant 32 : index
    %swap3A_550 = tpu.vector_load %arg13[%swap3A_548, %swap3A_549] {strides = array<i32>} : memref<16x128xf32, #tpu.memory_space<vmem>>, vector<16xf32>,
    tpu.vector_store %arg13[%swap3A_548, %swap3A_549], %broadcast_in_dim3A_546 {strides = array<i32>} : memref<16x128xf32, #tpu.memory_space<vmem>>, vector<16xf32>,
    %broadcast_in_dim3A_551 = arith.constant 0.000000e+00 : f32
    %broadcast_in_dim3A_552 = vector.broadcast %broadcast_in_dim3A_551 : f32 to vector<16xf32>
    %swap3A_553 = arith.constant 11 : i32
    %swap3A_554 = arith.index_cast %swap3A_553 : i32 to index
    %swap3A_555 = arith.constant 48 : index
    %swap3A_556 = tpu.vector_load %arg13[%swap3A_554, %swap3A_555] {strides = array<i32>} : memref<16x128xf32, #tpu.memory_space<vmem>>, vector<16xf32>,
    tpu.vector_store %arg13[%swap3A_554, %swap3A_555], %broadcast_in_dim3A_552 {strides = array<i32>} : memref<16x128xf32, #tpu.memory_space<vmem>>, vector<16xf32>,
    %broadcast_in_dim3A_557 = arith.constant 0.000000e+00 : f32
    %broadcast_in_dim3A_558 = vector.broadcast %broadcast_in_dim3A_557 : f32 to vector<16xf32>
    %swap3A_559 = arith.constant 11 : i32
    %swap3A_560 = arith.index_cast %swap3A_559 : i32 to index
    %swap3A_561 = arith.constant 64 : index
    %swap3A_562 = tpu.vector_load %arg13[%swap3A_560, %swap3A_561] {strides = array<i32>} : memref<16x128xf32, #tpu.memory_space<vmem>>, vector<16xf32>,
    tpu.vector_store %arg13[%swap3A_560, %swap3A_561], %broadcast_in_dim3A_558 {strides = array<i32>} : memref<16x128xf32, #tpu.memory_space<vmem>>, vector<16xf32>,
    %broadcast_in_dim3A_563 = arith.constant 0.000000e+00 : f32
    %broadcast_in_dim3A_564 = vector.broadcast %broadcast_in_dim3A_563 : f32 to vector<16xf32>
    %swap3A_565 = arith.constant 11 : i32
    %swap3A_566 = arith.index_cast %swap3A_565 : i32 to index
    %swap3A_567 = arith.constant 80 : index
    %swap3A_568 = tpu.vector_load %arg13[%swap3A_566, %swap3A_567] {strides = array<i32>} : memref<16x128xf32, #tpu.memory_space<vmem>>, vector<16xf32>,
    tpu.vector_store %arg13[%swap3A_566, %swap3A_567], %broadcast_in_dim3A_564 {strides = array<i32>} : memref<16x128xf32, #tpu.memory_space<vmem>>, vector<16xf32>,
    %broadcast_in_dim3A_569 = arith.constant 0.000000e+00 : f32
    %broadcast_in_dim3A_570 = vector.broadcast %broadcast_in_dim3A_569 : f32 to vector<16xf32>
    %swap3A_571 = arith.constant 11 : i32
    %swap3A_572 = arith.index_cast %swap3A_571 : i32 to index
    %swap3A_573 = arith.constant 96 : index
    %swap3A_574 = tpu.vector_load %arg13[%swap3A_572, %swap3A_573] {strides = array<i32>} : memref<16x128xf32, #tpu.memory_space<vmem>>, vector<16xf32>,
    tpu.vector_store %arg13[%swap3A_572, %swap3A_573], %broadcast_in_dim3A_570 {strides = array<i32>} : memref<16x128xf32, #tpu.memory_space<vmem>>, vector<16xf32>,
    %broadcast_in_dim3A_575 = arith.constant 0.000000e+00 : f32
    %broadcast_in_dim3A_576 = vector.broadcast %broadcast_in_dim3A_575 : f32 to vector<16xf32>
    %swap3A_577 = arith.constant 11 : i32
    %swap3A_578 = arith.index_cast %swap3A_577 : i32 to index
    %swap3A_579 = arith.constant 112 : index
    %swap3A_580 = tpu.vector_load %arg13[%swap3A_578, %swap3A_579] {strides = array<i32>} : memref<16x128xf32, #tpu.memory_space<vmem>>, vector<16xf32>,
    tpu.vector_store %arg13[%swap3A_578, %swap3A_579], %broadcast_in_dim3A_576 {strides = array<i32>} : memref<16x128xf32, #tpu.memory_space<vmem>>, vector<16xf32>,
    %broadcast_in_dim3A_581 = arith.constant 0.000000e+00 : f32
    %broadcast_in_dim3A_582 = vector.broadcast %broadcast_in_dim3A_581 : f32 to vector<16xf32>
    %swap3A_583 = arith.constant 12 : i32
    %swap3A_584 = arith.index_cast %swap3A_583 : i32 to index
    %swap3A_585 = arith.constant 0 : index
    %swap3A_586 = tpu.vector_load %arg13[%swap3A_584, %swap3A_585] {strides = array<i32>} : memref<16x128xf32, #tpu.memory_space<vmem>>, vector<16xf32>,
    tpu.vector_store %arg13[%swap3A_584, %swap3A_585], %broadcast_in_dim3A_582 {strides = array<i32>} : memref<16x128xf32, #tpu.memory_space<vmem>>, vector<16xf32>,
    %broadcast_in_dim3A_587 = arith.constant 0.000000e+00 : f32
    %broadcast_in_dim3A_588 = vector.broadcast %broadcast_in_dim3A_587 : f32 to vector<16xf32>
    %swap3A_589 = arith.constant 12 : i32
    %swap3A_590 = arith.index_cast %swap3A_589 : i32 to index
    %swap3A_591 = arith.constant 16 : index
    %swap3A_592 = tpu.vector_load %arg13[%swap3A_590, %swap3A_591] {strides = array<i32>} : memref<16x128xf32, #tpu.memory_space<vmem>>, vector<16xf32>,
    tpu.vector_store %arg13[%swap3A_590, %swap3A_591], %broadcast_in_dim3A_588 {strides = array<i32>} : memref<16x128xf32, #tpu.memory_space<vmem>>, vector<16xf32>,
    %broadcast_in_dim3A_593 = arith.constant 0.000000e+00 : f32
    %broadcast_in_dim3A_594 = vector.broadcast %broadcast_in_dim3A_593 : f32 to vector<16xf32>
    %swap3A_595 = arith.constant 12 : i32
    %swap3A_596 = arith.index_cast %swap3A_595 : i32 to index
    %swap3A_597 = arith.constant 32 : index
    %swap3A_598 = tpu.vector_load %arg13[%swap3A_596, %swap3A_597] {strides = array<i32>} : memref<16x128xf32, #tpu.memory_space<vmem>>, vector<16xf32>,
    tpu.vector_store %arg13[%swap3A_596, %swap3A_597], %broadcast_in_dim3A_594 {strides = array<i32>} : memref<16x128xf32, #tpu.memory_space<vmem>>, vector<16xf32>,
    %broadcast_in_dim3A_599 = arith.constant 0.000000e+00 : f32
    %broadcast_in_dim3A_600 = vector.broadcast %broadcast_in_dim3A_599 : f32 to vector<16xf32>
    %swap3A_601 = arith.constant 12 : i32
    %swap3A_602 = arith.index_cast %swap3A_601 : i32 to index
    %swap3A_603 = arith.constant 48 : index
    %swap3A_604 = tpu.vector_load %arg13[%swap3A_602, %swap3A_603] {strides = array<i32>} : memref<16x128xf32, #tpu.memory_space<vmem>>, vector<16xf32>,
    tpu.vector_store %arg13[%swap3A_602, %swap3A_603], %broadcast_in_dim3A_600 {strides = array<i32>} : memref<16x128xf32, #tpu.memory_space<vmem>>, vector<16xf32>,
    %broadcast_in_dim3A_605 = arith.constant 0.000000e+00 : f32
    %broadcast_in_dim3A_606 = vector.broadcast %broadcast_in_dim3A_605 : f32 to vector<16xf32>
    %swap3A_607 = arith.constant 12 : i32
    %swap3A_608 = arith.index_cast %swap3A_607 : i32 to index
    %swap3A_609 = arith.constant 64 : index
    %swap3A_610 = tpu.vector_load %arg13[%swap3A_608, %swap3A_609] {strides = array<i32>} : memref<16x128xf32, #tpu.memory_space<vmem>>, vector<16xf32>,
    tpu.vector_store %arg13[%swap3A_608, %swap3A_609], %broadcast_in_dim3A_606 {strides = array<i32>} : memref<16x128xf32, #tpu.memory_space<vmem>>, vector<16xf32>,
    %broadcast_in_dim3A_611 = arith.constant 0.000000e+00 : f32
    %broadcast_in_dim3A_612 = vector.broadcast %broadcast_in_dim3A_611 : f32 to vector<16xf32>
    %swap3A_613 = arith.constant 12 : i32
    %swap3A_614 = arith.index_cast %swap3A_613 : i32 to index
    %swap3A_615 = arith.constant 80 : index
    %swap3A_616 = tpu.vector_load %arg13[%swap3A_614, %swap3A_615] {strides = array<i32>} : memref<16x128xf32, #tpu.memory_space<vmem>>, vector<16xf32>,
    tpu.vector_store %arg13[%swap3A_614, %swap3A_615], %broadcast_in_dim3A_612 {strides = array<i32>} : memref<16x128xf32, #tpu.memory_space<vmem>>, vector<16xf32>,
    %broadcast_in_dim3A_617 = arith.constant 0.000000e+00 : f32
    %broadcast_in_dim3A_618 = vector.broadcast %broadcast_in_dim3A_617 : f32 to vector<16xf32>
    %swap3A_619 = arith.constant 12 : i32
    %swap3A_620 = arith.index_cast %swap3A_619 : i32 to index
    %swap3A_621 = arith.constant 96 : index
    %swap3A_622 = tpu.vector_load %arg13[%swap3A_620, %swap3A_621] {strides = array<i32>} : memref<16x128xf32, #tpu.memory_space<vmem>>, vector<16xf32>,
    tpu.vector_store %arg13[%swap3A_620, %swap3A_621], %broadcast_in_dim3A_618 {strides = array<i32>} : memref<16x128xf32, #tpu.memory_space<vmem>>, vector<16xf32>,
    %broadcast_in_dim3A_623 = arith.constant 0.000000e+00 : f32
    %broadcast_in_dim3A_624 = vector.broadcast %broadcast_in_dim3A_623 : f32 to vector<16xf32>
    %swap3A_625 = arith.constant 12 : i32
    %swap3A_626 = arith.index_cast %swap3A_625 : i32 to index
    %swap3A_627 = arith.constant 112 : index
    %swap3A_628 = tpu.vector_load %arg13[%swap3A_626, %swap3A_627] {strides = array<i32>} : memref<16x128xf32, #tpu.memory_space<vmem>>, vector<16xf32>,
    tpu.vector_store %arg13[%swap3A_626, %swap3A_627], %broadcast_in_dim3A_624 {strides = array<i32>} : memref<16x128xf32, #tpu.memory_space<vmem>>, vector<16xf32>,
    %broadcast_in_dim3A_629 = arith.constant 0.000000e+00 : f32
    %broadcast_in_dim3A_630 = vector.broadcast %broadcast_in_dim3A_629 : f32 to vector<16xf32>
    %swap3A_631 = arith.constant 13 : i32
    %swap3A_632 = arith.index_cast %swap3A_631 : i32 to index
    %swap3A_633 = arith.constant 0 : index
    %swap3A_634 = tpu.vector_load %arg13[%swap3A_632, %swap3A_633] {strides = array<i32>} : memref<16x128xf32, #tpu.memory_space<vmem>>, vector<16xf32>,
    tpu.vector_store %arg13[%swap3A_632, %swap3A_633], %broadcast_in_dim3A_630 {strides = array<i32>} : memref<16x128xf32, #tpu.memory_space<vmem>>, vector<16xf32>,
    %broadcast_in_dim3A_635 = arith.constant 0.000000e+00 : f32
    %broadcast_in_dim3A_636 = vector.broadcast %broadcast_in_dim3A_635 : f32 to vector<16xf32>
    %swap3A_637 = arith.constant 13 : i32
    %swap3A_638 = arith.index_cast %swap3A_637 : i32 to index
    %swap3A_639 = arith.constant 16 : index
    %swap3A_640 = tpu.vector_load %arg13[%swap3A_638, %swap3A_639] {strides = array<i32>} : memref<16x128xf32, #tpu.memory_space<vmem>>, vector<16xf32>,
    tpu.vector_store %arg13[%swap3A_638, %swap3A_639], %broadcast_in_dim3A_636 {strides = array<i32>} : memref<16x128xf32, #tpu.memory_space<vmem>>, vector<16xf32>,
    %broadcast_in_dim3A_641 = arith.constant 0.000000e+00 : f32
    %broadcast_in_dim3A_642 = vector.broadcast %broadcast_in_dim3A_641 : f32 to vector<16xf32>
    %swap3A_643 = arith.constant 13 : i32
    %swap3A_644 = arith.index_cast %swap3A_643 : i32 to index
    %swap3A_645 = arith.constant 32 : index
    %swap3A_646 = tpu.vector_load %arg13[%swap3A_644, %swap3A_645] {strides = array<i32>} : memref<16x128xf32, #tpu.memory_space<vmem>>, vector<16xf32>,
    tpu.vector_store %arg13[%swap3A_644, %swap3A_645], %broadcast_in_dim3A_642 {strides = array<i32>} : memref<16x128xf32, #tpu.memory_space<vmem>>, vector<16xf32>,
    %broadcast_in_dim3A_647 = arith.constant 0.000000e+00 : f32
    %broadcast_in_dim3A_648 = vector.broadcast %broadcast_in_dim3A_647 : f32 to vector<16xf32>
    %swap3A_649 = arith.constant 13 : i32
    %swap3A_650 = arith.index_cast %swap3A_649 : i32 to index
    %swap3A_651 = arith.constant 48 : index
    %swap3A_652 = tpu.vector_load %arg13[%swap3A_650, %swap3A_651] {strides = array<i32>} : memref<16x128xf32, #tpu.memory_space<vmem>>, vector<16xf32>,
    tpu.vector_store %arg13[%swap3A_650, %swap3A_651], %broadcast_in_dim3A_648 {strides = array<i32>} : memref<16x128xf32, #tpu.memory_space<vmem>>, vector<16xf32>,
    %broadcast_in_dim3A_653 = arith.constant 0.000000e+00 : f32
    %broadcast_in_dim3A_654 = vector.broadcast %broadcast_in_dim3A_653 : f32 to vector<16xf32>
    %swap3A_655 = arith.constant 13 : i32
    %swap3A_656 = arith.index_cast %swap3A_655 : i32 to index
    %swap3A_657 = arith.constant 64 : index
    %swap3A_658 = tpu.vector_load %arg13[%swap3A_656, %swap3A_657] {strides = array<i32>} : memref<16x128xf32, #tpu.memory_space<vmem>>, vector<16xf32>,
    tpu.vector_store %arg13[%swap3A_656, %swap3A_657], %broadcast_in_dim3A_654 {strides = array<i32>} : memref<16x128xf32, #tpu.memory_space<vmem>>, vector<16xf32>,
    %broadcast_in_dim3A_659 = arith.constant 0.000000e+00 : f32
    %broadcast_in_dim3A_660 = vector.broadcast %broadcast_in_dim3A_659 : f32 to vector<16xf32>
    %swap3A_661 = arith.constant 13 : i32
    %swap3A_662 = arith.index_cast %swap3A_661 : i32 to index
    %swap3A_663 = arith.constant 80 : index
    %swap3A_664 = tpu.vector_load %arg13[%swap3A_662, %swap3A_663] {strides = array<i32>} : memref<16x128xf32, #tpu.memory_space<vmem>>, vector<16xf32>,
    tpu.vector_store %arg13[%swap3A_662, %swap3A_663], %broadcast_in_dim3A_660 {strides = array<i32>} : memref<16x128xf32, #tpu.memory_space<vmem>>, vector<16xf32>,
    %broadcast_in_dim3A_665 = arith.constant 0.000000e+00 : f32
    %broadcast_in_dim3A_666 = vector.broadcast %broadcast_in_dim3A_665 : f32 to vector<16xf32>
    %swap3A_667 = arith.constant 13 : i32
    %swap3A_668 = arith.index_cast %swap3A_667 : i32 to index
    %swap3A_669 = arith.constant 96 : index
    %swap3A_670 = tpu.vector_load %arg13[%swap3A_668, %swap3A_669] {strides = array<i32>} : memref<16x128xf32, #tpu.memory_space<vmem>>, vector<16xf32>,
    tpu.vector_store %arg13[%swap3A_668, %swap3A_669], %broadcast_in_dim3A_666 {strides = array<i32>} : memref<16x128xf32, #tpu.memory_space<vmem>>, vector<16xf32>,
    %broadcast_in_dim3A_671 = arith.constant 0.000000e+00 : f32
    %broadcast_in_dim3A_672 = vector.broadcast %broadcast_in_dim3A_671 : f32 to vector<16xf32>
    %swap3A_673 = arith.constant 13 : i32
    %swap3A_674 = arith.index_cast %swap3A_673 : i32 to index
    %swap3A_675 = arith.constant 112 : index
    %swap3A_676 = tpu.vector_load %arg13[%swap3A_674, %swap3A_675] {strides = array<i32>} : memref<16x128xf32, #tpu.memory_space<vmem>>, vector<16xf32>,
    tpu.vector_store %arg13[%swap3A_674, %swap3A_675], %broadcast_in_dim3A_672 {strides = array<i32>} : memref<16x128xf32, #tpu.memory_space<vmem>>, vector<16xf32>,
    %broadcast_in_dim3A_677 = arith.constant 0.000000e+00 : f32
    %broadcast_in_dim3A_678 = vector.broadcast %broadcast_in_dim3A_677 : f32 to vector<16xf32>
    %swap3A_679 = arith.constant 14 : i32
    %swap3A_680 = arith.index_cast %swap3A_679 : i32 to index
    %swap3A_681 = arith.constant 0 : index
    %swap3A_682 = tpu.vector_load %arg13[%swap3A_680, %swap3A_681] {strides = array<i32>} : memref<16x128xf32, #tpu.memory_space<vmem>>, vector<16xf32>,
    tpu.vector_store %arg13[%swap3A_680, %swap3A_681], %broadcast_in_dim3A_678 {strides = array<i32>} : memref<16x128xf32, #tpu.memory_space<vmem>>, vector<16xf32>,
    %broadcast_in_dim3A_683 = arith.constant 0.000000e+00 : f32
    %broadcast_in_dim3A_684 = vector.broadcast %broadcast_in_dim3A_683 : f32 to vector<16xf32>
    %swap3A_685 = arith.constant 14 : i32
    %swap3A_686 = arith.index_cast %swap3A_685 : i32 to index
    %swap3A_687 = arith.constant 16 : index
    %swap3A_688 = tpu.vector_load %arg13[%swap3A_686, %swap3A_687] {strides = array<i32>} : memref<16x128xf32, #tpu.memory_space<vmem>>, vector<16xf32>,
    tpu.vector_store %arg13[%swap3A_686, %swap3A_687], %broadcast_in_dim3A_684 {strides = array<i32>} : memref<16x128xf32, #tpu.memory_space<vmem>>, vector<16xf32>,
    %broadcast_in_dim3A_689 = arith.constant 0.000000e+00 : f32
    %broadcast_in_dim3A_690 = vector.broadcast %broadcast_in_dim3A_689 : f32 to vector<16xf32>
    %swap3A_691 = arith.constant 14 : i32
    %swap3A_692 = arith.index_cast %swap3A_691 : i32 to index
    %swap3A_693 = arith.constant 32 : index
    %swap3A_694 = tpu.vector_load %arg13[%swap3A_692, %swap3A_693] {strides = array<i32>} : memref<16x128xf32, #tpu.memory_space<vmem>>, vector<16xf32>,
    tpu.vector_store %arg13[%swap3A_692, %swap3A_693], %broadcast_in_dim3A_690 {strides = array<i32>} : memref<16x128xf32, #tpu.memory_space<vmem>>, vector<16xf32>,
    %broadcast_in_dim3A_695 = arith.constant 0.000000e+00 : f32
    %broadcast_in_dim3A_696 = vector.broadcast %broadcast_in_dim3A_695 : f32 to vector<16xf32>
    %swap3A_697 = arith.constant 14 : i32
    %swap3A_698 = arith.index_cast %swap3A_697 : i32 to index
    %swap3A_699 = arith.constant 48 : index
    %swap3A_700 = tpu.vector_load %arg13[%swap3A_698, %swap3A_699] {strides = array<i32>} : memref<16x128xf32, #tpu.memory_space<vmem>>, vector<16xf32>,
    tpu.vector_store %arg13[%swap3A_698, %swap3A_699], %broadcast_in_dim3A_696 {strides = array<i32>} : memref<16x128xf32, #tpu.memory_space<vmem>>, vector<16xf32>,
    %broadcast_in_dim3A_701 = arith.constant 0.000000e+00 : f32
    %broadcast_in_dim3A_702 = vector.broadcast %broadcast_in_dim3A_701 : f32 to vector<16xf32>
    %swap3A_703 = arith.constant 14 : i32
    %swap3A_704 = arith.index_cast %swap3A_703 : i32 to index
    %swap3A_705 = arith.constant 64 : index
    %swap3A_706 = tpu.vector_load %arg13[%swap3A_704, %swap3A_705] {strides = array<i32>} : memref<16x128xf32, #tpu.memory_space<vmem>>, vector<16xf32>,
    tpu.vector_store %arg13[%swap3A_704, %swap3A_705], %broadcast_in_dim3A_702 {strides = array<i32>} : memref<16x128xf32, #tpu.memory_space<vmem>>, vector<16xf32>,
    %broadcast_in_dim3A_707 = arith.constant 0.000000e+00 : f32
    %broadcast_in_dim3A_708 = vector.broadcast %broadcast_in_dim3A_707 : f32 to vector<16xf32>
    %swap3A_709 = arith.constant 14 : i32
    %swap3A_710 = arith.index_cast %swap3A_709 : i32 to index
    %swap3A_711 = arith.constant 80 : index
    %swap3A_712 = tpu.vector_load %arg13[%swap3A_710, %swap3A_711] {strides = array<i32>} : memref<16x128xf32, #tpu.memory_space<vmem>>, vector<16xf32>,
    tpu.vector_store %arg13[%swap3A_710, %swap3A_711], %broadcast_in_dim3A_708 {strides = array<i32>} : memref<16x128xf32, #tpu.memory_space<vmem>>, vector<16xf32>,
    %broadcast_in_dim3A_713 = arith.constant 0.000000e+00 : f32
    %broadcast_in_dim3A_714 = vector.broadcast %broadcast_in_dim3A_713 : f32 to vector<16xf32>
    %swap3A_715 = arith.constant 14 : i32
    %swap3A_716 = arith.index_cast %swap3A_715 : i32 to index
    %swap3A_717 = arith.constant 96 : index
    %swap3A_718 = tpu.vector_load %arg13[%swap3A_716, %swap3A_717] {strides = array<i32>} : memref<16x128xf32, #tpu.memory_space<vmem>>, vector<16xf32>,
    tpu.vector_store %arg13[%swap3A_716, %swap3A_717], %broadcast_in_dim3A_714 {strides = array<i32>} : memref<16x128xf32, #tpu.memory_space<vmem>>, vector<16xf32>,
    %broadcast_in_dim3A_719 = arith.constant 0.000000e+00 : f32
    %broadcast_in_dim3A_720 = vector.broadcast %broadcast_in_dim3A_719 : f32 to vector<16xf32>
    %swap3A_721 = arith.constant 14 : i32
    %swap3A_722 = arith.index_cast %swap3A_721 : i32 to index
    %swap3A_723 = arith.constant 112 : index
    %swap3A_724 = tpu.vector_load %arg13[%swap3A_722, %swap3A_723] {strides = array<i32>} : memref<16x128xf32, #tpu.memory_space<vmem>>, vector<16xf32>,
    tpu.vector_store %arg13[%swap3A_722, %swap3A_723], %broadcast_in_dim3A_720 {strides = array<i32>} : memref<16x128xf32, #tpu.memory_space<vmem>>, vector<16xf32>,
    %broadcast_in_dim3A_725 = arith.constant 0.000000e+00 : f32
    %broadcast_in_dim3A_726 = vector.broadcast %broadcast_in_dim3A_725 : f32 to vector<16xf32>
    %swap3A_727 = arith.constant 15 : i32
    %swap3A_728 = arith.index_cast %swap3A_727 : i32 to index
    %swap3A_729 = arith.constant 0 : index
    %swap3A_730 = tpu.vector_load %arg13[%swap3A_728, %swap3A_729] {strides = array<i32>} : memref<16x128xf32, #tpu.memory_space<vmem>>, vector<16xf32>,
    tpu.vector_store %arg13[%swap3A_728, %swap3A_729], %broadcast_in_dim3A_726 {strides = array<i32>} : memref<16x128xf32, #tpu.memory_space<vmem>>, vector<16xf32>,
    %broadcast_in_dim3A_731 = arith.constant 0.000000e+00 : f32
    %broadcast_in_dim3A_732 = vector.broadcast %broadcast_in_dim3A_731 : f32 to vector<16xf32>
    %swap3A_733 = arith.constant 15 : i32
    %swap3A_734 = arith.index_cast %swap3A_733 : i32 to index
    %swap3A_735 = arith.constant 16 : index
    %swap3A_736 = tpu.vector_load %arg13[%swap3A_734, %swap3A_735] {strides = array<i32>} : memref<16x128xf32, #tpu.memory_space<vmem>>, vector<16xf32>,
    tpu.vector_store %arg13[%swap3A_734, %swap3A_735], %broadcast_in_dim3A_732 {strides = array<i32>} : memref<16x128xf32, #tpu.memory_space<vmem>>, vector<16xf32>,
    %broadcast_in_dim3A_737 = arith.constant 0.000000e+00 : f32
    %broadcast_in_dim3A_738 = vector.broadcast %broadcast_in_dim3A_737 : f32 to vector<16xf32>
    %swap3A_739 = arith.constant 15 : i32
    %swap3A_740 = arith.index_cast %swap3A_739 : i32 to index
    %swap3A_741 = arith.constant 32 : index
    %swap3A_742 = tpu.vector_load %arg13[%swap3A_740, %swap3A_741] {strides = array<i32>} : memref<16x128xf32, #tpu.memory_space<vmem>>, vector<16xf32>,
    tpu.vector_store %arg13[%swap3A_740, %swap3A_741], %broadcast_in_dim3A_738 {strides = array<i32>} : memref<16x128xf32, #tpu.memory_space<vmem>>, vector<16xf32>,
    %broadcast_in_dim3A_743 = arith.constant 0.000000e+00 : f32
    %broadcast_in_dim3A_744 = vector.broadcast %broadcast_in_dim3A_743 : f32 to vector<16xf32>
    %swap3A_745 = arith.constant 15 : i32
    %swap3A_746 = arith.index_cast %swap3A_745 : i32 to index
    %swap3A_747 = arith.constant 48 : index
    %swap3A_748 = tpu.vector_load %arg13[%swap3A_746, %swap3A_747] {strides = array<i32>} : memref<16x128xf32, #tpu.memory_space<vmem>>, vector<16xf32>,
    tpu.vector_store %arg13[%swap3A_746, %swap3A_747], %broadcast_in_dim3A_744 {strides = array<i32>} : memref<16x128xf32, #tpu.memory_space<vmem>>, vector<16xf32>,
    %broadcast_in_dim3A_749 = arith.constant 0.000000e+00 : f32
    %broadcast_in_dim3A_750 = vector.broadcast %broadcast_in_dim3A_749 : f32 to vector<16xf32>
    %swap3A_751 = arith.constant 15 : i32
    %swap3A_752 = arith.index_cast %swap3A_751 : i32 to index
    %swap3A_753 = arith.constant 64 : index
    %swap3A_754 = tpu.vector_load %arg13[%swap3A_752, %swap3A_753] {strides = array<i32>} : memref<16x128xf32, #tpu.memory_space<vmem>>, vector<16xf32>,
    tpu.vector_store %arg13[%swap3A_752, %swap3A_753], %broadcast_in_dim3A_750 {strides = array<i32>} : memref<16x128xf32, #tpu.memory_space<vmem>>, vector<16xf32>,
    %broadcast_in_dim3A_755 = arith.constant 0.000000e+00 : f32
    %broadcast_in_dim3A_756 = vector.broadcast %broadcast_in_dim3A_755 : f32 to vector<16xf32>
    %swap3A_757 = arith.constant 15 : i32
    %swap3A_758 = arith.index_cast %swap3A_757 : i32 to index
    %swap3A_759 = arith.constant 80 : index
    %swap3A_760 = tpu.vector_load %arg13[%swap3A_758, %swap3A_759] {strides = array<i32>} : memref<16x128xf32, #tpu.memory_space<vmem>>, vector<16xf32>,
    tpu.vector_store %arg13[%swap3A_758, %swap3A_759], %broadcast_in_dim3A_756 {strides = array<i32>} : memref<16x128xf32, #tpu.memory_space<vmem>>, vector<16xf32>,
    %broadcast_in_dim3A_761 = arith.constant 0.000000e+00 : f32
    %broadcast_in_dim3A_762 = vector.broadcast %broadcast_in_dim3A_761 : f32 to vector<16xf32>
    %swap3A_763 = arith.constant 15 : i32
    %swap3A_764 = arith.index_cast %swap3A_763 : i32 to index
    %swap3A_765 = arith.constant 96 : index
    %swap3A_766 = tpu.vector_load %arg13[%swap3A_764, %swap3A_765] {strides = array<i32>} : memref<16x128xf32, #tpu.memory_space<vmem>>, vector<16xf32>,
    tpu.vector_store %arg13[%swap3A_764, %swap3A_765], %broadcast_in_dim3A_762 {strides = array<i32>} : memref<16x128xf32, #tpu.memory_space<vmem>>, vector<16xf32>,
    %broadcast_in_dim3A_767 = arith.constant 0.000000e+00 : f32
    %broadcast_in_dim3A_768 = vector.broadcast %broadcast_in_dim3A_767 : f32 to vector<16xf32>
    %swap3A_769 = arith.constant 15 : i32
    %swap3A_770 = arith.index_cast %swap3A_769 : i32 to index
    %swap3A_771 = arith.constant 112 : index
    %swap3A_772 = tpu.vector_load %arg13[%swap3A_770, %swap3A_771] {strides = array<i32>} : memref<16x128xf32, #tpu.memory_space<vmem>>, vector<16xf32>,
    tpu.vector_store %arg13[%swap3A_770, %swap3A_771], %broadcast_in_dim3A_768 {strides = array<i32>} : memref<16x128xf32, #tpu.memory_space<vmem>>, vector<16xf32>,
    %mul3A_773 = arith.constant 80 : i32
    %mul3A_774 = arith.muli %arg1, %mul3A_773 : i32
    %add3A_775 = arith.constant 0 : i32
    %add3A_776 = arith.addi %mul3A_774, %add3A_775 : i32
    "tpu.region"() ({
      %run_scoped3A = tpu.sem_alloc : memref<!tpu.dma_semaphore, #tpu.memory_space<semaphore_mem>>
      %dma_start3A = arith.constant 0 : i32
      %dma_start3A_1206 = tpu.memref_slice %arg16[%add3A_776, %dma_start3A] : memref<1280x128xf32, #tpu.memory_space<vmem_shared>> -> memref<16x128xf32, #tpu.memory_space<vmem_shared>>
      %dma_start3A_1207 = arith.constant 0 : i32
      %dma_start3A_1208 = tpu.memref_slice %arg16[%add3A_776, %dma_start3A_1207] : memref<1280x128xf32, #tpu.memory_space<vmem_shared>> -> memref<16x128xf32, #tpu.memory_space<vmem_shared>>
      tpu.enqueue_dma source(%arg13 : memref<16x128xf32, #tpu.memory_space<vmem>>) target(%dma_start3A_1208 : memref<16x128xf32, #tpu.memory_space<vmem_shared>>) target_semaphore(%run_scoped3A : memref<!tpu.dma_semaphore, #tpu.memory_space<semaphore_mem>>)
      %dma_wait3A = arith.constant 0 : i32
      %dma_wait3A_1209 = tpu.memref_slice %arg16[%add3A_776, %dma_wait3A] : memref<1280x128xf32, #tpu.memory_space<vmem_shared>> -> memref<16x128xf32, #tpu.memory_space<vmem_shared>>
      %dma_wait3A_1210 = arith.constant 0 : i32
      %dma_wait3A_1211 = tpu.memref_slice %arg16[%add3A_776, %dma_wait3A_1210] : memref<1280x128xf32, #tpu.memory_space<vmem_shared>> -> memref<16x128xf32, #tpu.memory_space<vmem_shared>>
      tpu.wait_dma2 semaphore(%run_scoped3A : memref<!tpu.dma_semaphore, #tpu.memory_space<semaphore_mem>>) src(%arg13 : memref<16x128xf32, #tpu.memory_space<vmem>>) dst(%dma_wait3A_1211 : memref<16x128xf32, #tpu.memory_space<vmem_shared>>)
      tpu.yield
    }) : () -> ()
    %mul3A_777 = arith.constant 80 : i32
    %mul3A_778 = arith.muli %arg1, %mul3A_777 : i32
    %add3A_779 = arith.constant 16 : i32
    %add3A_780 = arith.addi %mul3A_778, %add3A_779 : i32
    "tpu.region"() ({
      %run_scoped3A = tpu.sem_alloc : memref<!tpu.dma_semaphore, #tpu.memory_space<semaphore_mem>>
      %dma_start3A = arith.constant 0 : i32
      %dma_start3A_1206 = tpu.memref_slice %arg16[%add3A_780, %dma_start3A] : memref<1280x128xf32, #tpu.memory_space<vmem_shared>> -> memref<16x128xf32, #tpu.memory_space<vmem_shared>>
      %dma_start3A_1207 = arith.constant 0 : i32
      %dma_start3A_1208 = tpu.memref_slice %arg16[%add3A_780, %dma_start3A_1207] : memref<1280x128xf32, #tpu.memory_space<vmem_shared>> -> memref<16x128xf32, #tpu.memory_space<vmem_shared>>
      tpu.enqueue_dma source(%arg13 : memref<16x128xf32, #tpu.memory_space<vmem>>) target(%dma_start3A_1208 : memref<16x128xf32, #tpu.memory_space<vmem_shared>>) target_semaphore(%run_scoped3A : memref<!tpu.dma_semaphore, #tpu.memory_space<semaphore_mem>>)
      %dma_wait3A = arith.constant 0 : i32
      %dma_wait3A_1209 = tpu.memref_slice %arg16[%add3A_780, %dma_wait3A] : memref<1280x128xf32, #tpu.memory_space<vmem_shared>> -> memref<16x128xf32, #tpu.memory_space<vmem_shared>>
      %dma_wait3A_1210 = arith.constant 0 : i32
      %dma_wait3A_1211 = tpu.memref_slice %arg16[%add3A_780, %dma_wait3A_1210] : memref<1280x128xf32, #tpu.memory_space<vmem_shared>> -> memref<16x128xf32, #tpu.memory_space<vmem_shared>>
      tpu.wait_dma2 semaphore(%run_scoped3A : memref<!tpu.dma_semaphore, #tpu.memory_space<semaphore_mem>>) src(%arg13 : memref<16x128xf32, #tpu.memory_space<vmem>>) dst(%dma_wait3A_1211 : memref<16x128xf32, #tpu.memory_space<vmem_shared>>)
      tpu.yield
    }) : () -> ()
    %mul3A_781 = arith.constant 80 : i32
    %mul3A_782 = arith.muli %arg1, %mul3A_781 : i32
    %add3A_783 = arith.constant 32 : i32
    %add3A_784 = arith.addi %mul3A_782, %add3A_783 : i32
    "tpu.region"() ({
      %run_scoped3A = tpu.sem_alloc : memref<!tpu.dma_semaphore, #tpu.memory_space<semaphore_mem>>
      %dma_start3A = arith.constant 0 : i32
      %dma_start3A_1206 = tpu.memref_slice %arg16[%add3A_784, %dma_start3A] : memref<1280x128xf32, #tpu.memory_space<vmem_shared>> -> memref<16x128xf32, #tpu.memory_space<vmem_shared>>
      %dma_start3A_1207 = arith.constant 0 : i32
      %dma_start3A_1208 = tpu.memref_slice %arg16[%add3A_784, %dma_start3A_1207] : memref<1280x128xf32, #tpu.memory_space<vmem_shared>> -> memref<16x128xf32, #tpu.memory_space<vmem_shared>>
      tpu.enqueue_dma source(%arg13 : memref<16x128xf32, #tpu.memory_space<vmem>>) target(%dma_start3A_1208 : memref<16x128xf32, #tpu.memory_space<vmem_shared>>) target_semaphore(%run_scoped3A : memref<!tpu.dma_semaphore, #tpu.memory_space<semaphore_mem>>)
      %dma_wait3A = arith.constant 0 : i32
      %dma_wait3A_1209 = tpu.memref_slice %arg16[%add3A_784, %dma_wait3A] : memref<1280x128xf32, #tpu.memory_space<vmem_shared>> -> memref<16x128xf32, #tpu.memory_space<vmem_shared>>
      %dma_wait3A_1210 = arith.constant 0 : i32
      %dma_wait3A_1211 = tpu.memref_slice %arg16[%add3A_784, %dma_wait3A_1210] : memref<1280x128xf32, #tpu.memory_space<vmem_shared>> -> memref<16x128xf32, #tpu.memory_space<vmem_shared>>
      tpu.wait_dma2 semaphore(%run_scoped3A : memref<!tpu.dma_semaphore, #tpu.memory_space<semaphore_mem>>) src(%arg13 : memref<16x128xf32, #tpu.memory_space<vmem>>) dst(%dma_wait3A_1211 : memref<16x128xf32, #tpu.memory_space<vmem_shared>>)
      tpu.yield
    }) : () -> ()
    %mul3A_785 = arith.constant 80 : i32
    %mul3A_786 = arith.muli %arg1, %mul3A_785 : i32
    %add3A_787 = arith.constant 48 : i32
    %add3A_788 = arith.addi %mul3A_786, %add3A_787 : i32
    "tpu.region"() ({
      %run_scoped3A = tpu.sem_alloc : memref<!tpu.dma_semaphore, #tpu.memory_space<semaphore_mem>>
      %dma_start3A = arith.constant 0 : i32
      %dma_start3A_1206 = tpu.memref_slice %arg16[%add3A_788, %dma_start3A] : memref<1280x128xf32, #tpu.memory_space<vmem_shared>> -> memref<16x128xf32, #tpu.memory_space<vmem_shared>>
      %dma_start3A_1207 = arith.constant 0 : i32
      %dma_start3A_1208 = tpu.memref_slice %arg16[%add3A_788, %dma_start3A_1207] : memref<1280x128xf32, #tpu.memory_space<vmem_shared>> -> memref<16x128xf32, #tpu.memory_space<vmem_shared>>
      tpu.enqueue_dma source(%arg13 : memref<16x128xf32, #tpu.memory_space<vmem>>) target(%dma_start3A_1208 : memref<16x128xf32, #tpu.memory_space<vmem_shared>>) target_semaphore(%run_scoped3A : memref<!tpu.dma_semaphore, #tpu.memory_space<semaphore_mem>>)
      %dma_wait3A = arith.constant 0 : i32
      %dma_wait3A_1209 = tpu.memref_slice %arg16[%add3A_788, %dma_wait3A] : memref<1280x128xf32, #tpu.memory_space<vmem_shared>> -> memref<16x128xf32, #tpu.memory_space<vmem_shared>>
      %dma_wait3A_1210 = arith.constant 0 : i32
      %dma_wait3A_1211 = tpu.memref_slice %arg16[%add3A_788, %dma_wait3A_1210] : memref<1280x128xf32, #tpu.memory_space<vmem_shared>> -> memref<16x128xf32, #tpu.memory_space<vmem_shared>>
      tpu.wait_dma2 semaphore(%run_scoped3A : memref<!tpu.dma_semaphore, #tpu.memory_space<semaphore_mem>>) src(%arg13 : memref<16x128xf32, #tpu.memory_space<vmem>>) dst(%dma_wait3A_1211 : memref<16x128xf32, #tpu.memory_space<vmem_shared>>)
      tpu.yield
    }) : () -> ()
    %mul3A_789 = arith.constant 80 : i32
    %mul3A_790 = arith.muli %arg1, %mul3A_789 : i32
    %add3A_791 = arith.constant 64 : i32
    %add3A_792 = arith.addi %mul3A_790, %add3A_791 : i32
    "tpu.region"() ({
      %run_scoped3A = tpu.sem_alloc : memref<!tpu.dma_semaphore, #tpu.memory_space<semaphore_mem>>
      %dma_start3A = arith.constant 0 : i32
      %dma_start3A_1206 = tpu.memref_slice %arg16[%add3A_792, %dma_start3A] : memref<1280x128xf32, #tpu.memory_space<vmem_shared>> -> memref<16x128xf32, #tpu.memory_space<vmem_shared>>
      %dma_start3A_1207 = arith.constant 0 : i32
      %dma_start3A_1208 = tpu.memref_slice %arg16[%add3A_792, %dma_start3A_1207] : memref<1280x128xf32, #tpu.memory_space<vmem_shared>> -> memref<16x128xf32, #tpu.memory_space<vmem_shared>>
      tpu.enqueue_dma source(%arg13 : memref<16x128xf32, #tpu.memory_space<vmem>>) target(%dma_start3A_1208 : memref<16x128xf32, #tpu.memory_space<vmem_shared>>) target_semaphore(%run_scoped3A : memref<!tpu.dma_semaphore, #tpu.memory_space<semaphore_mem>>)
      %dma_wait3A = arith.constant 0 : i32
      %dma_wait3A_1209 = tpu.memref_slice %arg16[%add3A_792, %dma_wait3A] : memref<1280x128xf32, #tpu.memory_space<vmem_shared>> -> memref<16x128xf32, #tpu.memory_space<vmem_shared>>
      %dma_wait3A_1210 = arith.constant 0 : i32
      %dma_wait3A_1211 = tpu.memref_slice %arg16[%add3A_792, %dma_wait3A_1210] : memref<1280x128xf32, #tpu.memory_space<vmem_shared>> -> memref<16x128xf32, #tpu.memory_space<vmem_shared>>
      tpu.wait_dma2 semaphore(%run_scoped3A : memref<!tpu.dma_semaphore, #tpu.memory_space<semaphore_mem>>) src(%arg13 : memref<16x128xf32, #tpu.memory_space<vmem>>) dst(%dma_wait3A_1211 : memref<16x128xf32, #tpu.memory_space<vmem_shared>>)
      tpu.yield
    }) : () -> ()
    %eq3A = arith.constant 0 : i32
    %eq3A_793 = arith.cmpi eq, %arg1, %eq3A : i32
    %convert_element_type3A = arith.extui %eq3A_793 : i1 to i32
    %cond3A = arith.constant 0 : i32
    %cond3A_794 = arith.cmpi ne, %convert_element_type3A, %cond3A : i32
    scf.if %cond3A_794 {
      %scan3A_1206 = arith.constant 0 : i32
      %scan3A_1207 = arith.constant 0 : i32
      %scan3A_1208 = arith.constant 626 : i32
      %scan3A_1209 = arith.addi %scan3A_1207, %scan3A_1208 : i32
      %scan3A_1210 = arith.constant 1 : i32
      scf.for %scan3A_1218 = %scan3A_1207 to %scan3A_1209 step %scan3A_1210  : i32 {
        %broadcast_in_dim3A_1219 = arith.constant -1 : i32
        %broadcast_in_dim3A_1220 = vector.broadcast %broadcast_in_dim3A_1219 : i32 to vector<16xi32>
        %mul3A_1221 = arith.constant 16 : i32
        %mul3A_1222 = arith.muli %scan3A_1218, %mul3A_1221 : i32
        %swap3A_1223 = arith.index_cast %mul3A_1222 : i32 to index
        %swap3A_1224 = tpu.vector_load %arg7[%swap3A_1223] {strides = array<i32>} : memref<10016xi32, #tpu.memory_space<vmem>>, vector<16xi32>,
        tpu.vector_store %arg7[%swap3A_1223], %broadcast_in_dim3A_1220 {strides = array<i32>} : memref<10016xi32, #tpu.memory_space<vmem>>, vector<16xi32>,
      }
      %scan3A_1211 = arith.constant 626 : i32
      "tpu.region"() ({
        %run_scoped3A = tpu.sem_alloc : memref<!tpu.dma_semaphore, #tpu.memory_space<semaphore_mem>>
        tpu.enqueue_dma source(%arg5 : memref<1024xi32, #tpu.memory_space<hbm>>) target(%arg14 : memref<1024xi32, #tpu.memory_space<vmem>>) target_semaphore(%run_scoped3A : memref<!tpu.dma_semaphore, #tpu.memory_space<semaphore_mem>>)
        tpu.wait_dma2 semaphore(%run_scoped3A : memref<!tpu.dma_semaphore, #tpu.memory_space<semaphore_mem>>) src(%arg5 : memref<1024xi32, #tpu.memory_space<hbm>>) dst(%arg14 : memref<1024xi32, #tpu.memory_space<vmem>>)
        tpu.yield
      }) : () -> ()
      %scan3A_1212 = arith.constant 0 : i32
      %scan3A_1213 = arith.constant 0 : i32
      %scan3A_1214 = arith.constant 64 : i32
      %scan3A_1215 = arith.addi %scan3A_1213, %scan3A_1214 : i32
      %scan3A_1216 = arith.constant 1 : i32
      scf.for %scan3A_1218 = %scan3A_1213 to %scan3A_1215 step %scan3A_1216  : i32 {
        %mul3A_1219 = arith.constant 16 : i32
        %mul3A_1220 = arith.muli %scan3A_1218, %mul3A_1219 : i32
        %get3A_1221 = arith.index_cast %mul3A_1220 : i32 to index
        %get3A_1222 = tpu.vector_load %arg14[%get3A_1221] {strides = array<i32>} : memref<1024xi32, #tpu.memory_space<vmem>>, vector<16xi32>,
        %iota3A_1223 = tpu.iota {dimensions = array<i32: 0>} : vector<16xi32>
        %mul3A_1224 = arith.constant 16 : i32
        %mul3A_1225 = arith.muli %scan3A_1218, %mul3A_1224 : i32
        %add3A_1226 = vector.broadcast %mul3A_1225 : i32 to vector<16xi32>
        %add3A_1227 = arith.addi %iota3A_1223, %add3A_1226 : vector<16xi32>
        tpu.vector_store_idx %arg7[%get3A_1222], %add3A_1227 : memref<10016xi32, #tpu.memory_space<vmem>>[vector<16xi32>], vector<16xi32>,
      }
      %scan3A_1217 = arith.constant 64 : i32
      "tpu.region"() ({
        %run_scoped3A = tpu.sem_alloc : memref<!tpu.dma_semaphore, #tpu.memory_space<semaphore_mem>>
        tpu.enqueue_dma source(%arg7 : memref<10016xi32, #tpu.memory_space<vmem>>) target(%arg17 : memref<10016xi32, #tpu.memory_space<vmem_shared>>) target_semaphore(%run_scoped3A : memref<!tpu.dma_semaphore, #tpu.memory_space<semaphore_mem>>)
        tpu.wait_dma2 semaphore(%run_scoped3A : memref<!tpu.dma_semaphore, #tpu.memory_space<semaphore_mem>>) src(%arg7 : memref<10016xi32, #tpu.memory_space<vmem>>) dst(%arg17 : memref<10016xi32, #tpu.memory_space<vmem_shared>>)
        tpu.yield
      }) : () -> ()
    } else {
    }
    %barrier3A = arith.constant 0 : index
    tpu.barrier barrier_id(%barrier3A)
    "tpu.trace_start"() <{level = 10 : i32, message = "inv_fetch"}> : () -> ()
    "tpu.region"() ({
      %run_scoped3A = tpu.sem_alloc : memref<!tpu.dma_semaphore, #tpu.memory_space<semaphore_mem>>
      tpu.enqueue_dma source(%arg17 : memref<10016xi32, #tpu.memory_space<vmem_shared>>) target(%arg7 : memref<10016xi32, #tpu.memory_space<vmem>>) target_semaphore(%run_scoped3A : memref<!tpu.dma_semaphore, #tpu.memory_space<semaphore_mem>>)
      tpu.wait_dma2 semaphore(%run_scoped3A : memref<!tpu.dma_semaphore, #tpu.memory_space<semaphore_mem>>) src(%arg17 : memref<10016xi32, #tpu.memory_space<vmem_shared>>) dst(%arg7 : memref<10016xi32, #tpu.memory_space<vmem>>)
      tpu.yield
    }) : () -> ()
    %broadcast_in_dim3A_795 = arith.constant 15 : i32
    "tpu.trace_stop"() : () -> ()
    %broadcast_in_dim3A_796 = vector.broadcast %broadcast_in_dim3A_795 : i32 to vector<16xi32>
    %broadcast_in_dim3A_797 = arith.constant 0 : i32
    "tpu.trace_start"() <{level = 10 : i32, message = "filter"}> : () -> ()
    %broadcast_in_dim3A_798 = vector.broadcast %broadcast_in_dim3A_797 : i32 to vector<16xi32>
    %broadcast_in_dim3A_799 = arith.constant 0 : i32
    %broadcast_in_dim3A_800 = vector.broadcast %broadcast_in_dim3A_799 : i32 to vector<16xi32>
    %scan3A = arith.constant 0 : i32
    %scan3A_801 = arith.constant 312 : i32
    %scan3A_802 = arith.addi %scan3A, %scan3A_801 : i32
    %scan3A_803 = arith.constant 1 : i32
    %scan3A_804:2 = scf.for %scan3A_1206 = %scan3A to %scan3A_802 step %scan3A_803 iter_args(%scan3A_1207 = %broadcast_in_dim3A_798, %scan3A_1208 = %broadcast_in_dim3A_800) -> (vector<16xi32>, vector<16xi32>)  : i32 {
      %mul3A_1209 = arith.constant 2 : i32
      %mul3A_1210 = arith.muli %scan3A_1206, %mul3A_1209 : i32
      %mul3A_1211 = arith.constant 16 : i32
      %mul3A_1212 = arith.muli %mul3A_1210, %mul3A_1211 : i32
      %get3A_1213 = arith.index_cast %mul3A_1212 : i32 to index
      %get3A_1214 = tpu.vector_load %arg9[%get3A_1213] {strides = array<i32>} : memref<10000xi32, #tpu.memory_space<vmem>>, vector<16xi32>,
      %mul3A_1215 = arith.constant 16 : i32
      %mul3A_1216 = arith.muli %mul3A_1210, %mul3A_1215 : i32
      %get3A_1217 = arith.index_cast %mul3A_1216 : i32 to index
      %get3A_1218 = tpu.vector_load %arg8[%get3A_1217] {strides = array<i32>} : memref<10000xi32, #tpu.memory_space<vmem>>, vector<16xi32>,
      %gather3A_1219 = tpu.vector_load_idx %arg7[%get3A_1214] : memref<10016xi32, #tpu.memory_space<vmem>>[vector<16xi32>], vector<16xi32>,
      %ge3A_1220 = arith.constant 0 : i32
      %ge3A_1221 = vector.broadcast %ge3A_1220 : i32 to vector<16xi32>
      %ge3A_1222 = arith.cmpi sge, %gather3A_1219, %ge3A_1221 : vector<16xi32>
      %lt3A_1223 = arith.constant 5120 : i32
      %lt3A_1224 = vector.broadcast %lt3A_1223 : i32 to vector<16xi32>
      %lt3A_1225 = arith.cmpi slt, %get3A_1218, %lt3A_1224 : vector<16xi32>
      %and3A_1226 = arith.andi %ge3A_1222, %lt3A_1225 : vector<16xi1>
      %not3A_1227 = arith.constant dense<true> : vector<16xi1>
      %not3A_1228 = arith.xori %lt3A_1225, %not3A_1227 : vector<16xi1>
      %and3A_1229 = arith.andi %ge3A_1222, %not3A_1228 : vector<16xi1>
      %convert_element_type3A_1230 = arith.extui %and3A_1226 : vector<16xi1> to vector<16xi32>
      %broadcast_in_dim3A_1231 = arith.constant true
      %broadcast_in_dim3A_1232 = vector.broadcast %broadcast_in_dim3A_1231 : i1 to vector<16xi1>
      %masked_cumsum3A_1233 = tpu.scan <sum>, %convert_element_type3A_1230 masked %broadcast_in_dim3A_1232 : vector<16xi32>, vector<16xi1> -> vector<16xi32>
      %convert_element_type3A_1234 = arith.extui %and3A_1229 : vector<16xi1> to vector<16xi32>
      %broadcast_in_dim3A_1235 = arith.constant true
      %broadcast_in_dim3A_1236 = vector.broadcast %broadcast_in_dim3A_1235 : i1 to vector<16xi1>
      %masked_cumsum3A_1237 = tpu.scan <sum>, %convert_element_type3A_1234 masked %broadcast_in_dim3A_1236 : vector<16xi32>, vector<16xi1> -> vector<16xi32>
      %add3A_1238 = arith.addi %scan3A_1207, %masked_cumsum3A_1233 : vector<16xi32>
      %sub3A_1239 = arith.constant 1 : i32
      %sub3A_1240 = vector.broadcast %sub3A_1239 : i32 to vector<16xi32>
      %sub3A_1241 = arith.subi %add3A_1238, %sub3A_1240 : vector<16xi32>
      %sub3A_1242 = arith.constant 10240 : i32
      %sub3A_1243 = vector.broadcast %sub3A_1242 : i32 to vector<16xi32>
      %sub3A_1244 = arith.subi %sub3A_1243, %scan3A_1208 : vector<16xi32>
      %sub3A_1245 = arith.subi %sub3A_1244, %masked_cumsum3A_1237 : vector<16xi32>
      %shift_right_logical3A_1246 = arith.constant 7 : i32
      %shift_right_logical3A_1247 = vector.broadcast %shift_right_logical3A_1246 : i32 to vector<16xi32>
      %shift_right_logical3A_1248 = arith.shrui %sub3A_1241, %shift_right_logical3A_1247 : vector<16xi32>
      %and3A_1249 = arith.constant 127 : i32
      %and3A_1250 = vector.broadcast %and3A_1249 : i32 to vector<16xi32>
      %and3A_1251 = arith.andi %sub3A_1241, %and3A_1250 : vector<16xi32>
      %shift_right_logical3A_1252 = arith.constant 7 : i32
      %shift_right_logical3A_1253 = vector.broadcast %shift_right_logical3A_1252 : i32 to vector<16xi32>
      %shift_right_logical3A_1254 = arith.shrui %sub3A_1245, %shift_right_logical3A_1253 : vector<16xi32>
      %and3A_1255 = arith.constant 127 : i32
      %and3A_1256 = vector.broadcast %and3A_1255 : i32 to vector<16xi32>
      %and3A_1257 = arith.andi %sub3A_1245, %and3A_1256 : vector<16xi32>
      tpu.vector_store_idx %arg10[%shift_right_logical3A_1248, %and3A_1251], %gather3A_1219 masked %and3A_1226 : memref<80x128xi32, #tpu.memory_space<vmem>>[vector<16xi32>, vector<16xi32>], vector<16xi32>, vector<16xi1>
      tpu.vector_store_idx %arg11[%shift_right_logical3A_1248, %and3A_1251], %get3A_1218 masked %and3A_1226 : memref<80x128xi32, #tpu.memory_space<vmem>>[vector<16xi32>, vector<16xi32>], vector<16xi32>, vector<16xi1>
      tpu.vector_store_idx %arg10[%shift_right_logical3A_1254, %and3A_1257], %gather3A_1219 masked %and3A_1229 : memref<80x128xi32, #tpu.memory_space<vmem>>[vector<16xi32>, vector<16xi32>], vector<16xi32>, vector<16xi1>
      tpu.vector_store_idx %arg11[%shift_right_logical3A_1254, %and3A_1257], %get3A_1218 masked %and3A_1229 : memref<80x128xi32, #tpu.memory_space<vmem>>[vector<16xi32>, vector<16xi32>], vector<16xi32>, vector<16xi1>
      %lt3A_1258 = arith.constant 0 : i32
      %lt3A_1259 = vector.broadcast %lt3A_1258 : i32 to vector<16xi32>
      %lt3A_1260 = arith.cmpi slt, %broadcast_in_dim3A_796, %lt3A_1259 : vector<16xi32>
      %add3A_1261 = arith.constant 16 : i32
      %add3A_1262 = vector.broadcast %add3A_1261 : i32 to vector<16xi32>
      %add3A_1263 = arith.addi %broadcast_in_dim3A_796, %add3A_1262 : vector<16xi32>
      %select_n3A_1264 = arith.select %lt3A_1260, %add3A_1263, %broadcast_in_dim3A_796 : vector<16xi1>, vector<16xi32>
      %broadcast_in_dim3A_1265 = vector.shape_cast %select_n3A_1264 : vector<16xi32> to vector<16x1xi32>
      %gather3A_1266 = vector.shape_cast %broadcast_in_dim3A_1265 : vector<16x1xi32> to vector<16xi32>
      %gather3A_1267 = tpu.dynamic_gather %masked_cumsum3A_1233[%gather3A_1266] in [0] : vector<16xi32>, vector<16xi32> -> vector<16xi32>
      %add3A_1268 = arith.addi %scan3A_1207, %gather3A_1267 : vector<16xi32>
      %lt3A_1269 = arith.constant 0 : i32
      %lt3A_1270 = vector.broadcast %lt3A_1269 : i32 to vector<16xi32>
      %lt3A_1271 = arith.cmpi slt, %broadcast_in_dim3A_796, %lt3A_1270 : vector<16xi32>
      %add3A_1272 = arith.constant 16 : i32
      %add3A_1273 = vector.broadcast %add3A_1272 : i32 to vector<16xi32>
      %add3A_1274 = arith.addi %broadcast_in_dim3A_796, %add3A_1273 : vector<16xi32>
      %select_n3A_1275 = arith.select %lt3A_1271, %add3A_1274, %broadcast_in_dim3A_796 : vector<16xi1>, vector<16xi32>
      %broadcast_in_dim3A_1276 = vector.shape_cast %select_n3A_1275 : vector<16xi32> to vector<16x1xi32>
      %gather3A_1277 = vector.shape_cast %broadcast_in_dim3A_1276 : vector<16x1xi32> to vector<16xi32>
      %gather3A_1278 = tpu.dynamic_gather %masked_cumsum3A_1237[%gather3A_1277] in [0] : vector<16xi32>, vector<16xi32> -> vector<16xi32>
      %add3A_1279 = arith.addi %scan3A_1208, %gather3A_1278 : vector<16xi32>
      %mul3A_1280 = arith.constant 2 : i32
      %mul3A_1281 = arith.muli %scan3A_1206, %mul3A_1280 : i32
      %add3A_1282 = arith.constant 1 : i32
      %add3A_1283 = arith.addi %mul3A_1281, %add3A_1282 : i32
      %mul3A_1284 = arith.constant 16 : i32
      %mul3A_1285 = arith.muli %add3A_1283, %mul3A_1284 : i32
      %get3A_1286 = arith.index_cast %mul3A_1285 : i32 to index
      %get3A_1287 = tpu.vector_load %arg9[%get3A_1286] {strides = array<i32>} : memref<10000xi32, #tpu.memory_space<vmem>>, vector<16xi32>,
      %mul3A_1288 = arith.constant 16 : i32
      %mul3A_1289 = arith.muli %add3A_1283, %mul3A_1288 : i32
      %get3A_1290 = arith.index_cast %mul3A_1289 : i32 to index
      %get3A_1291 = tpu.vector_load %arg8[%get3A_1290] {strides = array<i32>} : memref<10000xi32, #tpu.memory_space<vmem>>, vector<16xi32>,
      %gather3A_1292 = tpu.vector_load_idx %arg7[%get3A_1287] : memref<10016xi32, #tpu.memory_space<vmem>>[vector<16xi32>], vector<16xi32>,
      %ge3A_1293 = arith.constant 0 : i32
      %ge3A_1294 = vector.broadcast %ge3A_1293 : i32 to vector<16xi32>
      %ge3A_1295 = arith.cmpi sge, %gather3A_1292, %ge3A_1294 : vector<16xi32>
      %lt3A_1296 = arith.constant 5120 : i32
      %lt3A_1297 = vector.broadcast %lt3A_1296 : i32 to vector<16xi32>
      %lt3A_1298 = arith.cmpi slt, %get3A_1291, %lt3A_1297 : vector<16xi32>
      %and3A_1299 = arith.andi %ge3A_1295, %lt3A_1298 : vector<16xi1>
      %not3A_1300 = arith.constant dense<true> : vector<16xi1>
      %not3A_1301 = arith.xori %lt3A_1298, %not3A_1300 : vector<16xi1>
      %and3A_1302 = arith.andi %ge3A_1295, %not3A_1301 : vector<16xi1>
      %convert_element_type3A_1303 = arith.extui %and3A_1299 : vector<16xi1> to vector<16xi32>
      %broadcast_in_dim3A_1304 = arith.constant true
      %broadcast_in_dim3A_1305 = vector.broadcast %broadcast_in_dim3A_1304 : i1 to vector<16xi1>
      %masked_cumsum3A_1306 = tpu.scan <sum>, %convert_element_type3A_1303 masked %broadcast_in_dim3A_1305 : vector<16xi32>, vector<16xi1> -> vector<16xi32>
      %convert_element_type3A_1307 = arith.extui %and3A_1302 : vector<16xi1> to vector<16xi32>
      %broadcast_in_dim3A_1308 = arith.constant true
      %broadcast_in_dim3A_1309 = vector.broadcast %broadcast_in_dim3A_1308 : i1 to vector<16xi1>
      %masked_cumsum3A_1310 = tpu.scan <sum>, %convert_element_type3A_1307 masked %broadcast_in_dim3A_1309 : vector<16xi32>, vector<16xi1> -> vector<16xi32>
      %add3A_1311 = arith.addi %add3A_1268, %masked_cumsum3A_1306 : vector<16xi32>
      %sub3A_1312 = arith.constant 1 : i32
      %sub3A_1313 = vector.broadcast %sub3A_1312 : i32 to vector<16xi32>
      %sub3A_1314 = arith.subi %add3A_1311, %sub3A_1313 : vector<16xi32>
      %sub3A_1315 = arith.constant 10240 : i32
      %sub3A_1316 = vector.broadcast %sub3A_1315 : i32 to vector<16xi32>
      %sub3A_1317 = arith.subi %sub3A_1316, %add3A_1279 : vector<16xi32>
      %sub3A_1318 = arith.subi %sub3A_1317, %masked_cumsum3A_1310 : vector<16xi32>
      %shift_right_logical3A_1319 = arith.constant 7 : i32
      %shift_right_logical3A_1320 = vector.broadcast %shift_right_logical3A_1319 : i32 to vector<16xi32>
      %shift_right_logical3A_1321 = arith.shrui %sub3A_1314, %shift_right_logical3A_1320 : vector<16xi32>
      %and3A_1322 = arith.constant 127 : i32
      %and3A_1323 = vector.broadcast %and3A_1322 : i32 to vector<16xi32>
      %and3A_1324 = arith.andi %sub3A_1314, %and3A_1323 : vector<16xi32>
      %shift_right_logical3A_1325 = arith.constant 7 : i32
      %shift_right_logical3A_1326 = vector.broadcast %shift_right_logical3A_1325 : i32 to vector<16xi32>
      %shift_right_logical3A_1327 = arith.shrui %sub3A_1318, %shift_right_logical3A_1326 : vector<16xi32>
      %and3A_1328 = arith.constant 127 : i32
      %and3A_1329 = vector.broadcast %and3A_1328 : i32 to vector<16xi32>
      %and3A_1330 = arith.andi %sub3A_1318, %and3A_1329 : vector<16xi32>
      tpu.vector_store_idx %arg10[%shift_right_logical3A_1321, %and3A_1324], %gather3A_1292 masked %and3A_1299 : memref<80x128xi32, #tpu.memory_space<vmem>>[vector<16xi32>, vector<16xi32>], vector<16xi32>, vector<16xi1>
      tpu.vector_store_idx %arg11[%shift_right_logical3A_1321, %and3A_1324], %get3A_1291 masked %and3A_1299 : memref<80x128xi32, #tpu.memory_space<vmem>>[vector<16xi32>, vector<16xi32>], vector<16xi32>, vector<16xi1>
      tpu.vector_store_idx %arg10[%shift_right_logical3A_1327, %and3A_1330], %gather3A_1292 masked %and3A_1302 : memref<80x128xi32, #tpu.memory_space<vmem>>[vector<16xi32>, vector<16xi32>], vector<16xi32>, vector<16xi1>
      tpu.vector_store_idx %arg11[%shift_right_logical3A_1327, %and3A_1330], %get3A_1291 masked %and3A_1302 : memref<80x128xi32, #tpu.memory_space<vmem>>[vector<16xi32>, vector<16xi32>], vector<16xi32>, vector<16xi1>
      %lt3A_1331 = arith.constant 0 : i32
      %lt3A_1332 = vector.broadcast %lt3A_1331 : i32 to vector<16xi32>
      %lt3A_1333 = arith.cmpi slt, %broadcast_in_dim3A_796, %lt3A_1332 : vector<16xi32>
      %add3A_1334 = arith.constant 16 : i32
      %add3A_1335 = vector.broadcast %add3A_1334 : i32 to vector<16xi32>
      %add3A_1336 = arith.addi %broadcast_in_dim3A_796, %add3A_1335 : vector<16xi32>
      %select_n3A_1337 = arith.select %lt3A_1333, %add3A_1336, %broadcast_in_dim3A_796 : vector<16xi1>, vector<16xi32>
      %broadcast_in_dim3A_1338 = vector.shape_cast %select_n3A_1337 : vector<16xi32> to vector<16x1xi32>
      %gather3A_1339 = vector.shape_cast %broadcast_in_dim3A_1338 : vector<16x1xi32> to vector<16xi32>
      %gather3A_1340 = tpu.dynamic_gather %masked_cumsum3A_1306[%gather3A_1339] in [0] : vector<16xi32>, vector<16xi32> -> vector<16xi32>
      %add3A_1341 = arith.addi %add3A_1268, %gather3A_1340 : vector<16xi32>
      %lt3A_1342 = arith.constant 0 : i32
      %lt3A_1343 = vector.broadcast %lt3A_1342 : i32 to vector<16xi32>
      %lt3A_1344 = arith.cmpi slt, %broadcast_in_dim3A_796, %lt3A_1343 : vector<16xi32>
      %add3A_1345 = arith.constant 16 : i32
      %add3A_1346 = vector.broadcast %add3A_1345 : i32 to vector<16xi32>
      %add3A_1347 = arith.addi %broadcast_in_dim3A_796, %add3A_1346 : vector<16xi32>
      %select_n3A_1348 = arith.select %lt3A_1344, %add3A_1347, %broadcast_in_dim3A_796 : vector<16xi1>, vector<16xi32>
      %broadcast_in_dim3A_1349 = vector.shape_cast %select_n3A_1348 : vector<16xi32> to vector<16x1xi32>
      %gather3A_1350 = vector.shape_cast %broadcast_in_dim3A_1349 : vector<16x1xi32> to vector<16xi32>
      %gather3A_1351 = tpu.dynamic_gather %masked_cumsum3A_1310[%gather3A_1350] in [0] : vector<16xi32>, vector<16xi32> -> vector<16xi32>
      %add3A_1352 = arith.addi %add3A_1279, %gather3A_1351 : vector<16xi32>
      scf.yield %add3A_1341, %add3A_1352 : vector<16xi32>, vector<16xi32>
    }
    %scan3A_805 = arith.constant 312 : i32
    %get3A = arith.constant 9984 : index
    %get3A_806 = tpu.vector_load %arg9[%get3A] {strides = array<i32>} : memref<10000xi32, #tpu.memory_space<vmem>>, vector<16xi32>,
    %get3A_807 = arith.constant 9984 : index
    %get3A_808 = tpu.vector_load %arg8[%get3A_807] {strides = array<i32>} : memref<10000xi32, #tpu.memory_space<vmem>>, vector<16xi32>,
    %gather3A = tpu.vector_load_idx %arg7[%get3A_806] : memref<10016xi32, #tpu.memory_space<vmem>>[vector<16xi32>], vector<16xi32>,
    %ge3A = arith.constant 0 : i32
    %ge3A_809 = vector.broadcast %ge3A : i32 to vector<16xi32>
    %ge3A_810 = arith.cmpi sge, %gather3A, %ge3A_809 : vector<16xi32>
    %lt3A = arith.constant 5120 : i32
    %lt3A_811 = vector.broadcast %lt3A : i32 to vector<16xi32>
    %lt3A_812 = arith.cmpi slt, %get3A_808, %lt3A_811 : vector<16xi32>
    %and3A = arith.andi %ge3A_810, %lt3A_812 : vector<16xi1>
    %not3A = arith.constant dense<true> : vector<16xi1>
    %not3A_813 = arith.xori %lt3A_812, %not3A : vector<16xi1>
    %and3A_814 = arith.andi %ge3A_810, %not3A_813 : vector<16xi1>
    %convert_element_type3A_815 = arith.extui %and3A : vector<16xi1> to vector<16xi32>
    %broadcast_in_dim3A_816 = arith.constant true
    %broadcast_in_dim3A_817 = vector.broadcast %broadcast_in_dim3A_816 : i1 to vector<16xi1>
    %masked_cumsum3A = tpu.scan <sum>, %convert_element_type3A_815 masked %broadcast_in_dim3A_817 : vector<16xi32>, vector<16xi1> -> vector<16xi32>
    %convert_element_type3A_818 = arith.extui %and3A_814 : vector<16xi1> to vector<16xi32>
    %broadcast_in_dim3A_819 = arith.constant true
    %broadcast_in_dim3A_820 = vector.broadcast %broadcast_in_dim3A_819 : i1 to vector<16xi1>
    %masked_cumsum3A_821 = tpu.scan <sum>, %convert_element_type3A_818 masked %broadcast_in_dim3A_820 : vector<16xi32>, vector<16xi1> -> vector<16xi32>
    %add3A_822 = arith.addi %scan3A_804#0, %masked_cumsum3A : vector<16xi32>
    %sub3A = arith.constant 1 : i32
    %sub3A_823 = vector.broadcast %sub3A : i32 to vector<16xi32>
    %sub3A_824 = arith.subi %add3A_822, %sub3A_823 : vector<16xi32>
    %sub3A_825 = arith.constant 10240 : i32
    %sub3A_826 = vector.broadcast %sub3A_825 : i32 to vector<16xi32>
    %sub3A_827 = arith.subi %sub3A_826, %scan3A_804#1 : vector<16xi32>
    %sub3A_828 = arith.subi %sub3A_827, %masked_cumsum3A_821 : vector<16xi32>
    %shift_right_logical3A = arith.constant 7 : i32
    %shift_right_logical3A_829 = vector.broadcast %shift_right_logical3A : i32 to vector<16xi32>
    %shift_right_logical3A_830 = arith.shrui %sub3A_824, %shift_right_logical3A_829 : vector<16xi32>
    %and3A_831 = arith.constant 127 : i32
    %and3A_832 = vector.broadcast %and3A_831 : i32 to vector<16xi32>
    %and3A_833 = arith.andi %sub3A_824, %and3A_832 : vector<16xi32>
    %shift_right_logical3A_834 = arith.constant 7 : i32
    %shift_right_logical3A_835 = vector.broadcast %shift_right_logical3A_834 : i32 to vector<16xi32>
    %shift_right_logical3A_836 = arith.shrui %sub3A_828, %shift_right_logical3A_835 : vector<16xi32>
    %and3A_837 = arith.constant 127 : i32
    %and3A_838 = vector.broadcast %and3A_837 : i32 to vector<16xi32>
    %and3A_839 = arith.andi %sub3A_828, %and3A_838 : vector<16xi32>
    tpu.vector_store_idx %arg10[%shift_right_logical3A_830, %and3A_833], %gather3A masked %and3A : memref<80x128xi32, #tpu.memory_space<vmem>>[vector<16xi32>, vector<16xi32>], vector<16xi32>, vector<16xi1>
    tpu.vector_store_idx %arg11[%shift_right_logical3A_830, %and3A_833], %get3A_808 masked %and3A : memref<80x128xi32, #tpu.memory_space<vmem>>[vector<16xi32>, vector<16xi32>], vector<16xi32>, vector<16xi1>
    tpu.vector_store_idx %arg10[%shift_right_logical3A_836, %and3A_839], %gather3A masked %and3A_814 : memref<80x128xi32, #tpu.memory_space<vmem>>[vector<16xi32>, vector<16xi32>], vector<16xi32>, vector<16xi1>
    tpu.vector_store_idx %arg11[%shift_right_logical3A_836, %and3A_839], %get3A_808 masked %and3A_814 : memref<80x128xi32, #tpu.memory_space<vmem>>[vector<16xi32>, vector<16xi32>], vector<16xi32>, vector<16xi1>
    %lt3A_840 = arith.constant 0 : i32
    %lt3A_841 = vector.broadcast %lt3A_840 : i32 to vector<16xi32>
    %lt3A_842 = arith.cmpi slt, %broadcast_in_dim3A_796, %lt3A_841 : vector<16xi32>
    %add3A_843 = arith.constant 16 : i32
    %add3A_844 = vector.broadcast %add3A_843 : i32 to vector<16xi32>
    %add3A_845 = arith.addi %broadcast_in_dim3A_796, %add3A_844 : vector<16xi32>
    %select_n3A = arith.select %lt3A_842, %add3A_845, %broadcast_in_dim3A_796 : vector<16xi1>, vector<16xi32>
    %broadcast_in_dim3A_846 = vector.shape_cast %select_n3A : vector<16xi32> to vector<16x1xi32>
    %gather3A_847 = vector.shape_cast %broadcast_in_dim3A_846 : vector<16x1xi32> to vector<16xi32>
    %gather3A_848 = tpu.dynamic_gather %masked_cumsum3A[%gather3A_847] in [0] : vector<16xi32>, vector<16xi32> -> vector<16xi32>
    %add3A_849 = arith.addi %scan3A_804#0, %gather3A_848 : vector<16xi32>
    %lt3A_850 = arith.constant 0 : i32
    %lt3A_851 = vector.broadcast %lt3A_850 : i32 to vector<16xi32>
    %lt3A_852 = arith.cmpi slt, %broadcast_in_dim3A_796, %lt3A_851 : vector<16xi32>
    %add3A_853 = arith.constant 16 : i32
    %add3A_854 = vector.broadcast %add3A_853 : i32 to vector<16xi32>
    %add3A_855 = arith.addi %broadcast_in_dim3A_796, %add3A_854 : vector<16xi32>
    %select_n3A_856 = arith.select %lt3A_852, %add3A_855, %broadcast_in_dim3A_796 : vector<16xi1>, vector<16xi32>
    %broadcast_in_dim3A_857 = vector.shape_cast %select_n3A_856 : vector<16xi32> to vector<16x1xi32>
    %gather3A_858 = vector.shape_cast %broadcast_in_dim3A_857 : vector<16x1xi32> to vector<16xi32>
    %gather3A_859 = tpu.dynamic_gather %masked_cumsum3A_821[%gather3A_858] in [0] : vector<16xi32>, vector<16xi32> -> vector<16xi32>
    %add3A_860 = arith.addi %scan3A_804#1, %gather3A_859 : vector<16xi32>
    "tpu.trace_stop"() : () -> ()
    %reduce_max3A = arith.constant true
    %reduce_max3A_861 = vector.broadcast %reduce_max3A : i1 to vector<16xi1>
    %reduce_max3A_862 = arith.constant -2147483648 : i32
    %reduce_max3A_863 = vector.broadcast %reduce_max3A_862 : i32 to vector<16xi32>
    %reduce_max3A_864 = arith.xori %add3A_849, %reduce_max3A_863 : vector<16xi32>
    %reduce_max3A_865 = tpu.scan <max>, %reduce_max3A_864 masked %reduce_max3A_861 : vector<16xi32>, vector<16xi1> -> vector<16xi32>
    %reduce_max3A_866 = arith.xori %reduce_max3A_865, %reduce_max3A_863 : vector<16xi32>
    %reduce_max3A_867 = vector.extract %reduce_max3A_866[15] : i32 from vector<16xi32>
    %reduce_max3A_868 = arith.constant true
    %reduce_max3A_869 = vector.broadcast %reduce_max3A_868 : i1 to vector<16xi1>
    %reduce_max3A_870 = arith.constant -2147483648 : i32
    %reduce_max3A_871 = vector.broadcast %reduce_max3A_870 : i32 to vector<16xi32>
    %reduce_max3A_872 = arith.xori %add3A_860, %reduce_max3A_871 : vector<16xi32>
    %reduce_max3A_873 = tpu.scan <max>, %reduce_max3A_872 masked %reduce_max3A_869 : vector<16xi32>, vector<16xi1> -> vector<16xi32>
    %reduce_max3A_874 = arith.xori %reduce_max3A_873, %reduce_max3A_871 : vector<16xi32>
    %reduce_max3A_875 = vector.extract %reduce_max3A_874[15] : i32 from vector<16xi32>
    %add3A_876 = arith.constant 0 : i32
    %add3A_877 = arith.addi %reduce_max3A_867, %add3A_876 : i32
    %iota3A = tpu.iota {dimensions = array<i32: 0>} : vector<16xi32>
    %add3A_878 = vector.broadcast %add3A_877 : i32 to vector<16xi32>
    %add3A_879 = arith.addi %add3A_878, %iota3A : vector<16xi32>
    %shift_right_logical3A_880 = arith.constant 7 : i32
    %shift_right_logical3A_881 = vector.broadcast %shift_right_logical3A_880 : i32 to vector<16xi32>
    %shift_right_logical3A_882 = arith.shrui %add3A_879, %shift_right_logical3A_881 : vector<16xi32>
    %and3A_883 = arith.constant 127 : i32
    %and3A_884 = vector.broadcast %and3A_883 : i32 to vector<16xi32>
    %and3A_885 = arith.andi %add3A_879, %and3A_884 : vector<16xi32>
    %broadcast_in_dim3A_886 = arith.constant 1024 : i32
    %broadcast_in_dim3A_887 = vector.broadcast %broadcast_in_dim3A_886 : i32 to vector<16xi32>
    tpu.vector_store_idx %arg10[%shift_right_logical3A_882, %and3A_885], %broadcast_in_dim3A_887 : memref<80x128xi32, #tpu.memory_space<vmem>>[vector<16xi32>, vector<16xi32>], vector<16xi32>,
    %broadcast_in_dim3A_888 = arith.constant 0 : i32
    %broadcast_in_dim3A_889 = vector.broadcast %broadcast_in_dim3A_888 : i32 to vector<16xi32>
    tpu.vector_store_idx %arg11[%shift_right_logical3A_882, %and3A_885], %broadcast_in_dim3A_889 : memref<80x128xi32, #tpu.memory_space<vmem>>[vector<16xi32>, vector<16xi32>], vector<16xi32>,
    %add3A_890 = arith.constant 16 : i32
    %add3A_891 = arith.addi %reduce_max3A_867, %add3A_890 : i32
    %iota3A_892 = tpu.iota {dimensions = array<i32: 0>} : vector<16xi32>
    %add3A_893 = vector.broadcast %add3A_891 : i32 to vector<16xi32>
    %add3A_894 = arith.addi %add3A_893, %iota3A_892 : vector<16xi32>
    %shift_right_logical3A_895 = arith.constant 7 : i32
    %shift_right_logical3A_896 = vector.broadcast %shift_right_logical3A_895 : i32 to vector<16xi32>
    %shift_right_logical3A_897 = arith.shrui %add3A_894, %shift_right_logical3A_896 : vector<16xi32>
    %and3A_898 = arith.constant 127 : i32
    %and3A_899 = vector.broadcast %and3A_898 : i32 to vector<16xi32>
    %and3A_900 = arith.andi %add3A_894, %and3A_899 : vector<16xi32>
    %broadcast_in_dim3A_901 = arith.constant 1024 : i32
    %broadcast_in_dim3A_902 = vector.broadcast %broadcast_in_dim3A_901 : i32 to vector<16xi32>
    tpu.vector_store_idx %arg10[%shift_right_logical3A_897, %and3A_900], %broadcast_in_dim3A_902 : memref<80x128xi32, #tpu.memory_space<vmem>>[vector<16xi32>, vector<16xi32>], vector<16xi32>,
    %broadcast_in_dim3A_903 = arith.constant 0 : i32
    %broadcast_in_dim3A_904 = vector.broadcast %broadcast_in_dim3A_903 : i32 to vector<16xi32>
    tpu.vector_store_idx %arg11[%shift_right_logical3A_897, %and3A_900], %broadcast_in_dim3A_904 : memref<80x128xi32, #tpu.memory_space<vmem>>[vector<16xi32>, vector<16xi32>], vector<16xi32>,
    %add3A_905 = arith.constant 32 : i32
    %add3A_906 = arith.addi %reduce_max3A_867, %add3A_905 : i32
    %iota3A_907 = tpu.iota {dimensions = array<i32: 0>} : vector<16xi32>
    %add3A_908 = vector.broadcast %add3A_906 : i32 to vector<16xi32>
    %add3A_909 = arith.addi %add3A_908, %iota3A_907 : vector<16xi32>
    %shift_right_logical3A_910 = arith.constant 7 : i32
    %shift_right_logical3A_911 = vector.broadcast %shift_right_logical3A_910 : i32 to vector<16xi32>
    %shift_right_logical3A_912 = arith.shrui %add3A_909, %shift_right_logical3A_911 : vector<16xi32>
    %and3A_913 = arith.constant 127 : i32
    %and3A_914 = vector.broadcast %and3A_913 : i32 to vector<16xi32>
    %and3A_915 = arith.andi %add3A_909, %and3A_914 : vector<16xi32>
    %broadcast_in_dim3A_916 = arith.constant 1024 : i32
    %broadcast_in_dim3A_917 = vector.broadcast %broadcast_in_dim3A_916 : i32 to vector<16xi32>
    tpu.vector_store_idx %arg10[%shift_right_logical3A_912, %and3A_915], %broadcast_in_dim3A_917 : memref<80x128xi32, #tpu.memory_space<vmem>>[vector<16xi32>, vector<16xi32>], vector<16xi32>,
    %broadcast_in_dim3A_918 = arith.constant 0 : i32
    %broadcast_in_dim3A_919 = vector.broadcast %broadcast_in_dim3A_918 : i32 to vector<16xi32>
    tpu.vector_store_idx %arg11[%shift_right_logical3A_912, %and3A_915], %broadcast_in_dim3A_919 : memref<80x128xi32, #tpu.memory_space<vmem>>[vector<16xi32>, vector<16xi32>], vector<16xi32>,
    %add3A_920 = arith.constant 48 : i32
    %add3A_921 = arith.addi %reduce_max3A_867, %add3A_920 : i32
    %iota3A_922 = tpu.iota {dimensions = array<i32: 0>} : vector<16xi32>
    %add3A_923 = vector.broadcast %add3A_921 : i32 to vector<16xi32>
    %add3A_924 = arith.addi %add3A_923, %iota3A_922 : vector<16xi32>
    %shift_right_logical3A_925 = arith.constant 7 : i32
    %shift_right_logical3A_926 = vector.broadcast %shift_right_logical3A_925 : i32 to vector<16xi32>
    %shift_right_logical3A_927 = arith.shrui %add3A_924, %shift_right_logical3A_926 : vector<16xi32>
    %and3A_928 = arith.constant 127 : i32
    %and3A_929 = vector.broadcast %and3A_928 : i32 to vector<16xi32>
    %and3A_930 = arith.andi %add3A_924, %and3A_929 : vector<16xi32>
    %broadcast_in_dim3A_931 = arith.constant 1024 : i32
    %broadcast_in_dim3A_932 = vector.broadcast %broadcast_in_dim3A_931 : i32 to vector<16xi32>
    tpu.vector_store_idx %arg10[%shift_right_logical3A_927, %and3A_930], %broadcast_in_dim3A_932 : memref<80x128xi32, #tpu.memory_space<vmem>>[vector<16xi32>, vector<16xi32>], vector<16xi32>,
    %broadcast_in_dim3A_933 = arith.constant 0 : i32
    %broadcast_in_dim3A_934 = vector.broadcast %broadcast_in_dim3A_933 : i32 to vector<16xi32>
    tpu.vector_store_idx %arg11[%shift_right_logical3A_927, %and3A_930], %broadcast_in_dim3A_934 : memref<80x128xi32, #tpu.memory_space<vmem>>[vector<16xi32>, vector<16xi32>], vector<16xi32>,
    %add3A_935 = arith.constant 64 : i32
    %add3A_936 = arith.addi %reduce_max3A_867, %add3A_935 : i32
    %iota3A_937 = tpu.iota {dimensions = array<i32: 0>} : vector<16xi32>
    %add3A_938 = vector.broadcast %add3A_936 : i32 to vector<16xi32>
    %add3A_939 = arith.addi %add3A_938, %iota3A_937 : vector<16xi32>
    %shift_right_logical3A_940 = arith.constant 7 : i32
    %shift_right_logical3A_941 = vector.broadcast %shift_right_logical3A_940 : i32 to vector<16xi32>
    %shift_right_logical3A_942 = arith.shrui %add3A_939, %shift_right_logical3A_941 : vector<16xi32>
    %and3A_943 = arith.constant 127 : i32
    %and3A_944 = vector.broadcast %and3A_943 : i32 to vector<16xi32>
    %and3A_945 = arith.andi %add3A_939, %and3A_944 : vector<16xi32>
    %broadcast_in_dim3A_946 = arith.constant 1024 : i32
    %broadcast_in_dim3A_947 = vector.broadcast %broadcast_in_dim3A_946 : i32 to vector<16xi32>
    tpu.vector_store_idx %arg10[%shift_right_logical3A_942, %and3A_945], %broadcast_in_dim3A_947 : memref<80x128xi32, #tpu.memory_space<vmem>>[vector<16xi32>, vector<16xi32>], vector<16xi32>,
    %broadcast_in_dim3A_948 = arith.constant 0 : i32
    %broadcast_in_dim3A_949 = vector.broadcast %broadcast_in_dim3A_948 : i32 to vector<16xi32>
    tpu.vector_store_idx %arg11[%shift_right_logical3A_942, %and3A_945], %broadcast_in_dim3A_949 : memref<80x128xi32, #tpu.memory_space<vmem>>[vector<16xi32>, vector<16xi32>], vector<16xi32>,
    %add3A_950 = arith.constant 80 : i32
    %add3A_951 = arith.addi %reduce_max3A_867, %add3A_950 : i32
    %iota3A_952 = tpu.iota {dimensions = array<i32: 0>} : vector<16xi32>
    %add3A_953 = vector.broadcast %add3A_951 : i32 to vector<16xi32>
    %add3A_954 = arith.addi %add3A_953, %iota3A_952 : vector<16xi32>
    %shift_right_logical3A_955 = arith.constant 7 : i32
    %shift_right_logical3A_956 = vector.broadcast %shift_right_logical3A_955 : i32 to vector<16xi32>
    %shift_right_logical3A_957 = arith.shrui %add3A_954, %shift_right_logical3A_956 : vector<16xi32>
    %and3A_958 = arith.constant 127 : i32
    %and3A_959 = vector.broadcast %and3A_958 : i32 to vector<16xi32>
    %and3A_960 = arith.andi %add3A_954, %and3A_959 : vector<16xi32>
    %broadcast_in_dim3A_961 = arith.constant 1024 : i32
    %broadcast_in_dim3A_962 = vector.broadcast %broadcast_in_dim3A_961 : i32 to vector<16xi32>
    tpu.vector_store_idx %arg10[%shift_right_logical3A_957, %and3A_960], %broadcast_in_dim3A_962 : memref<80x128xi32, #tpu.memory_space<vmem>>[vector<16xi32>, vector<16xi32>], vector<16xi32>,
    %broadcast_in_dim3A_963 = arith.constant 0 : i32
    %broadcast_in_dim3A_964 = vector.broadcast %broadcast_in_dim3A_963 : i32 to vector<16xi32>
    tpu.vector_store_idx %arg11[%shift_right_logical3A_957, %and3A_960], %broadcast_in_dim3A_964 : memref<80x128xi32, #tpu.memory_space<vmem>>[vector<16xi32>, vector<16xi32>], vector<16xi32>,
    %add3A_965 = arith.constant 96 : i32
    %add3A_966 = arith.addi %reduce_max3A_867, %add3A_965 : i32
    %iota3A_967 = tpu.iota {dimensions = array<i32: 0>} : vector<16xi32>
    %add3A_968 = vector.broadcast %add3A_966 : i32 to vector<16xi32>
    %add3A_969 = arith.addi %add3A_968, %iota3A_967 : vector<16xi32>
    %shift_right_logical3A_970 = arith.constant 7 : i32
    %shift_right_logical3A_971 = vector.broadcast %shift_right_logical3A_970 : i32 to vector<16xi32>
    %shift_right_logical3A_972 = arith.shrui %add3A_969, %shift_right_logical3A_971 : vector<16xi32>
    %and3A_973 = arith.constant 127 : i32
    %and3A_974 = vector.broadcast %and3A_973 : i32 to vector<16xi32>
    %and3A_975 = arith.andi %add3A_969, %and3A_974 : vector<16xi32>
    %broadcast_in_dim3A_976 = arith.constant 1024 : i32
    %broadcast_in_dim3A_977 = vector.broadcast %broadcast_in_dim3A_976 : i32 to vector<16xi32>
    tpu.vector_store_idx %arg10[%shift_right_logical3A_972, %and3A_975], %broadcast_in_dim3A_977 : memref<80x128xi32, #tpu.memory_space<vmem>>[vector<16xi32>, vector<16xi32>], vector<16xi32>,
    %broadcast_in_dim3A_978 = arith.constant 0 : i32
    %broadcast_in_dim3A_979 = vector.broadcast %broadcast_in_dim3A_978 : i32 to vector<16xi32>
    tpu.vector_store_idx %arg11[%shift_right_logical3A_972, %and3A_975], %broadcast_in_dim3A_979 : memref<80x128xi32, #tpu.memory_space<vmem>>[vector<16xi32>, vector<16xi32>], vector<16xi32>,
    %add3A_980 = arith.constant 112 : i32
    %add3A_981 = arith.addi %reduce_max3A_867, %add3A_980 : i32
    %iota3A_982 = tpu.iota {dimensions = array<i32: 0>} : vector<16xi32>
    %add3A_983 = vector.broadcast %add3A_981 : i32 to vector<16xi32>
    %add3A_984 = arith.addi %add3A_983, %iota3A_982 : vector<16xi32>
    %shift_right_logical3A_985 = arith.constant 7 : i32
    %shift_right_logical3A_986 = vector.broadcast %shift_right_logical3A_985 : i32 to vector<16xi32>
    %shift_right_logical3A_987 = arith.shrui %add3A_984, %shift_right_logical3A_986 : vector<16xi32>
    %and3A_988 = arith.constant 127 : i32
    %and3A_989 = vector.broadcast %and3A_988 : i32 to vector<16xi32>
    %and3A_990 = arith.andi %add3A_984, %and3A_989 : vector<16xi32>
    %broadcast_in_dim3A_991 = arith.constant 1024 : i32
    %broadcast_in_dim3A_992 = vector.broadcast %broadcast_in_dim3A_991 : i32 to vector<16xi32>
    tpu.vector_store_idx %arg10[%shift_right_logical3A_987, %and3A_990], %broadcast_in_dim3A_992 : memref<80x128xi32, #tpu.memory_space<vmem>>[vector<16xi32>, vector<16xi32>], vector<16xi32>,
    %broadcast_in_dim3A_993 = arith.constant 0 : i32
    %broadcast_in_dim3A_994 = vector.broadcast %broadcast_in_dim3A_993 : i32 to vector<16xi32>
    tpu.vector_store_idx %arg11[%shift_right_logical3A_987, %and3A_990], %broadcast_in_dim3A_994 : memref<80x128xi32, #tpu.memory_space<vmem>>[vector<16xi32>, vector<16xi32>], vector<16xi32>,
    %sub3A_995 = arith.constant 10240 : i32
    %sub3A_996 = arith.subi %sub3A_995, %reduce_max3A_875 : i32
    %sub3A_997 = arith.constant 128 : i32
    %sub3A_998 = arith.subi %sub3A_996, %sub3A_997 : i32
    %add3A_999 = arith.constant 0 : i32
    %add3A_1000 = arith.addi %sub3A_998, %add3A_999 : i32
    %iota3A_1001 = tpu.iota {dimensions = array<i32: 0>} : vector<16xi32>
    %add3A_1002 = vector.broadcast %add3A_1000 : i32 to vector<16xi32>
    %add3A_1003 = arith.addi %add3A_1002, %iota3A_1001 : vector<16xi32>
    %shift_right_logical3A_1004 = arith.constant 7 : i32
    %shift_right_logical3A_1005 = vector.broadcast %shift_right_logical3A_1004 : i32 to vector<16xi32>
    %shift_right_logical3A_1006 = arith.shrui %add3A_1003, %shift_right_logical3A_1005 : vector<16xi32>
    %and3A_1007 = arith.constant 127 : i32
    %and3A_1008 = vector.broadcast %and3A_1007 : i32 to vector<16xi32>
    %and3A_1009 = arith.andi %add3A_1003, %and3A_1008 : vector<16xi32>
    %broadcast_in_dim3A_1010 = arith.constant 1024 : i32
    %broadcast_in_dim3A_1011 = vector.broadcast %broadcast_in_dim3A_1010 : i32 to vector<16xi32>
    tpu.vector_store_idx %arg10[%shift_right_logical3A_1006, %and3A_1009], %broadcast_in_dim3A_1011 : memref<80x128xi32, #tpu.memory_space<vmem>>[vector<16xi32>, vector<16xi32>], vector<16xi32>,
    %broadcast_in_dim3A_1012 = arith.constant 0 : i32
    %broadcast_in_dim3A_1013 = vector.broadcast %broadcast_in_dim3A_1012 : i32 to vector<16xi32>
    tpu.vector_store_idx %arg11[%shift_right_logical3A_1006, %and3A_1009], %broadcast_in_dim3A_1013 : memref<80x128xi32, #tpu.memory_space<vmem>>[vector<16xi32>, vector<16xi32>], vector<16xi32>,
    %sub3A_1014 = arith.constant 10240 : i32
    %sub3A_1015 = arith.subi %sub3A_1014, %reduce_max3A_875 : i32
    %sub3A_1016 = arith.constant 128 : i32
    %sub3A_1017 = arith.subi %sub3A_1015, %sub3A_1016 : i32
    %add3A_1018 = arith.constant 16 : i32
    %add3A_1019 = arith.addi %sub3A_1017, %add3A_1018 : i32
    %iota3A_1020 = tpu.iota {dimensions = array<i32: 0>} : vector<16xi32>
    %add3A_1021 = vector.broadcast %add3A_1019 : i32 to vector<16xi32>
    %add3A_1022 = arith.addi %add3A_1021, %iota3A_1020 : vector<16xi32>
    %shift_right_logical3A_1023 = arith.constant 7 : i32
    %shift_right_logical3A_1024 = vector.broadcast %shift_right_logical3A_1023 : i32 to vector<16xi32>
    %shift_right_logical3A_1025 = arith.shrui %add3A_1022, %shift_right_logical3A_1024 : vector<16xi32>
    %and3A_1026 = arith.constant 127 : i32
    %and3A_1027 = vector.broadcast %and3A_1026 : i32 to vector<16xi32>
    %and3A_1028 = arith.andi %add3A_1022, %and3A_1027 : vector<16xi32>
    %broadcast_in_dim3A_1029 = arith.constant 1024 : i32
    %broadcast_in_dim3A_1030 = vector.broadcast %broadcast_in_dim3A_1029 : i32 to vector<16xi32>
    tpu.vector_store_idx %arg10[%shift_right_logical3A_1025, %and3A_1028], %broadcast_in_dim3A_1030 : memref<80x128xi32, #tpu.memory_space<vmem>>[vector<16xi32>, vector<16xi32>], vector<16xi32>,
    %broadcast_in_dim3A_1031 = arith.constant 0 : i32
    %broadcast_in_dim3A_1032 = vector.broadcast %broadcast_in_dim3A_1031 : i32 to vector<16xi32>
    tpu.vector_store_idx %arg11[%shift_right_logical3A_1025, %and3A_1028], %broadcast_in_dim3A_1032 : memref<80x128xi32, #tpu.memory_space<vmem>>[vector<16xi32>, vector<16xi32>], vector<16xi32>,
    %sub3A_1033 = arith.constant 10240 : i32
    %sub3A_1034 = arith.subi %sub3A_1033, %reduce_max3A_875 : i32
    %sub3A_1035 = arith.constant 128 : i32
    %sub3A_1036 = arith.subi %sub3A_1034, %sub3A_1035 : i32
    %add3A_1037 = arith.constant 32 : i32
    %add3A_1038 = arith.addi %sub3A_1036, %add3A_1037 : i32
    %iota3A_1039 = tpu.iota {dimensions = array<i32: 0>} : vector<16xi32>
    %add3A_1040 = vector.broadcast %add3A_1038 : i32 to vector<16xi32>
    %add3A_1041 = arith.addi %add3A_1040, %iota3A_1039 : vector<16xi32>
    %shift_right_logical3A_1042 = arith.constant 7 : i32
    %shift_right_logical3A_1043 = vector.broadcast %shift_right_logical3A_1042 : i32 to vector<16xi32>
    %shift_right_logical3A_1044 = arith.shrui %add3A_1041, %shift_right_logical3A_1043 : vector<16xi32>
    %and3A_1045 = arith.constant 127 : i32
    %and3A_1046 = vector.broadcast %and3A_1045 : i32 to vector<16xi32>
    %and3A_1047 = arith.andi %add3A_1041, %and3A_1046 : vector<16xi32>
    %broadcast_in_dim3A_1048 = arith.constant 1024 : i32
    %broadcast_in_dim3A_1049 = vector.broadcast %broadcast_in_dim3A_1048 : i32 to vector<16xi32>
    tpu.vector_store_idx %arg10[%shift_right_logical3A_1044, %and3A_1047], %broadcast_in_dim3A_1049 : memref<80x128xi32, #tpu.memory_space<vmem>>[vector<16xi32>, vector<16xi32>], vector<16xi32>,
    %broadcast_in_dim3A_1050 = arith.constant 0 : i32
    %broadcast_in_dim3A_1051 = vector.broadcast %broadcast_in_dim3A_1050 : i32 to vector<16xi32>
    tpu.vector_store_idx %arg11[%shift_right_logical3A_1044, %and3A_1047], %broadcast_in_dim3A_1051 : memref<80x128xi32, #tpu.memory_space<vmem>>[vector<16xi32>, vector<16xi32>], vector<16xi32>,
    %sub3A_1052 = arith.constant 10240 : i32
    %sub3A_1053 = arith.subi %sub3A_1052, %reduce_max3A_875 : i32
    %sub3A_1054 = arith.constant 128 : i32
    %sub3A_1055 = arith.subi %sub3A_1053, %sub3A_1054 : i32
    %add3A_1056 = arith.constant 48 : i32
    %add3A_1057 = arith.addi %sub3A_1055, %add3A_1056 : i32
    %iota3A_1058 = tpu.iota {dimensions = array<i32: 0>} : vector<16xi32>
    %add3A_1059 = vector.broadcast %add3A_1057 : i32 to vector<16xi32>
    %add3A_1060 = arith.addi %add3A_1059, %iota3A_1058 : vector<16xi32>
    %shift_right_logical3A_1061 = arith.constant 7 : i32
    %shift_right_logical3A_1062 = vector.broadcast %shift_right_logical3A_1061 : i32 to vector<16xi32>
    %shift_right_logical3A_1063 = arith.shrui %add3A_1060, %shift_right_logical3A_1062 : vector<16xi32>
    %and3A_1064 = arith.constant 127 : i32
    %and3A_1065 = vector.broadcast %and3A_1064 : i32 to vector<16xi32>
    %and3A_1066 = arith.andi %add3A_1060, %and3A_1065 : vector<16xi32>
    %broadcast_in_dim3A_1067 = arith.constant 1024 : i32
    %broadcast_in_dim3A_1068 = vector.broadcast %broadcast_in_dim3A_1067 : i32 to vector<16xi32>
    tpu.vector_store_idx %arg10[%shift_right_logical3A_1063, %and3A_1066], %broadcast_in_dim3A_1068 : memref<80x128xi32, #tpu.memory_space<vmem>>[vector<16xi32>, vector<16xi32>], vector<16xi32>,
    %broadcast_in_dim3A_1069 = arith.constant 0 : i32
    %broadcast_in_dim3A_1070 = vector.broadcast %broadcast_in_dim3A_1069 : i32 to vector<16xi32>
    tpu.vector_store_idx %arg11[%shift_right_logical3A_1063, %and3A_1066], %broadcast_in_dim3A_1070 : memref<80x128xi32, #tpu.memory_space<vmem>>[vector<16xi32>, vector<16xi32>], vector<16xi32>,
    %sub3A_1071 = arith.constant 10240 : i32
    %sub3A_1072 = arith.subi %sub3A_1071, %reduce_max3A_875 : i32
    %sub3A_1073 = arith.constant 128 : i32
    %sub3A_1074 = arith.subi %sub3A_1072, %sub3A_1073 : i32
    %add3A_1075 = arith.constant 64 : i32
    %add3A_1076 = arith.addi %sub3A_1074, %add3A_1075 : i32
    %iota3A_1077 = tpu.iota {dimensions = array<i32: 0>} : vector<16xi32>
    %add3A_1078 = vector.broadcast %add3A_1076 : i32 to vector<16xi32>
    %add3A_1079 = arith.addi %add3A_1078, %iota3A_1077 : vector<16xi32>
    %shift_right_logical3A_1080 = arith.constant 7 : i32
    %shift_right_logical3A_1081 = vector.broadcast %shift_right_logical3A_1080 : i32 to vector<16xi32>
    %shift_right_logical3A_1082 = arith.shrui %add3A_1079, %shift_right_logical3A_1081 : vector<16xi32>
    %and3A_1083 = arith.constant 127 : i32
    %and3A_1084 = vector.broadcast %and3A_1083 : i32 to vector<16xi32>
    %and3A_1085 = arith.andi %add3A_1079, %and3A_1084 : vector<16xi32>
    %broadcast_in_dim3A_1086 = arith.constant 1024 : i32
    %broadcast_in_dim3A_1087 = vector.broadcast %broadcast_in_dim3A_1086 : i32 to vector<16xi32>
    tpu.vector_store_idx %arg10[%shift_right_logical3A_1082, %and3A_1085], %broadcast_in_dim3A_1087 : memref<80x128xi32, #tpu.memory_space<vmem>>[vector<16xi32>, vector<16xi32>], vector<16xi32>,
    %broadcast_in_dim3A_1088 = arith.constant 0 : i32
    %broadcast_in_dim3A_1089 = vector.broadcast %broadcast_in_dim3A_1088 : i32 to vector<16xi32>
    tpu.vector_store_idx %arg11[%shift_right_logical3A_1082, %and3A_1085], %broadcast_in_dim3A_1089 : memref<80x128xi32, #tpu.memory_space<vmem>>[vector<16xi32>, vector<16xi32>], vector<16xi32>,
    %sub3A_1090 = arith.constant 10240 : i32
    %sub3A_1091 = arith.subi %sub3A_1090, %reduce_max3A_875 : i32
    %sub3A_1092 = arith.constant 128 : i32
    %sub3A_1093 = arith.subi %sub3A_1091, %sub3A_1092 : i32
    %add3A_1094 = arith.constant 80 : i32
    %add3A_1095 = arith.addi %sub3A_1093, %add3A_1094 : i32
    %iota3A_1096 = tpu.iota {dimensions = array<i32: 0>} : vector<16xi32>
    %add3A_1097 = vector.broadcast %add3A_1095 : i32 to vector<16xi32>
    %add3A_1098 = arith.addi %add3A_1097, %iota3A_1096 : vector<16xi32>
    %shift_right_logical3A_1099 = arith.constant 7 : i32
    %shift_right_logical3A_1100 = vector.broadcast %shift_right_logical3A_1099 : i32 to vector<16xi32>
    %shift_right_logical3A_1101 = arith.shrui %add3A_1098, %shift_right_logical3A_1100 : vector<16xi32>
    %and3A_1102 = arith.constant 127 : i32
    %and3A_1103 = vector.broadcast %and3A_1102 : i32 to vector<16xi32>
    %and3A_1104 = arith.andi %add3A_1098, %and3A_1103 : vector<16xi32>
    %broadcast_in_dim3A_1105 = arith.constant 1024 : i32
    %broadcast_in_dim3A_1106 = vector.broadcast %broadcast_in_dim3A_1105 : i32 to vector<16xi32>
    tpu.vector_store_idx %arg10[%shift_right_logical3A_1101, %and3A_1104], %broadcast_in_dim3A_1106 : memref<80x128xi32, #tpu.memory_space<vmem>>[vector<16xi32>, vector<16xi32>], vector<16xi32>,
    %broadcast_in_dim3A_1107 = arith.constant 0 : i32
    %broadcast_in_dim3A_1108 = vector.broadcast %broadcast_in_dim3A_1107 : i32 to vector<16xi32>
    tpu.vector_store_idx %arg11[%shift_right_logical3A_1101, %and3A_1104], %broadcast_in_dim3A_1108 : memref<80x128xi32, #tpu.memory_space<vmem>>[vector<16xi32>, vector<16xi32>], vector<16xi32>,
    %sub3A_1109 = arith.constant 10240 : i32
    %sub3A_1110 = arith.subi %sub3A_1109, %reduce_max3A_875 : i32
    %sub3A_1111 = arith.constant 128 : i32
    %sub3A_1112 = arith.subi %sub3A_1110, %sub3A_1111 : i32
    %add3A_1113 = arith.constant 96 : i32
    %add3A_1114 = arith.addi %sub3A_1112, %add3A_1113 : i32
    %iota3A_1115 = tpu.iota {dimensions = array<i32: 0>} : vector<16xi32>
    %add3A_1116 = vector.broadcast %add3A_1114 : i32 to vector<16xi32>
    %add3A_1117 = arith.addi %add3A_1116, %iota3A_1115 : vector<16xi32>
    %shift_right_logical3A_1118 = arith.constant 7 : i32
    %shift_right_logical3A_1119 = vector.broadcast %shift_right_logical3A_1118 : i32 to vector<16xi32>
    %shift_right_logical3A_1120 = arith.shrui %add3A_1117, %shift_right_logical3A_1119 : vector<16xi32>
    %and3A_1121 = arith.constant 127 : i32
    %and3A_1122 = vector.broadcast %and3A_1121 : i32 to vector<16xi32>
    %and3A_1123 = arith.andi %add3A_1117, %and3A_1122 : vector<16xi32>
    %broadcast_in_dim3A_1124 = arith.constant 1024 : i32
    %broadcast_in_dim3A_1125 = vector.broadcast %broadcast_in_dim3A_1124 : i32 to vector<16xi32>
    tpu.vector_store_idx %arg10[%shift_right_logical3A_1120, %and3A_1123], %broadcast_in_dim3A_1125 : memref<80x128xi32, #tpu.memory_space<vmem>>[vector<16xi32>, vector<16xi32>], vector<16xi32>,
    %broadcast_in_dim3A_1126 = arith.constant 0 : i32
    %broadcast_in_dim3A_1127 = vector.broadcast %broadcast_in_dim3A_1126 : i32 to vector<16xi32>
    tpu.vector_store_idx %arg11[%shift_right_logical3A_1120, %and3A_1123], %broadcast_in_dim3A_1127 : memref<80x128xi32, #tpu.memory_space<vmem>>[vector<16xi32>, vector<16xi32>], vector<16xi32>,
    %sub3A_1128 = arith.constant 10240 : i32
    %sub3A_1129 = arith.subi %sub3A_1128, %reduce_max3A_875 : i32
    %sub3A_1130 = arith.constant 128 : i32
    %sub3A_1131 = arith.subi %sub3A_1129, %sub3A_1130 : i32
    %add3A_1132 = arith.constant 112 : i32
    %add3A_1133 = arith.addi %sub3A_1131, %add3A_1132 : i32
    %iota3A_1134 = tpu.iota {dimensions = array<i32: 0>} : vector<16xi32>
    %add3A_1135 = vector.broadcast %add3A_1133 : i32 to vector<16xi32>
    %add3A_1136 = arith.addi %add3A_1135, %iota3A_1134 : vector<16xi32>
    %shift_right_logical3A_1137 = arith.constant 7 : i32
    %shift_right_logical3A_1138 = vector.broadcast %shift_right_logical3A_1137 : i32 to vector<16xi32>
    %shift_right_logical3A_1139 = arith.shrui %add3A_1136, %shift_right_logical3A_1138 : vector<16xi32>
    %and3A_1140 = arith.constant 127 : i32
    %and3A_1141 = vector.broadcast %and3A_1140 : i32 to vector<16xi32>
    %and3A_1142 = arith.andi %add3A_1136, %and3A_1141 : vector<16xi32>
    %broadcast_in_dim3A_1143 = arith.constant 1024 : i32
    %broadcast_in_dim3A_1144 = vector.broadcast %broadcast_in_dim3A_1143 : i32 to vector<16xi32>
    tpu.vector_store_idx %arg10[%shift_right_logical3A_1139, %and3A_1142], %broadcast_in_dim3A_1144 : memref<80x128xi32, #tpu.memory_space<vmem>>[vector<16xi32>, vector<16xi32>], vector<16xi32>,
    %broadcast_in_dim3A_1145 = arith.constant 0 : i32
    %broadcast_in_dim3A_1146 = vector.broadcast %broadcast_in_dim3A_1145 : i32 to vector<16xi32>
    tpu.vector_store_idx %arg11[%shift_right_logical3A_1139, %and3A_1142], %broadcast_in_dim3A_1146 : memref<80x128xi32, #tpu.memory_space<vmem>>[vector<16xi32>, vector<16xi32>], vector<16xi32>,
    %barrier3A_1147 = arith.constant 0 : index
    tpu.barrier barrier_id(%barrier3A_1147)
    %add3A_1148 = arith.constant 128 : i32
    %add3A_1149 = arith.addi %reduce_max3A_867, %add3A_1148 : i32
    %sub3A_1150 = arith.constant 1 : i32
    %sub3A_1151 = arith.subi %add3A_1149, %sub3A_1150 : i32
    %shift_right_logical3A_1152 = arith.constant 7 : i32
    %shift_right_logical3A_1153 = arith.shrui %sub3A_1151, %shift_right_logical3A_1152 : i32
    %add3A_1154 = arith.constant 128 : i32
    %add3A_1155 = arith.addi %reduce_max3A_875, %add3A_1154 : i32
    %sub3A_1156 = arith.constant 1 : i32
    %sub3A_1157 = arith.subi %add3A_1155, %sub3A_1156 : i32
    %shift_right_logical3A_1158 = arith.constant 7 : i32
    %shift_right_logical3A_1159 = arith.shrui %sub3A_1157, %shift_right_logical3A_1158 : i32
    %while3A = arith.constant 0 : i32
    %while3A_1160 = arith.constant 0 : i32
    "tpu.trace_start"() <{level = 10 : i32, message = "mainloop"}> : () -> ()
    %while3A_1161 = arith.subi %shift_right_logical3A_1153, %while3A_1160 : i32
    %while3A_1162 = arith.addi %while3A_1160, %while3A_1161 : i32
    %while3A_1163 = arith.constant 1 : i32
    %while3A_1164 = arith.divsi %while3A_1161, %while3A_1163 : i32
    %while3A_1165 = arith.muli %while3A_1164, %while3A_1163 : i32
    %while3A_1166 = arith.addi %while3A_1160, %while3A_1165 : i32
    %while3A_1167 = arith.constant 1 : i32
    scf.for %while3A_1206 = %while3A_1160 to %while3A_1166 step %while3A_1167  : i32 {
      "tpu.region"() ({
        %run_scoped3A = tpu.sem_alloc : memref<!tpu.dma_semaphore, #tpu.memory_space<semaphore_mem>>
        %dma_start3A = arith.constant 0 : i32
        %dma_start3A_1207 = tpu.memref_slice %arg11[%while3A_1206, %dma_start3A] : memref<80x128xi32, #tpu.memory_space<vmem>> -> memref<1x128xi32, #tpu.memory_space<vmem>>
        %dma_start3A_1208 = tpu.memref_squeeze %dma_start3A_1207 : memref<1x128xi32, #tpu.memory_space<vmem>> -> memref<128xi32, #tpu.memory_space<vmem>>
        %dma_start3A_1209 = arith.constant 0 : i32
        %dma_start3A_1210 = arith.constant 0 : i32
        %dma_start3A_1211 = tpu.memref_slice %arg18[%dma_start3A_1209, %dma_start3A_1210] : memref<5120x128xf32, #tpu.memory_space<vmem_shared>> -> memref<5120x128xf32, #tpu.memory_space<vmem_shared>>
        tpu.enqueue_indirect_dma source(%dma_start3A_1211 : memref<5120x128xf32, #tpu.memory_space<vmem_shared>>) target(%arg12 : memref<128x128xf32, #tpu.memory_space<vmem>>) offsets(%dma_start3A_1208 : memref<128xi32, #tpu.memory_space<vmem>>) semaphore(%run_scoped3A : memref<!tpu.dma_semaphore, #tpu.memory_space<semaphore_mem>>)
        %dma_wait3A = arith.constant 0 : i32
        %dma_wait3A_1212 = tpu.memref_slice %arg11[%while3A_1206, %dma_wait3A] : memref<80x128xi32, #tpu.memory_space<vmem>> -> memref<1x128xi32, #tpu.memory_space<vmem>>
        %dma_wait3A_1213 = tpu.memref_squeeze %dma_wait3A_1212 : memref<1x128xi32, #tpu.memory_space<vmem>> -> memref<128xi32, #tpu.memory_space<vmem>>
        %dma_wait3A_1214 = arith.constant 0 : i32
        %dma_wait3A_1215 = arith.constant 0 : i32
        %dma_wait3A_1216 = tpu.memref_slice %arg18[%dma_wait3A_1214, %dma_wait3A_1215] : memref<5120x128xf32, #tpu.memory_space<vmem_shared>> -> memref<5120x128xf32, #tpu.memory_space<vmem_shared>>
        tpu.wait_indirect_dma semaphore(%run_scoped3A : memref<!tpu.dma_semaphore, #tpu.memory_space<semaphore_mem>>) src(%dma_wait3A_1216 : memref<5120x128xf32, #tpu.memory_space<vmem_shared>>) dst(%arg12 : memref<128x128xf32, #tpu.memory_space<vmem>>)
        tpu.yield
      }) : () -> ()
      "tpu.region"() ({
        %run_scoped3A = tpu.sem_alloc : memref<!tpu.dma_semaphore, #tpu.memory_space<semaphore_mem>>
        %dma_start3A = arith.constant 0 : i32
        %dma_start3A_1207 = tpu.memref_slice %arg10[%while3A_1206, %dma_start3A] : memref<80x128xi32, #tpu.memory_space<vmem>> -> memref<1x128xi32, #tpu.memory_space<vmem>>
        %dma_start3A_1208 = tpu.memref_squeeze %dma_start3A_1207 : memref<1x128xi32, #tpu.memory_space<vmem>> -> memref<128xi32, #tpu.memory_space<vmem>>
        %dma_start3A_1209 = arith.constant 0 : i32
        %dma_start3A_1210 = arith.constant 0 : i32
        %dma_start3A_1211 = tpu.memref_slice %arg16[%dma_start3A_1209, %dma_start3A_1210] : memref<1280x128xf32, #tpu.memory_space<vmem_shared>> -> memref<1280x128xf32, #tpu.memory_space<vmem_shared>>
        tpu.enqueue_indirect_dma source(%arg12 : memref<128x128xf32, #tpu.memory_space<vmem>>) target(%dma_start3A_1211 : memref<1280x128xf32, #tpu.memory_space<vmem_shared>>) offsets(%dma_start3A_1208 : memref<128xi32, #tpu.memory_space<vmem>>) semaphore(%run_scoped3A : memref<!tpu.dma_semaphore, #tpu.memory_space<semaphore_mem>>) {add = true}
        %dma_wait3A = arith.constant 0 : i32
        %dma_wait3A_1212 = tpu.memref_slice %arg10[%while3A_1206, %dma_wait3A] : memref<80x128xi32, #tpu.memory_space<vmem>> -> memref<1x128xi32, #tpu.memory_space<vmem>>
        %dma_wait3A_1213 = tpu.memref_squeeze %dma_wait3A_1212 : memref<1x128xi32, #tpu.memory_space<vmem>> -> memref<128xi32, #tpu.memory_space<vmem>>
        %dma_wait3A_1214 = arith.constant 0 : i32
        %dma_wait3A_1215 = arith.constant 0 : i32
        %dma_wait3A_1216 = tpu.memref_slice %arg16[%dma_wait3A_1214, %dma_wait3A_1215] : memref<1280x128xf32, #tpu.memory_space<vmem_shared>> -> memref<1280x128xf32, #tpu.memory_space<vmem_shared>>
        tpu.wait_indirect_dma semaphore(%run_scoped3A : memref<!tpu.dma_semaphore, #tpu.memory_space<semaphore_mem>>) src(%arg12 : memref<128x128xf32, #tpu.memory_space<vmem>>) dst(%dma_wait3A_1216 : memref<1280x128xf32, #tpu.memory_space<vmem_shared>>)
        tpu.yield
      }) : () -> ()
    }
    %while3A_1168 = arith.constant 1 : i32
    scf.for %while3A_1206 = %while3A_1166 to %while3A_1162 step %while3A_1168  : i32 {
      "tpu.region"() ({
        %run_scoped3A = tpu.sem_alloc : memref<!tpu.dma_semaphore, #tpu.memory_space<semaphore_mem>>
        %dma_start3A = arith.constant 0 : i32
        %dma_start3A_1207 = tpu.memref_slice %arg11[%while3A_1206, %dma_start3A] : memref<80x128xi32, #tpu.memory_space<vmem>> -> memref<1x128xi32, #tpu.memory_space<vmem>>
        %dma_start3A_1208 = tpu.memref_squeeze %dma_start3A_1207 : memref<1x128xi32, #tpu.memory_space<vmem>> -> memref<128xi32, #tpu.memory_space<vmem>>
        %dma_start3A_1209 = arith.constant 0 : i32
        %dma_start3A_1210 = arith.constant 0 : i32
        %dma_start3A_1211 = tpu.memref_slice %arg18[%dma_start3A_1209, %dma_start3A_1210] : memref<5120x128xf32, #tpu.memory_space<vmem_shared>> -> memref<5120x128xf32, #tpu.memory_space<vmem_shared>>
        tpu.enqueue_indirect_dma source(%dma_start3A_1211 : memref<5120x128xf32, #tpu.memory_space<vmem_shared>>) target(%arg12 : memref<128x128xf32, #tpu.memory_space<vmem>>) offsets(%dma_start3A_1208 : memref<128xi32, #tpu.memory_space<vmem>>) semaphore(%run_scoped3A : memref<!tpu.dma_semaphore, #tpu.memory_space<semaphore_mem>>)
        %dma_wait3A = arith.constant 0 : i32
        %dma_wait3A_1212 = tpu.memref_slice %arg11[%while3A_1206, %dma_wait3A] : memref<80x128xi32, #tpu.memory_space<vmem>> -> memref<1x128xi32, #tpu.memory_space<vmem>>
        %dma_wait3A_1213 = tpu.memref_squeeze %dma_wait3A_1212 : memref<1x128xi32, #tpu.memory_space<vmem>> -> memref<128xi32, #tpu.memory_space<vmem>>
        %dma_wait3A_1214 = arith.constant 0 : i32
        %dma_wait3A_1215 = arith.constant 0 : i32
        %dma_wait3A_1216 = tpu.memref_slice %arg18[%dma_wait3A_1214, %dma_wait3A_1215] : memref<5120x128xf32, #tpu.memory_space<vmem_shared>> -> memref<5120x128xf32, #tpu.memory_space<vmem_shared>>
        tpu.wait_indirect_dma semaphore(%run_scoped3A : memref<!tpu.dma_semaphore, #tpu.memory_space<semaphore_mem>>) src(%dma_wait3A_1216 : memref<5120x128xf32, #tpu.memory_space<vmem_shared>>) dst(%arg12 : memref<128x128xf32, #tpu.memory_space<vmem>>)
        tpu.yield
      }) : () -> ()
      "tpu.region"() ({
        %run_scoped3A = tpu.sem_alloc : memref<!tpu.dma_semaphore, #tpu.memory_space<semaphore_mem>>
        %dma_start3A = arith.constant 0 : i32
        %dma_start3A_1207 = tpu.memref_slice %arg10[%while3A_1206, %dma_start3A] : memref<80x128xi32, #tpu.memory_space<vmem>> -> memref<1x128xi32, #tpu.memory_space<vmem>>
        %dma_start3A_1208 = tpu.memref_squeeze %dma_start3A_1207 : memref<1x128xi32, #tpu.memory_space<vmem>> -> memref<128xi32, #tpu.memory_space<vmem>>
        %dma_start3A_1209 = arith.constant 0 : i32
        %dma_start3A_1210 = arith.constant 0 : i32
        %dma_start3A_1211 = tpu.memref_slice %arg16[%dma_start3A_1209, %dma_start3A_1210] : memref<1280x128xf32, #tpu.memory_space<vmem_shared>> -> memref<1280x128xf32, #tpu.memory_space<vmem_shared>>
        tpu.enqueue_indirect_dma source(%arg12 : memref<128x128xf32, #tpu.memory_space<vmem>>) target(%dma_start3A_1211 : memref<1280x128xf32, #tpu.memory_space<vmem_shared>>) offsets(%dma_start3A_1208 : memref<128xi32, #tpu.memory_space<vmem>>) semaphore(%run_scoped3A : memref<!tpu.dma_semaphore, #tpu.memory_space<semaphore_mem>>) {add = true}
        %dma_wait3A = arith.constant 0 : i32
        %dma_wait3A_1212 = tpu.memref_slice %arg10[%while3A_1206, %dma_wait3A] : memref<80x128xi32, #tpu.memory_space<vmem>> -> memref<1x128xi32, #tpu.memory_space<vmem>>
        %dma_wait3A_1213 = tpu.memref_squeeze %dma_wait3A_1212 : memref<1x128xi32, #tpu.memory_space<vmem>> -> memref<128xi32, #tpu.memory_space<vmem>>
        %dma_wait3A_1214 = arith.constant 0 : i32
        %dma_wait3A_1215 = arith.constant 0 : i32
        %dma_wait3A_1216 = tpu.memref_slice %arg16[%dma_wait3A_1214, %dma_wait3A_1215] : memref<1280x128xf32, #tpu.memory_space<vmem_shared>> -> memref<1280x128xf32, #tpu.memory_space<vmem_shared>>
        tpu.wait_indirect_dma semaphore(%run_scoped3A : memref<!tpu.dma_semaphore, #tpu.memory_space<semaphore_mem>>) src(%arg12 : memref<128x128xf32, #tpu.memory_space<vmem>>) dst(%dma_wait3A_1216 : memref<1280x128xf32, #tpu.memory_space<vmem_shared>>)
        tpu.yield
      }) : () -> ()
    }
    %sub3A_1169 = arith.constant 80 : i32
    %sub3A_1170 = arith.subi %sub3A_1169, %shift_right_logical3A_1159 : i32
    %while3A_1171 = arith.constant 0 : i32
    %while3A_1172 = arith.constant 80 : i32
    %while3A_1173 = arith.subi %while3A_1172, %sub3A_1170 : i32
    %while3A_1174 = arith.addi %sub3A_1170, %while3A_1173 : i32
    %while3A_1175 = arith.constant 1 : i32
    %while3A_1176 = arith.divsi %while3A_1173, %while3A_1175 : i32
    %while3A_1177 = arith.muli %while3A_1176, %while3A_1175 : i32
    %while3A_1178 = arith.addi %sub3A_1170, %while3A_1177 : i32
    %while3A_1179 = arith.constant 1 : i32
    scf.for %while3A_1206 = %sub3A_1170 to %while3A_1178 step %while3A_1179  : i32 {
      "tpu.region"() ({
        %run_scoped3A = tpu.sem_alloc : memref<!tpu.dma_semaphore, #tpu.memory_space<semaphore_mem>>
        %dma_start3A = arith.constant 0 : i32
        %dma_start3A_1207 = tpu.memref_slice %arg11[%while3A_1206, %dma_start3A] : memref<80x128xi32, #tpu.memory_space<vmem>> -> memref<1x128xi32, #tpu.memory_space<vmem>>
        %dma_start3A_1208 = tpu.memref_squeeze %dma_start3A_1207 : memref<1x128xi32, #tpu.memory_space<vmem>> -> memref<128xi32, #tpu.memory_space<vmem>>
        %dma_start3A_1209 = arith.constant 0 : i32
        %dma_start3A_1210 = arith.constant 0 : i32
        %dma_start3A_1211 = tpu.memref_slice %arg2[%dma_start3A_1209, %dma_start3A_1210] : memref<10000x128xf32, #tpu.memory_space<hbm>> -> memref<10000x128xf32, #tpu.memory_space<hbm>>
        tpu.enqueue_indirect_dma source(%dma_start3A_1211 : memref<10000x128xf32, #tpu.memory_space<hbm>>) target(%arg12 : memref<128x128xf32, #tpu.memory_space<vmem>>) offsets(%dma_start3A_1208 : memref<128xi32, #tpu.memory_space<vmem>>) semaphore(%run_scoped3A : memref<!tpu.dma_semaphore, #tpu.memory_space<semaphore_mem>>)
        %dma_wait3A = arith.constant 0 : i32
        %dma_wait3A_1212 = tpu.memref_slice %arg11[%while3A_1206, %dma_wait3A] : memref<80x128xi32, #tpu.memory_space<vmem>> -> memref<1x128xi32, #tpu.memory_space<vmem>>
        %dma_wait3A_1213 = tpu.memref_squeeze %dma_wait3A_1212 : memref<1x128xi32, #tpu.memory_space<vmem>> -> memref<128xi32, #tpu.memory_space<vmem>>
        %dma_wait3A_1214 = arith.constant 0 : i32
        %dma_wait3A_1215 = arith.constant 0 : i32
        %dma_wait3A_1216 = tpu.memref_slice %arg2[%dma_wait3A_1214, %dma_wait3A_1215] : memref<10000x128xf32, #tpu.memory_space<hbm>> -> memref<10000x128xf32, #tpu.memory_space<hbm>>
        tpu.wait_indirect_dma semaphore(%run_scoped3A : memref<!tpu.dma_semaphore, #tpu.memory_space<semaphore_mem>>) src(%dma_wait3A_1216 : memref<10000x128xf32, #tpu.memory_space<hbm>>) dst(%arg12 : memref<128x128xf32, #tpu.memory_space<vmem>>)
        tpu.yield
      }) : () -> ()
      "tpu.region"() ({
        %run_scoped3A = tpu.sem_alloc : memref<!tpu.dma_semaphore, #tpu.memory_space<semaphore_mem>>
        %dma_start3A = arith.constant 0 : i32
        %dma_start3A_1207 = tpu.memref_slice %arg10[%while3A_1206, %dma_start3A] : memref<80x128xi32, #tpu.memory_space<vmem>> -> memref<1x128xi32, #tpu.memory_space<vmem>>
        %dma_start3A_1208 = tpu.memref_squeeze %dma_start3A_1207 : memref<1x128xi32, #tpu.memory_space<vmem>> -> memref<128xi32, #tpu.memory_space<vmem>>
        %dma_start3A_1209 = arith.constant 0 : i32
        %dma_start3A_1210 = arith.constant 0 : i32
        %dma_start3A_1211 = tpu.memref_slice %arg16[%dma_start3A_1209, %dma_start3A_1210] : memref<1280x128xf32, #tpu.memory_space<vmem_shared>> -> memref<1280x128xf32, #tpu.memory_space<vmem_shared>>
        tpu.enqueue_indirect_dma source(%arg12 : memref<128x128xf32, #tpu.memory_space<vmem>>) target(%dma_start3A_1211 : memref<1280x128xf32, #tpu.memory_space<vmem_shared>>) offsets(%dma_start3A_1208 : memref<128xi32, #tpu.memory_space<vmem>>) semaphore(%run_scoped3A : memref<!tpu.dma_semaphore, #tpu.memory_space<semaphore_mem>>) {add = true}
        %dma_wait3A = arith.constant 0 : i32
        %dma_wait3A_1212 = tpu.memref_slice %arg10[%while3A_1206, %dma_wait3A] : memref<80x128xi32, #tpu.memory_space<vmem>> -> memref<1x128xi32, #tpu.memory_space<vmem>>
        %dma_wait3A_1213 = tpu.memref_squeeze %dma_wait3A_1212 : memref<1x128xi32, #tpu.memory_space<vmem>> -> memref<128xi32, #tpu.memory_space<vmem>>
        %dma_wait3A_1214 = arith.constant 0 : i32
        %dma_wait3A_1215 = arith.constant 0 : i32
        %dma_wait3A_1216 = tpu.memref_slice %arg16[%dma_wait3A_1214, %dma_wait3A_1215] : memref<1280x128xf32, #tpu.memory_space<vmem_shared>> -> memref<1280x128xf32, #tpu.memory_space<vmem_shared>>
        tpu.wait_indirect_dma semaphore(%run_scoped3A : memref<!tpu.dma_semaphore, #tpu.memory_space<semaphore_mem>>) src(%arg12 : memref<128x128xf32, #tpu.memory_space<vmem>>) dst(%dma_wait3A_1216 : memref<1280x128xf32, #tpu.memory_space<vmem_shared>>)
        tpu.yield
      }) : () -> ()
    }
    %while3A_1180 = arith.constant 1 : i32
    scf.for %while3A_1206 = %while3A_1178 to %while3A_1174 step %while3A_1180  : i32 {
      "tpu.region"() ({
        %run_scoped3A = tpu.sem_alloc : memref<!tpu.dma_semaphore, #tpu.memory_space<semaphore_mem>>
        %dma_start3A = arith.constant 0 : i32
        %dma_start3A_1207 = tpu.memref_slice %arg11[%while3A_1206, %dma_start3A] : memref<80x128xi32, #tpu.memory_space<vmem>> -> memref<1x128xi32, #tpu.memory_space<vmem>>
        %dma_start3A_1208 = tpu.memref_squeeze %dma_start3A_1207 : memref<1x128xi32, #tpu.memory_space<vmem>> -> memref<128xi32, #tpu.memory_space<vmem>>
        %dma_start3A_1209 = arith.constant 0 : i32
        %dma_start3A_1210 = arith.constant 0 : i32
        %dma_start3A_1211 = tpu.memref_slice %arg2[%dma_start3A_1209, %dma_start3A_1210] : memref<10000x128xf32, #tpu.memory_space<hbm>> -> memref<10000x128xf32, #tpu.memory_space<hbm>>
        tpu.enqueue_indirect_dma source(%dma_start3A_1211 : memref<10000x128xf32, #tpu.memory_space<hbm>>) target(%arg12 : memref<128x128xf32, #tpu.memory_space<vmem>>) offsets(%dma_start3A_1208 : memref<128xi32, #tpu.memory_space<vmem>>) semaphore(%run_scoped3A : memref<!tpu.dma_semaphore, #tpu.memory_space<semaphore_mem>>)
        %dma_wait3A = arith.constant 0 : i32
        %dma_wait3A_1212 = tpu.memref_slice %arg11[%while3A_1206, %dma_wait3A] : memref<80x128xi32, #tpu.memory_space<vmem>> -> memref<1x128xi32, #tpu.memory_space<vmem>>
        %dma_wait3A_1213 = tpu.memref_squeeze %dma_wait3A_1212 : memref<1x128xi32, #tpu.memory_space<vmem>> -> memref<128xi32, #tpu.memory_space<vmem>>
        %dma_wait3A_1214 = arith.constant 0 : i32
        %dma_wait3A_1215 = arith.constant 0 : i32
        %dma_wait3A_1216 = tpu.memref_slice %arg2[%dma_wait3A_1214, %dma_wait3A_1215] : memref<10000x128xf32, #tpu.memory_space<hbm>> -> memref<10000x128xf32, #tpu.memory_space<hbm>>
        tpu.wait_indirect_dma semaphore(%run_scoped3A : memref<!tpu.dma_semaphore, #tpu.memory_space<semaphore_mem>>) src(%dma_wait3A_1216 : memref<10000x128xf32, #tpu.memory_space<hbm>>) dst(%arg12 : memref<128x128xf32, #tpu.memory_space<vmem>>)
        tpu.yield
      }) : () -> ()
      "tpu.region"() ({
        %run_scoped3A = tpu.sem_alloc : memref<!tpu.dma_semaphore, #tpu.memory_space<semaphore_mem>>
        %dma_start3A = arith.constant 0 : i32
        %dma_start3A_1207 = tpu.memref_slice %arg10[%while3A_1206, %dma_start3A] : memref<80x128xi32, #tpu.memory_space<vmem>> -> memref<1x128xi32, #tpu.memory_space<vmem>>
        %dma_start3A_1208 = tpu.memref_squeeze %dma_start3A_1207 : memref<1x128xi32, #tpu.memory_space<vmem>> -> memref<128xi32, #tpu.memory_space<vmem>>
        %dma_start3A_1209 = arith.constant 0 : i32
        %dma_start3A_1210 = arith.constant 0 : i32
        %dma_start3A_1211 = tpu.memref_slice %arg16[%dma_start3A_1209, %dma_start3A_1210] : memref<1280x128xf32, #tpu.memory_space<vmem_shared>> -> memref<1280x128xf32, #tpu.memory_space<vmem_shared>>
        tpu.enqueue_indirect_dma source(%arg12 : memref<128x128xf32, #tpu.memory_space<vmem>>) target(%dma_start3A_1211 : memref<1280x128xf32, #tpu.memory_space<vmem_shared>>) offsets(%dma_start3A_1208 : memref<128xi32, #tpu.memory_space<vmem>>) semaphore(%run_scoped3A : memref<!tpu.dma_semaphore, #tpu.memory_space<semaphore_mem>>) {add = true}
        %dma_wait3A = arith.constant 0 : i32
        %dma_wait3A_1212 = tpu.memref_slice %arg10[%while3A_1206, %dma_wait3A] : memref<80x128xi32, #tpu.memory_space<vmem>> -> memref<1x128xi32, #tpu.memory_space<vmem>>
        %dma_wait3A_1213 = tpu.memref_squeeze %dma_wait3A_1212 : memref<1x128xi32, #tpu.memory_space<vmem>> -> memref<128xi32, #tpu.memory_space<vmem>>
        %dma_wait3A_1214 = arith.constant 0 : i32
        %dma_wait3A_1215 = arith.constant 0 : i32
        %dma_wait3A_1216 = tpu.memref_slice %arg16[%dma_wait3A_1214, %dma_wait3A_1215] : memref<1280x128xf32, #tpu.memory_space<vmem_shared>> -> memref<1280x128xf32, #tpu.memory_space<vmem_shared>>
        tpu.wait_indirect_dma semaphore(%run_scoped3A : memref<!tpu.dma_semaphore, #tpu.memory_space<semaphore_mem>>) src(%arg12 : memref<128x128xf32, #tpu.memory_space<vmem>>) dst(%dma_wait3A_1216 : memref<1280x128xf32, #tpu.memory_space<vmem_shared>>)
        tpu.yield
      }) : () -> ()
    }
    "tpu.trace_stop"() : () -> ()
    %barrier3A_1181 = arith.constant 0 : index
    tpu.barrier barrier_id(%barrier3A_1181)
    "tpu.trace_start"() <{level = 10 : i32, message = "readout"}> : () -> ()
    %mul3A_1182 = arith.constant 64 : i32
    %mul3A_1183 = arith.muli %arg1, %mul3A_1182 : i32
    "tpu.region"() ({
      %run_scoped3A = tpu.sem_alloc : memref<!tpu.dma_semaphore, #tpu.memory_space<semaphore_mem>>
      %dma_start3A = arith.constant 0 : i32
      %dma_start3A_1206 = tpu.memref_slice %arg14[%dma_start3A] : memref<1024xi32, #tpu.memory_space<vmem>> -> memref<64xi32, #tpu.memory_space<vmem>>
      %dma_start3A_1207 = tpu.memref_slice %arg5[%mul3A_1183] : memref<1024xi32, #tpu.memory_space<hbm>> -> memref<64xi32, #tpu.memory_space<hbm>>
      %dma_start3A_1208 = arith.constant 0 : i32
      %dma_start3A_1209 = tpu.memref_slice %arg14[%dma_start3A_1208] : memref<1024xi32, #tpu.memory_space<vmem>> -> memref<64xi32, #tpu.memory_space<vmem>>
      %dma_start3A_1210 = tpu.memref_slice %arg5[%mul3A_1183] : memref<1024xi32, #tpu.memory_space<hbm>> -> memref<64xi32, #tpu.memory_space<hbm>>
      tpu.enqueue_dma source(%dma_start3A_1210 : memref<64xi32, #tpu.memory_space<hbm>>) target(%dma_start3A_1209 : memref<64xi32, #tpu.memory_space<vmem>>) target_semaphore(%run_scoped3A : memref<!tpu.dma_semaphore, #tpu.memory_space<semaphore_mem>>)
      %dma_wait3A = arith.constant 0 : i32
      %dma_wait3A_1211 = tpu.memref_slice %arg14[%dma_wait3A] : memref<1024xi32, #tpu.memory_space<vmem>> -> memref<64xi32, #tpu.memory_space<vmem>>
      %dma_wait3A_1212 = tpu.memref_slice %arg5[%mul3A_1183] : memref<1024xi32, #tpu.memory_space<hbm>> -> memref<64xi32, #tpu.memory_space<hbm>>
      %dma_wait3A_1213 = arith.constant 0 : i32
      %dma_wait3A_1214 = tpu.memref_slice %arg14[%dma_wait3A_1213] : memref<1024xi32, #tpu.memory_space<vmem>> -> memref<64xi32, #tpu.memory_space<vmem>>
      %dma_wait3A_1215 = tpu.memref_slice %arg5[%mul3A_1183] : memref<1024xi32, #tpu.memory_space<hbm>> -> memref<64xi32, #tpu.memory_space<hbm>>
      tpu.wait_dma2 semaphore(%run_scoped3A : memref<!tpu.dma_semaphore, #tpu.memory_space<semaphore_mem>>) src(%dma_wait3A_1215 : memref<64xi32, #tpu.memory_space<hbm>>) dst(%dma_wait3A_1214 : memref<64xi32, #tpu.memory_space<vmem>>)
      tpu.yield
    }) : () -> ()
    "tpu.trace_stop"() : () -> ()
    %get3A_1184 = arith.constant 0 : index
    %get3A_1185 = tpu.vector_load %arg14[%get3A_1184] {strides = array<i32>} : memref<1024xi32, #tpu.memory_space<vmem>>, vector<16xi32>,
    %gather3A_1186 = tpu.vector_load_idx %arg7[%get3A_1185] : memref<10016xi32, #tpu.memory_space<vmem>>[vector<16xi32>], vector<16xi32>,
    %swap3A_1187 = arith.constant 0 : index
    %swap3A_1188 = tpu.vector_load %arg14[%swap3A_1187] {strides = array<i32>} : memref<1024xi32, #tpu.memory_space<vmem>>, vector<16xi32>,
    tpu.vector_store %arg14[%swap3A_1187], %gather3A_1186 {strides = array<i32>} : memref<1024xi32, #tpu.memory_space<vmem>>, vector<16xi32>,
    %get3A_1189 = arith.constant 16 : index
    %get3A_1190 = tpu.vector_load %arg14[%get3A_1189] {strides = array<i32>} : memref<1024xi32, #tpu.memory_space<vmem>>, vector<16xi32>,
    %gather3A_1191 = tpu.vector_load_idx %arg7[%get3A_1190] : memref<10016xi32, #tpu.memory_space<vmem>>[vector<16xi32>], vector<16xi32>,
    %swap3A_1192 = arith.constant 16 : index
    %swap3A_1193 = tpu.vector_load %arg14[%swap3A_1192] {strides = array<i32>} : memref<1024xi32, #tpu.memory_space<vmem>>, vector<16xi32>,
    tpu.vector_store %arg14[%swap3A_1192], %gather3A_1191 {strides = array<i32>} : memref<1024xi32, #tpu.memory_space<vmem>>, vector<16xi32>,
    %get3A_1194 = arith.constant 32 : index
    %get3A_1195 = tpu.vector_load %arg14[%get3A_1194] {strides = array<i32>} : memref<1024xi32, #tpu.memory_space<vmem>>, vector<16xi32>,
    %gather3A_1196 = tpu.vector_load_idx %arg7[%get3A_1195] : memref<10016xi32, #tpu.memory_space<vmem>>[vector<16xi32>], vector<16xi32>,
    %swap3A_1197 = arith.constant 32 : index
    %swap3A_1198 = tpu.vector_load %arg14[%swap3A_1197] {strides = array<i32>} : memref<1024xi32, #tpu.memory_space<vmem>>, vector<16xi32>,
    tpu.vector_store %arg14[%swap3A_1197], %gather3A_1196 {strides = array<i32>} : memref<1024xi32, #tpu.memory_space<vmem>>, vector<16xi32>,
    %get3A_1199 = arith.constant 48 : index
    %get3A_1200 = tpu.vector_load %arg14[%get3A_1199] {strides = array<i32>} : memref<1024xi32, #tpu.memory_space<vmem>>, vector<16xi32>,
    %gather3A_1201 = tpu.vector_load_idx %arg7[%get3A_1200] : memref<10016xi32, #tpu.memory_space<vmem>>[vector<16xi32>], vector<16xi32>,
    %swap3A_1202 = arith.constant 48 : index
    %swap3A_1203 = tpu.vector_load %arg14[%swap3A_1202] {strides = array<i32>} : memref<1024xi32, #tpu.memory_space<vmem>>, vector<16xi32>,
    tpu.vector_store %arg14[%swap3A_1202], %gather3A_1201 {strides = array<i32>} : memref<1024xi32, #tpu.memory_space<vmem>>, vector<16xi32>,
    "tpu.region"() ({
      %run_scoped3A = tpu.sem_alloc : memref<!tpu.dma_semaphore, #tpu.memory_space<semaphore_mem>>
      %dma_start3A = arith.constant 0 : i32
      %dma_start3A_1206 = tpu.memref_slice %arg14[%dma_start3A] : memref<1024xi32, #tpu.memory_space<vmem>> -> memref<64xi32, #tpu.memory_space<vmem>>
      %dma_start3A_1207 = arith.constant 0 : i32
      %dma_start3A_1208 = arith.constant 0 : i32
      %dma_start3A_1209 = tpu.memref_slice %arg16[%dma_start3A_1207, %dma_start3A_1208] : memref<1280x128xf32, #tpu.memory_space<vmem_shared>> -> memref<1280x128xf32, #tpu.memory_space<vmem_shared>>
      tpu.enqueue_indirect_dma source(%dma_start3A_1209 : memref<1280x128xf32, #tpu.memory_space<vmem_shared>>) target(%arg15 : memref<64x128xf32, #tpu.memory_space<vmem>>) offsets(%dma_start3A_1206 : memref<64xi32, #tpu.memory_space<vmem>>) semaphore(%run_scoped3A : memref<!tpu.dma_semaphore, #tpu.memory_space<semaphore_mem>>)
      %dma_wait3A = arith.constant 0 : i32
      %dma_wait3A_1210 = tpu.memref_slice %arg14[%dma_wait3A] : memref<1024xi32, #tpu.memory_space<vmem>> -> memref<64xi32, #tpu.memory_space<vmem>>
      %dma_wait3A_1211 = arith.constant 0 : i32
      %dma_wait3A_1212 = arith.constant 0 : i32
      %dma_wait3A_1213 = tpu.memref_slice %arg16[%dma_wait3A_1211, %dma_wait3A_1212] : memref<1280x128xf32, #tpu.memory_space<vmem_shared>> -> memref<1280x128xf32, #tpu.memory_space<vmem_shared>>
      tpu.wait_indirect_dma semaphore(%run_scoped3A : memref<!tpu.dma_semaphore, #tpu.memory_space<semaphore_mem>>) src(%dma_wait3A_1213 : memref<1280x128xf32, #tpu.memory_space<vmem_shared>>) dst(%arg15 : memref<64x128xf32, #tpu.memory_space<vmem>>)
      tpu.yield
    }) : () -> ()
    %mul3A_1204 = arith.constant 64 : i32
    %mul3A_1205 = arith.muli %arg1, %mul3A_1204 : i32
    "tpu.region"() ({
      %run_scoped3A = tpu.sem_alloc : memref<!tpu.dma_semaphore, #tpu.memory_space<semaphore_mem>>
      %dma_start3A = arith.constant 0 : i32
      %dma_start3A_1206 = tpu.memref_slice %arg6[%arg0, %mul3A_1205, %dma_start3A] : memref<2x1024x128xf32, #tpu.memory_space<hbm>> -> memref<1x64x128xf32, #tpu.memory_space<hbm>>
      %dma_start3A_1207 = tpu.memref_squeeze %dma_start3A_1206 : memref<1x64x128xf32, #tpu.memory_space<hbm>> -> memref<64x128xf32, #tpu.memory_space<hbm>>
      %dma_start3A_1208 = arith.constant 0 : i32
      %dma_start3A_1209 = tpu.memref_slice %arg6[%arg0, %mul3A_1205, %dma_start3A_1208] : memref<2x1024x128xf32, #tpu.memory_space<hbm>> -> memref<1x64x128xf32, #tpu.memory_space<hbm>>
      %dma_start3A_1210 = tpu.memref_squeeze %dma_start3A_1209 : memref<1x64x128xf32, #tpu.memory_space<hbm>> -> memref<64x128xf32, #tpu.memory_space<hbm>>
      tpu.enqueue_dma source(%arg15 : memref<64x128xf32, #tpu.memory_space<vmem>>) target(%dma_start3A_1210 : memref<64x128xf32, #tpu.memory_space<hbm>>) target_semaphore(%run_scoped3A : memref<!tpu.dma_semaphore, #tpu.memory_space<semaphore_mem>>)
      %dma_wait3A = arith.constant 0 : i32
      %dma_wait3A_1211 = tpu.memref_slice %arg6[%arg0, %mul3A_1205, %dma_wait3A] : memref<2x1024x128xf32, #tpu.memory_space<hbm>> -> memref<1x64x128xf32, #tpu.memory_space<hbm>>
      %dma_wait3A_1212 = tpu.memref_squeeze %dma_wait3A_1211 : memref<1x64x128xf32, #tpu.memory_space<hbm>> -> memref<64x128xf32, #tpu.memory_space<hbm>>
      %dma_wait3A_1213 = arith.constant 0 : i32
      %dma_wait3A_1214 = tpu.memref_slice %arg6[%arg0, %mul3A_1205, %dma_wait3A_1213] : memref<2x1024x128xf32, #tpu.memory_space<hbm>> -> memref<1x64x128xf32, #tpu.memory_space<hbm>>
      %dma_wait3A_1215 = tpu.memref_squeeze %dma_wait3A_1214 : memref<1x64x128xf32, #tpu.memory_space<hbm>> -> memref<64x128xf32, #tpu.memory_space<hbm>>
      tpu.wait_dma2 semaphore(%run_scoped3A : memref<!tpu.dma_semaphore, #tpu.memory_space<semaphore_mem>>) src(%arg15 : memref<64x128xf32, #tpu.memory_space<vmem>>) dst(%dma_wait3A_1215 : memref<64x128xf32, #tpu.memory_space<hbm>>)
      tpu.yield
    }) : () -> ()
    return
  }
}

module attributes {stable_mosaic.version = 14 : i64} {
  func.func @_combine_body(%arg0: memref<2x1024x128xf32, #tpu.memory_space<vmem>>, %arg1: memref<1024x128xf32, #tpu.memory_space<vmem>>) attributes {dimension_semantics = [], scalar_prefetch = 0 : i64, scratch_operands = 0 : i64, tpu.core_type = #tpu.core_type<tc>} {
    %get3A = arith.constant 0 : index
    %get3A_0 = arith.constant 0 : index
    %get3A_1 = arith.constant 0 : index
    %get3A_2 = vector.load %arg0[%get3A, %get3A_0, %get3A_1] : memref<2x1024x128xf32, #tpu.memory_space<vmem>>, vector<1x1024x128xf32>
    %get3A_3 = vector.shape_cast %get3A_2 : vector<1x1024x128xf32> to vector<1024x128xf32>
    %get3A_4 = arith.constant 1 : index
    %get3A_5 = arith.constant 0 : index
    %get3A_6 = arith.constant 0 : index
    %get3A_7 = vector.load %arg0[%get3A_4, %get3A_5, %get3A_6] : memref<2x1024x128xf32, #tpu.memory_space<vmem>>, vector<1x1024x128xf32>
    %get3A_8 = vector.shape_cast %get3A_7 : vector<1x1024x128xf32> to vector<1024x128xf32>
    %add3A = arith.addf %get3A_3, %get3A_8 : vector<1024x128xf32>
    %swap3A = arith.constant 0 : index
    %swap3A_9 = arith.constant 0 : index
    %swap3A_10 = vector.load %arg1[%swap3A, %swap3A_9] : memref<1024x128xf32, #tpu.memory_space<vmem>>, vector<1024x128xf32>
    tpu.vector_store %arg1[%swap3A, %swap3A_9], %add3A {strides = array<i32>} : memref<1024x128xf32, #tpu.memory_space<vmem>>, vector<1024x128xf32>,
    return
  }
}

</mosaic_0001>

<sc_bundles>
// kernel: _sc_agg.4.cloned.1.call-start
scs
__scs_entry_jumppad:
0x0: {  	(pc) =	sbr.rel $0x88, $3  }
0x1: {  	(tag) =	ssettag $0x0;
	lr =	simm.s32 $0x1  }
0x2: {  	[smem:$0x3F9D] =	sst lr;
	_ =	strace $0xD0000000  }
0x3: {  	_ = 	snop  }
0x4: {  	_ = 	snop  }
0x5: {  	_ = 	snop  }
0x6: {  	_ = 	snop  }
0x7: {  	_ = 	snop  }
__scs_overlays_trampoline_lowered:
0x8: {  	[smem:$0x3FAC] =	sst s0  }
0x9: {  	[smem:$0x3FAD] =	sst s1  }
0xa: {  	[smem:$0x3FAE] =	sst s2  }
0xb: {  	[smem:$0x3FAF] =	sst s3  }
0xc: {  	[smem:$0x3FB0] =	sst s4  }
0xd: {  	[smem:$0x3FB1] =	sst s5  }
0xe: {  	[smem:$0x3FB2] =	sst s6  }
0xf: {  	[smem:$0x3FB3] =	sst s7  }
0x10: {  	[smem:$0x3FB4] =	sst s8  }
0x11: {  	[smem:$0x3FB5] =	sst s9;
	s0 =	simm.s32 @!p0 $0x0  }
0x12: {  	s1 =	sld [smem:$0x3F9B];
	s0 =	simm.s32 @p0 $0x1  }
0x13: {  	[smem:$0x3FB6] =	sst s0;
	s0 =	simm.s32 @!p1 $0x0  }
0x14: {  	s2 =	sld [smem:$0x3F9A];
	s0 =	simm.s32 @p1 $0x1  }
0x15: {  	[smem:$0x3FB7] =	sst s0;
	s0 =	simm.s32 @!p2 $0x0  }
0x16: {  	s3 =	sld [smem:$0x3FDB];
	s0 =	simm.s32 @p2 $0x1  }
0x17: {  	s4 =	simm.s32 $0x1BF5;
	[smem:$0x3FB9] =	sst s0  }
0x18: {  	s0 =	sld [smem:$0x3F9C];
	_ =	swait.ge [sflag:s4], $0x0  }
0x19: {  	s7 =	sld [smem:$0x3F9D]  }
0x1a: {  	s8 =	sadd.s32 $0xFFFFE003, lr  }
0x1b: {  	s9 =	sadd.s32 $0xFFFFFEF7, lr;
	s5 =	simm.s32 $0xFFFFFFFF;
	p2 =	slt.u32 s8, $0xFFFFF086  }
0x1c: {  	p1 =	slt.u32 s9, $0xF7A;
	s5 =	simm.s32 @!p2 $0x0  }
0x1d: {  	s5 =	simm.s32 @p1 $0x1;
	p0 =	seq.s32 s7, s2  }
0x1e: {  	s7 =	smul.u32 @!p0 $0xF7A, s2;
	p2 =	seq.s32 @!p0 s5, $0x0  }
0x1f: {  	s9 =	smul.u32 $0xF7A, s1;
	s8 =	simm.s32 @!p0 $0x1BF5;
	p2 =	por !p2, p0  }
0x20: {  	[sflag:s8] =	ssyncset.s32 @!p0 $0xFFFFF086;
	s6 =	sadd.s32 @!p0 s3, s7;
	s7 =	simm.s32 @!p0 $0x108  }
0x21: {  	s3 =	sadd.s32 s3, s9;
	s6 =	sadd.s32 @!p0 $0x88, s6;
	s7 =	simm.s32 @p2 $0x1082  }
0x22: {  	[simem:s7], [sflag:s8] =	dma.local @!p0 [hbm:s6], $0xF7A  }
0x23: {  	s9 =	sor.u32 $0xD0000000, s2;
	s6 =	simm.s32 $0x108;
	_ =	swait.ge @!p0 [sflag:s8], $0x0  }
0x24: {  	s3 =	sadd.s32 $0x88, s3;
	s6 =	simm.s32 @!p1 $0x1082;
	[sflag:s4] =	ssyncset.s32 $0xFFFFF086  }
0x25: {  	[simem:s6], [sflag:s4] =	dma.local [hbm:s3], $0xF7A  }
0x26: {  	[smem:$0x3F9D] =	sst s1;
	(tag) =	ssettag s2;
	_ =	strace s9  }
0x27: {  	s1 =	sld [smem:$0x3FAD]  }
0x28: {  	s2 =	sld [smem:$0x3FAE]  }
0x29: {  	s4 =	sld [smem:$0x3FB0]  }
0x2a: {  	p0 =	seq.s32 s5, $0x0;
	s5 =	sld [smem:$0x3FB1]  }
0x2b: {  	s6 =	sld [smem:$0x3FB2]  }
0x2c: {  	s7 =	sld [smem:$0x3FB3]  }
0x2d: {  	s3 =	simm.s32 $0x108;
	s8 =	sld [smem:$0x3FB4]  }
0x2e: {  	s3 =	simm.s32 @!p0 $0x1082;
	s9 =	sld [smem:$0x3FB5]  }
0x2f: {  	lr =	sadd.s32 s0, s3;
	s0 =	sld [smem:$0x3FAC]  }
0x30: {  	s3 =	sld [smem:$0x3FAF]  }
0x31: {  	[smem:$0x3FB8] =	sst s10  }
0x32: {  	s10 =	sld [smem:$0x3FB6];
	_ =	sdelay $0x3  }
0x33: {  	p0 =	seq.s32 s10, $0x1;
	s10 =	sld [smem:$0x3FB8];
	_ =	sdelay $0x3  }
0x34: {  	[smem:$0x3FB8] =	sst s10  }
0x35: {  	s10 =	sld [smem:$0x3FB7];
	_ =	sdelay $0x3  }
0x36: {  	p1 =	seq.s32 s10, $0x1;
	s10 =	sld [smem:$0x3FB8];
	_ =	sdelay $0x3  }
0x37: {  	[smem:$0x3FB8] =	sst s10  }
0x38: {  	s10 =	sld [smem:$0x3FB9]  }
0x39: {  	_ = 	snop;
	(pc) =	sbr.ind lr, $3  }
0x3a: {  	_ = 	snop  }
0x3b: {  	_ = 	snop  }
0x3c: {  	p2 =	seq.s32 s10, $0x1;
	s10 =	sld [smem:$0x3FB8]  }
0x3d: {  	_ =	shalt  }
0x3e: {  	_ =	shalt  }
0x3f: {  	_ =	shalt  }
0x40: {  	_ =	shalt  }
0x41: {  	_ =	shalt  }
0x42: {  	_ =	shalt  }
0x43: {  	_ =	shalt  }
0x44: {  	_ =	shalt  }
0x45: {  	_ =	shalt  }
0x46: {  	_ =	shalt  }
0x47: {  	_ =	shalt  }
0x48: {  	_ =	shalt  }
0x49: {  	_ =	shalt  }
0x4a: {  	_ =	shalt  }
0x4b: {  	_ =	shalt  }
0x4c: {  	_ =	shalt  }
0x4d: {  	_ =	shalt  }
0x4e: {  	_ =	shalt  }
0x4f: {  	_ =	shalt  }
0x50: {  	_ =	shalt  }
0x51: {  	_ =	shalt  }
0x52: {  	_ =	shalt  }
0x53: {  	_ =	shalt  }
0x54: {  	_ =	shalt  }
0x55: {  	_ =	shalt  }
0x56: {  	_ =	shalt  }
0x57: {  	_ =	shalt  }
0x58: {  	_ =	shalt  }
0x59: {  	_ =	shalt  }
0x5a: {  	_ =	shalt  }
0x5b: {  	_ =	shalt  }
0x5c: {  	_ =	shalt  }
0x5d: {  	_ =	shalt  }
0x5e: {  	_ =	shalt  }
0x5f: {  	_ =	shalt  }
0x60: {  	_ =	shalt  }
0x61: {  	_ =	shalt  }
0x62: {  	_ =	shalt  }
0x63: {  	_ =	shalt  }
0x64: {  	_ =	shalt  }
0x65: {  	_ =	shalt  }
0x66: {  	_ =	shalt  }
0x67: {  	_ =	shalt  }
0x68: {  	_ =	shalt  }
0x69: {  	_ =	shalt  }
0x6a: {  	_ =	shalt  }
0x6b: {  	_ =	shalt  }
0x6c: {  	_ =	shalt  }
0x6d: {  	_ =	shalt  }
0x6e: {  	_ =	shalt  }
0x6f: {  	_ =	shalt  }
0x70: {  	_ =	shalt  }
0x71: {  	_ =	shalt  }
0x72: {  	_ =	shalt  }
0x73: {  	_ =	shalt  }
0x74: {  	_ =	shalt  }
0x75: {  	_ =	shalt  }
0x76: {  	_ =	shalt  }
0x77: {  	_ =	shalt  }
0x78: {  	_ =	shalt  }
0x79: {  	_ =	shalt  }
0x7a: {  	_ =	shalt  }
0x7b: {  	_ =	shalt  }
0x7c: {  	_ =	shalt  }
0x7d: {  	_ =	shalt  }
0x7e: {  	_ =	shalt  }
0x7f: {  	_ =	shalt  }
0x80: {  	_ =	shalt  }
0x81: {  	_ =	shalt  }
0x82: {  	_ =	shalt  }
0x83: {  	_ =	shalt  }
0x84: {  	_ =	shalt  }
0x85: {  	_ =	shalt  }
0x86: {  	_ =	shalt  }
0x87: {  	_ =	shalt  }
.Lfunc_end0:
.L_simem_size_0:
called_computation_lowered:
.L_overlay_start_0:
0x88: {  	s2 =	sld [smem:$0x3FD9]  }
0x89: {  	s3 =	sld [smem:$0x3FFE];
	_ =	sdelay $0x1  }
0x8a: {  	s1 =	srdreg.scid  }
0x8b: {  	s0 =	sand.u32 $0x1, s1  }
0x8c: {  	s17 =	sshll.u32 s0, $0xA;
	s2 =	sadd.s32 s3, s2  }
0x8d: {  	s2 =	sadd.s32 s2, s17  }
0x8e: {  	[smem:$0x3FC4] =	sst s2  }
0x8f: {  	_ = 	snop  }
0x90: {  	s2 =	sld [smem:$0x3FC9]  }
0x91: {  	s18 =	sld [smem:$0x3FC8]  }
0x92: {  	s4 =	sld [smem:$0x3FC7]  }
0x93: {  	s5 =	sld [smem:$0x3FC6];
	(tm) =	ssettm $0x1  }
0x94: {  	s6 =	sld [smem:$0x3FFB];
	_ =	sdelay $0x3  }
0x95: {  	_ =	strace s6  }
0x96: {  	s6 =	sld [smem:$0x3FFC];
	_ =	sdelay $0x3  }
0x97: {  	_ =	strace s6  }
0x98: {  	s6 =	sld [smem:$0x3FFD];
	_ =	sdelay $0x3  }
0x99: {  	_ =	strace s6  }
0x9a: {  	_ =	strace $0x8FFFFFFF  }
0x9b: {  	s19 =	sld [smem:$0x3FDB];
	_ =	sdelay $0x1  }
0x9c: {  	s7 =	simm.s32 $_scs_section_size  }
0x9d: {  	s8 =	simm.s32 $_size__tile_overlayer_lowered;
	s9 =	simm.s32 $_tile_overlayer_lowered  }
0x9e: {  	s22 =	simm.s32 $0x1BFF;
	s21 =	sshll.u32 s9, $0x1;
	s6 =	sadd.s32 s7, s19  }
0x9f: {  	s10 =	simm.s32 $0x0;
	s20 =	sshll.u32 s8, $0x1;
	s8 =	sadd.s32 s21, s6  }
0xa0: {  	[timem:s10], [sflag:s22] =	dma.local [hbm:s8], s20  }
0xa1: {  	_ =	swait.ge [sflag:s22], s20  }
0xa2: {  	s7 =	ssub.s32 $0x0, s20;
	[sflag:s22] =	ssyncset.done $0x0  }
0xa3: {  	[sflag:s22] =	ssyncadd.s32 s7;
	_ =	sdelay $0x1  }
0xa4: {  	s23 =	simm.s32 $0x1B8B  }
0xa5: {  	_ =	swait.ge [sflag:s23], $0x1  }
0xa6: {  	[sflag:s23] =	ssyncset.done $0x0  }
0xa7: {  	s25 =	simm.s32 $0x1B8E;
	s24 =	sld [smem:$0x3FFE];
	[sflag:s23] =	ssyncadd.s32 $0xFFFFFFFF  }
0xa8: {  	s26 =	simm.s32 $execute0_lowered;
	[smem:$0x3FD2] =	sst s25  }
0xa9: {  	s8 =	sshll.u32 s26, $0x1;
	_ =	strace $0x80000046;
	[dreg:$0x1] =	wrdreg $0xFFFFFFFF  }
0xaa: {  	s28 =	simm.s32 $_size_execute0_lowered;
	s6 =	sadd.s32 s6, s8;
	[dreg:$0x0] =	wrdreg $0x0  }
0xab: {  	s8 =	sshll.u32 s28, $0x1;
	[dreg:$0x2] =	wrdreg s6  }
0xac: {  	[dreg:$0x3] =	wrdreg s8  }
0xad: {  	[dreg:$0x4] =	wrdreg $0xC0  }
0xae: {  	_ =	task [dreg:s10], $0x5FFFF  }
0xaf: {  	[dreg:$0x1] =	wrdreg $0xFFFFFFFF  }
0xb0: {  	[dreg:$0x0] =	wrdreg $0x60  }
0xb1: {  	[dreg:$0x2] =	wrdreg s2  }
0xb2: {  	[dreg:$0x3] =	wrdreg s18  }
0xb3: {  	[dreg:$0x4] =	wrdreg s4  }
0xb4: {  	[dreg:$0x5] =	wrdreg s5  }
0xb5: {  	[dreg:$0x6] =	wrdreg s24  }
0xb6: {  	[dreg:$0x7] =	wrdreg $0x15BB80  }
0xb7: {  	[dreg:$0x8] =	wrdreg $0x131400  }
0xb8: {  	[dreg:$0x9] =	wrdreg $0x159400  }
0xb9: {  	[dreg:$0xa] =	wrdreg $0x9  }
0xba: {  	_ =	task.clear_ibuf [dreg:s10], $0xBFFFF;
	_ =	strace $0x90000046  }
0xbb: {  	s29 =	simm.s32 $0x9;
	_ =	strace $0x8000004E  }
0xbc: {  	_ =	swait.ge [sflag:s29], $0x1  }
0xbd: {  	[sflag:s29] =	ssyncadd.s32 $0xFFFFFFFF  }
0xbe: {  	_ =	strace $0x9000004E  }
0xbf: {  	_ =	sfence  }
0xc0: {  	s30 =	sld [smem:$0x0];
	_ =	sdelay $0x2  }
0xc1: {  	s31 =	sshll.u32 s1, $0xD;
	s1 =	sshrl.u32 s1, $0x2  }
0xc2: {  	s3 =	sand.u32 $0x4000, s31;
	s1 =	sadd.s32 s1, s30  }
0xc3: {  	s0 =	sor.u32 s3, s0;
	s1 =	sshll.u32 s1, $0x11  }
0xc4: {  	s0 =	sor.u32 s1, s0  }
0xc5: {  	s0 =	sadd.s32 $0x8F2B, s0  }
0xc6: {  	[sflag:s0] =	ssyncadd.remote.s32 $0x1  }
0xc7: {  	_ =	sfence.sel $0xFFFF  }
0xc8: {  	[dreg:$0x0] =	wrdreg $0xFFFFFFFF;
	(pc) =	sbr.abs _section_cstart, $3  }
0xc9: {  	[dreg:$0x1] =	wrdreg $0xFFFFFFFF  }
0xca: {  	_ =	task.clear_ibuf [dreg:s10], $0x2FFFF;
	_ =	strace $0x9FFFFFFF  }
0xcb: {  	(tm) =	ssettm $0x7FFFFFFF  }
tec
execute0_lowered:
.L_overlay_start_1:
0x0: {  	(tag) =	ssettag $0x1  }
0x1: {  	s0 =	rddreg [dreg:$0x0]  }
0x2: {  	s1 =	rddreg [dreg:$0x1]  }
0x3: {  	s3 =	rddreg [dreg:$0x2]  }
0x4: {  	s15 =	rddreg [dreg:$0x3]  }
0x5: {  	s7 =	rddreg [dreg:$0x4]  }
0x6: {  	s2 =	rddreg [dreg:$0x5];
	s5 =	srdreg.scid  }
0x7: {  	s4 =	rddreg [dreg:$0x6];
	s18 =	stileid.u32  }
0x8: {  	s6 =	simm.s32 $0x0;
	s29 =	simm.s32 $0x11140;
	s30 =	simm.s32 $0x80  }
0x9: {  	s31 =	simm.s32 $0xC540;
	s14 =	sand.u32 $0x1, s5;
	[smem:$0x7FF] =	sst s6  }
0xa: {  	s10 =	sshll.u32 s18, $0xA;
	s12 =	smul.u32 $0xA000, s18;
	s25 =	sshll.u32 s18, $0x3  }
0xb: {  	p0 =	sne.s32 s18, $0x0;
	s28 =	sshll.u32 s18, $0x6;
	s8 =	sshll.u32 s14, $0x4  }
0xc: {  	s9 =	ssub.s32 $0x2, s14;
	_ =	strace $0x80000047;
	s16 =	sadd.s32 s10, s7  }
0xd: {  	s19 =	sshll.u32 s14, $0xE;
	s15 =	sadd.s32 s15, s25;
	s21 =	sor.u32 $0x1C01, s28  }
0xe: {  	s25 =	simm.s32 $0x9D40;
	s8 =	sor.u32 s18, s8;
	s11 =	sshrl.u32 s9, $0x1  }
0xf: {  	s22 =	sshrl.u32 s12, $0x2;
	s23 =	sadd.s32 s12, s2;
	s24 =	sshrl.u32 s12, $0x3  }
0x10: {  	s26 =	sadd.s32 s19, s16;
	s19 =	simm.s32 $0x1;
	s8 =	smul.u32 $0x4E2, s8  }
0x11: {  	s17 =	ssub.s32 s9, s11;
	s9 =	sadd.s32 s22, s4;
	s10 =	sadd.s32 s0, s24  }
.Ltmp0:
0x12: {  	s16 =	sadd.s32 $0x600, s26;
	s22 =	sshrl.u32 s23, $0x3;
	(pc) =	sbr.rel .LBB2_1-.Ltmp0, $4  }
0x13: {  	s23 =	simm.s32 $0x10540;
	s24 =	simm.s32 $0x7540;
	s26 =	simm.s32 $0x10D40  }
0x14: {  	s11 =	sadd.s32 $0x800, s9;
	s12 =	sadd.s32 $0x1000, s9;
	s13 =	sadd.s32 $0x1800, s9  }
0x15: {  	v0 =	vimm.f32 $0.0e+00;
	v1 =	vimm.s32 $0xFFFFFFFF;
	v2 =	vlaneseq.u32;
	s14 =	sadd.s32 $0x2000, s9;
	s17 =	smax.u32 s17, $0x1;
	s1 =	sadd.s32 s1, s8  }
0x16: {  	v3 =	vimm.s32 $0x0;
	v4 =	vimm.s32 $0xF;
	v5 =	vimm.s32 $0x400;
	s8 =	sadd.s32 s3, s8;
	s3 =	simm.s32 $0x0;
	[dreg:$0x9] =	wrdreg s1  }
.LBB2_16:
0x17: {  	[sflag:s19] =	ssyncadd.s32 $0xFFFFC000  }
.LBB2_17:
0x18: {  	_ =	strace $0x9000004C  }
0x19: {  	[bflag:$0x0] =	sbarrier.arrive $0xFFFF  }
0x1a: {  	_ =	strace $0x8000004D  }
0x1b: {  	[tilespmem:s26], [sflag:$0x1] =	stream.linear.gather [hbm4b:s15+s6], $0x40, $0x200038;
	[tilespmem:$0x1FBB8] =	vst v63  }
0x1c: {  	_ =	swait.ge [sflag:s19], $0x40  }
0x1d: {  	[sflag:s19] =	ssyncset.done $0x0  }
0x1e: {  	[sflag:s19] =	ssyncadd.s32 $0xFFFFFFC0  }
0x1f: {  	_ =	strace $0x9000004D  }
0x20: {  	v6 =	vld [tilespmem:$0x10D40];
	_ =	sdelay $0x5  }
0x21: {  	v7 =	vld [tilespmem:$0x10D50];
	_ =	sdelay $0x1  }
0x22: {  	v6 =	vld.idx.msk [tilespmem:v6+s6+$0x0], $0xffff;
	_ =	sdelay $0x3  }
0x23: {  	v8 =	vld [tilespmem:$0x10D60]  }
0x24: {  	[tilespmem:$0x10D40] =	vst v6  }
0x25: {  	v6 =	vld.idx.msk [tilespmem:v7+s6+$0x0], $0xffff;
	_ =	sdelay $0x3  }
0x26: {  	v7 =	vld [tilespmem:$0x10D70]  }
0x27: {  	[tilespmem:$0x10D50] =	vst v6  }
0x28: {  	v6 =	vld.idx.msk [tilespmem:v8+s6+$0x0], $0xffff;
	_ =	sdelay $0x4  }
0x29: {  	[tilespmem:$0x10D60] =	vst v6  }
0x2a: {  	v6 =	vld.idx.msk [tilespmem:v7+s6+$0x0], $0xffff;
	_ =	sdelay $0x4  }
0x2b: {  	s1 =	simm.s32 $0x40;
	[tilespmem:$0x10D70] =	vst v6  }
0x2c: {  	[tilespmem:s29], [sflag:$0x1] =	stream.indirect.gather [spmem:s4], $0x80, s26, s1, $0xb8;
	[tilespmem:$0x1FBB8] =	vst v63  }
0x2d: {  	s3 =	sadd.s32 $0x1, s3;
	_ =	swait.ge [sflag:s19], $0x2000  }
0x2e: {  	p1 =	sne.s32 s3, s17;
	[sflag:s19] =	ssyncset.done $0x0  }
.Ltmp1:
0x2f: {  	[sflag:s19] =	ssyncadd.s32 $0xFFFFE000;
	(pc) =	sbr.rel @!p1 .LBB2_18-.Ltmp1, $4  }
0x30: {  	[hbm4b:s16+s6] =	stream.linear.scatter [tilespmem:s29], [sflag:$0x1], $0x2000, $0x38;
	[tilespmem:$0x1FBB8] =	vst v63  }
0x31: {  	_ =	swait.ge [sflag:s19], $0x2000  }
0x32: {  	[sflag:s19] =	ssyncset.done $0x0  }
0x33: {  	[sflag:s19] =	ssyncadd.s32 $0xFFFFE000  }
.LBB2_1:
0x34: {  	_ =	strace $0x80000048  }
0x35: {  	s5 =	simm.s32 $0x2720;
	s1 =	rddreg [dreg:$0x9]  }
0x36: {  	[tilespmem:s5], [sflag:$0x1] =	stream.linear.gather [hbm4b:s1+s6], $0x2710, $0x200038;
	[tilespmem:$0x1FBB8] =	vst v63  }
0x37: {  	_ =	swait.ge [sflag:s19], $0x2710  }
0x38: {  	[sflag:s19] =	ssyncset.done $0x0  }
0x39: {  	s28 =	simm.s32 $0x4E30;
	[sflag:s19] =	ssyncadd.s32 $0xFFFFD8F0  }
0x3a: {  	[tilespmem:s28], [sflag:$0x1] =	stream.linear.gather [hbm4b:s8+s6], $0x2710, $0x200038;
	[tilespmem:$0x1FBB8] =	vst v63  }
0x3b: {  	_ =	swait.ge [sflag:s19], $0x2710  }
0x3c: {  	[sflag:s19] =	ssyncset.done $0x0  }
0x3d: {  	[sflag:s19] =	ssyncadd.s32 $0xFFFFD8F0  }
0x3e: {  	_ =	strace $0x90000048  }
0x3f: {  	_ =	strace $0x80000049  }
0x40: {  	[spmem:s22], [sflag:s21] =	dma.local [hbm:s10], $0x1400  }
0x41: {  	_ =	swait.ge [sflag:s19], $0x1400  }
0x42: {  	[sflag:s19] =	ssyncset.done $0x0  }
0x43: {  	[sflag:s19] =	ssyncadd.s32 $0xFFFFEC00  }
0x44: {  	_ =	strace $0x90000049;
	[tilespmem:$0x10540] =	vst v0  }
0x45: {  	[tilespmem:$0x10550] =	vst v0  }
0x46: {  	[tilespmem:$0x10560] =	vst v0  }
0x47: {  	[tilespmem:$0x10570] =	vst v0  }
0x48: {  	[tilespmem:$0x10580] =	vst v0  }
0x49: {  	[tilespmem:$0x10590] =	vst v0  }
0x4a: {  	[tilespmem:$0x105A0] =	vst v0  }
0x4b: {  	[tilespmem:$0x105B0] =	vst v0  }
0x4c: {  	[tilespmem:$0x105C0] =	vst v0  }
0x4d: {  	[tilespmem:$0x105D0] =	vst v0  }
0x4e: {  	[tilespmem:$0x105E0] =	vst v0  }
0x4f: {  	[tilespmem:$0x105F0] =	vst v0  }
0x50: {  	[tilespmem:$0x10600] =	vst v0  }
0x51: {  	[tilespmem:$0x10610] =	vst v0  }
0x52: {  	[tilespmem:$0x10620] =	vst v0  }
0x53: {  	[tilespmem:$0x10630] =	vst v0  }
0x54: {  	[tilespmem:$0x10640] =	vst v0  }
0x55: {  	[tilespmem:$0x10650] =	vst v0  }
0x56: {  	[tilespmem:$0x10660] =	vst v0  }
0x57: {  	[tilespmem:$0x10670] =	vst v0  }
0x58: {  	[tilespmem:$0x10680] =	vst v0  }
0x59: {  	[tilespmem:$0x10690] =	vst v0  }
0x5a: {  	[tilespmem:$0x106A0] =	vst v0  }
0x5b: {  	[tilespmem:$0x106B0] =	vst v0  }
0x5c: {  	[tilespmem:$0x106C0] =	vst v0  }
0x5d: {  	[tilespmem:$0x106D0] =	vst v0  }
0x5e: {  	[tilespmem:$0x106E0] =	vst v0  }
0x5f: {  	[tilespmem:$0x106F0] =	vst v0  }
0x60: {  	[tilespmem:$0x10700] =	vst v0  }
0x61: {  	[tilespmem:$0x10710] =	vst v0  }
0x62: {  	[tilespmem:$0x10720] =	vst v0  }
0x63: {  	[tilespmem:$0x10730] =	vst v0  }
0x64: {  	[tilespmem:$0x10740] =	vst v0  }
0x65: {  	[tilespmem:$0x10750] =	vst v0  }
0x66: {  	[tilespmem:$0x10760] =	vst v0  }
0x67: {  	[tilespmem:$0x10770] =	vst v0  }
0x68: {  	[tilespmem:$0x10780] =	vst v0  }
0x69: {  	[tilespmem:$0x10790] =	vst v0  }
0x6a: {  	[tilespmem:$0x107A0] =	vst v0  }
0x6b: {  	[tilespmem:$0x107B0] =	vst v0  }
0x6c: {  	[tilespmem:$0x107C0] =	vst v0  }
0x6d: {  	[tilespmem:$0x107D0] =	vst v0  }
0x6e: {  	[tilespmem:$0x107E0] =	vst v0  }
0x6f: {  	[tilespmem:$0x107F0] =	vst v0  }
0x70: {  	[tilespmem:$0x10800] =	vst v0  }
0x71: {  	[tilespmem:$0x10810] =	vst v0  }
0x72: {  	[tilespmem:$0x10820] =	vst v0  }
0x73: {  	[tilespmem:$0x10830] =	vst v0  }
0x74: {  	[tilespmem:$0x10840] =	vst v0  }
0x75: {  	[tilespmem:$0x10850] =	vst v0  }
0x76: {  	[tilespmem:$0x10860] =	vst v0  }
0x77: {  	[tilespmem:$0x10870] =	vst v0  }
0x78: {  	[tilespmem:$0x10880] =	vst v0  }
0x79: {  	[tilespmem:$0x10890] =	vst v0  }
0x7a: {  	[tilespmem:$0x108A0] =	vst v0  }
0x7b: {  	[tilespmem:$0x108B0] =	vst v0  }
0x7c: {  	[tilespmem:$0x108C0] =	vst v0  }
0x7d: {  	[tilespmem:$0x108D0] =	vst v0  }
0x7e: {  	[tilespmem:$0x108E0] =	vst v0  }
0x7f: {  	[tilespmem:$0x108F0] =	vst v0  }
0x80: {  	[tilespmem:$0x10900] =	vst v0  }
0x81: {  	[tilespmem:$0x10910] =	vst v0  }
0x82: {  	[tilespmem:$0x10920] =	vst v0  }
0x83: {  	[tilespmem:$0x10930] =	vst v0  }
0x84: {  	[tilespmem:$0x10940] =	vst v0  }
0x85: {  	[tilespmem:$0x10950] =	vst v0  }
0x86: {  	[tilespmem:$0x10960] =	vst v0  }
0x87: {  	[tilespmem:$0x10970] =	vst v0  }
0x88: {  	[tilespmem:$0x10980] =	vst v0  }
0x89: {  	[tilespmem:$0x10990] =	vst v0  }
0x8a: {  	[tilespmem:$0x109A0] =	vst v0  }
0x8b: {  	[tilespmem:$0x109B0] =	vst v0  }
0x8c: {  	[tilespmem:$0x109C0] =	vst v0  }
0x8d: {  	[tilespmem:$0x109D0] =	vst v0  }
0x8e: {  	[tilespmem:$0x109E0] =	vst v0  }
0x8f: {  	[tilespmem:$0x109F0] =	vst v0  }
0x90: {  	[tilespmem:$0x10A00] =	vst v0  }
0x91: {  	[tilespmem:$0x10A10] =	vst v0  }
0x92: {  	[tilespmem:$0x10A20] =	vst v0  }
0x93: {  	[tilespmem:$0x10A30] =	vst v0  }
0x94: {  	[tilespmem:$0x10A40] =	vst v0  }
0x95: {  	[tilespmem:$0x10A50] =	vst v0  }
0x96: {  	[tilespmem:$0x10A60] =	vst v0  }
0x97: {  	[tilespmem:$0x10A70] =	vst v0  }
0x98: {  	[tilespmem:$0x10A80] =	vst v0  }
0x99: {  	[tilespmem:$0x10A90] =	vst v0  }
0x9a: {  	[tilespmem:$0x10AA0] =	vst v0  }
0x9b: {  	[tilespmem:$0x10AB0] =	vst v0  }
0x9c: {  	[tilespmem:$0x10AC0] =	vst v0  }
0x9d: {  	[tilespmem:$0x10AD0] =	vst v0  }
0x9e: {  	[tilespmem:$0x10AE0] =	vst v0  }
0x9f: {  	[tilespmem:$0x10AF0] =	vst v0  }
0xa0: {  	[tilespmem:$0x10B00] =	vst v0  }
0xa1: {  	[tilespmem:$0x10B10] =	vst v0  }
0xa2: {  	[tilespmem:$0x10B20] =	vst v0  }
0xa3: {  	[tilespmem:$0x10B30] =	vst v0  }
0xa4: {  	[tilespmem:$0x10B40] =	vst v0  }
0xa5: {  	[tilespmem:$0x10B50] =	vst v0  }
0xa6: {  	[tilespmem:$0x10B60] =	vst v0  }
0xa7: {  	[tilespmem:$0x10B70] =	vst v0  }
0xa8: {  	[tilespmem:$0x10B80] =	vst v0  }
0xa9: {  	[tilespmem:$0x10B90] =	vst v0  }
0xaa: {  	[tilespmem:$0x10BA0] =	vst v0  }
0xab: {  	[tilespmem:$0x10BB0] =	vst v0  }
0xac: {  	[tilespmem:$0x10BC0] =	vst v0  }
0xad: {  	[tilespmem:$0x10BD0] =	vst v0  }
0xae: {  	[tilespmem:$0x10BE0] =	vst v0  }
0xaf: {  	[tilespmem:$0x10BF0] =	vst v0  }
0xb0: {  	[tilespmem:$0x10C00] =	vst v0  }
0xb1: {  	[tilespmem:$0x10C10] =	vst v0  }
0xb2: {  	[tilespmem:$0x10C20] =	vst v0  }
0xb3: {  	[tilespmem:$0x10C30] =	vst v0  }
0xb4: {  	[tilespmem:$0x10C40] =	vst v0  }
0xb5: {  	[tilespmem:$0x10C50] =	vst v0  }
0xb6: {  	[tilespmem:$0x10C60] =	vst v0  }
0xb7: {  	[tilespmem:$0x10C70] =	vst v0  }
0xb8: {  	[tilespmem:$0x10C80] =	vst v0  }
0xb9: {  	[tilespmem:$0x10C90] =	vst v0  }
0xba: {  	[tilespmem:$0x10CA0] =	vst v0  }
0xbb: {  	[tilespmem:$0x10CB0] =	vst v0  }
0xbc: {  	[tilespmem:$0x10CC0] =	vst v0  }
0xbd: {  	[tilespmem:$0x10CD0] =	vst v0  }
0xbe: {  	[tilespmem:$0x10CE0] =	vst v0  }
0xbf: {  	[tilespmem:$0x10CF0] =	vst v0  }
0xc0: {  	[tilespmem:$0x10D00] =	vst v0  }
0xc1: {  	[tilespmem:$0x10D10] =	vst v0  }
0xc2: {  	[tilespmem:$0x10D20] =	vst v0  }
0xc3: {  	[tilespmem:$0x10D30] =	vst v0  }
0xc4: {  	[spmem:s9] =	stream.linear.scatter [tilespmem:s23], [sflag:$0x1], $0x800, $0x38;
	[tilespmem:$0x1FBB8] =	vst v63  }
0xc5: {  	_ =	swait.ge [sflag:s19], $0x800  }
0xc6: {  	[sflag:s19] =	ssyncset.done $0x0  }
0xc7: {  	[sflag:s19] =	ssyncadd.s32 $0xFFFFF800  }
0xc8: {  	[spmem:s11] =	stream.linear.scatter [tilespmem:s23], [sflag:$0x1], $0x800, $0x38;
	[tilespmem:$0x1FBB8] =	vst v63  }
0xc9: {  	_ =	swait.ge [sflag:s19], $0x800  }
0xca: {  	[sflag:s19] =	ssyncset.done $0x0  }
0xcb: {  	[sflag:s19] =	ssyncadd.s32 $0xFFFFF800  }
0xcc: {  	[spmem:s12] =	stream.linear.scatter [tilespmem:s23], [sflag:$0x1], $0x800, $0x38;
	[tilespmem:$0x1FBB8] =	vst v63  }
0xcd: {  	_ =	swait.ge [sflag:s19], $0x800  }
0xce: {  	[sflag:s19] =	ssyncset.done $0x0  }
0xcf: {  	[sflag:s19] =	ssyncadd.s32 $0xFFFFF800  }
0xd0: {  	[spmem:s13] =	stream.linear.scatter [tilespmem:s23], [sflag:$0x1], $0x800, $0x38;
	[tilespmem:$0x1FBB8] =	vst v63  }
0xd1: {  	_ =	swait.ge [sflag:s19], $0x800  }
0xd2: {  	[sflag:s19] =	ssyncset.done $0x0  }
.Ltmp2:
0xd3: {  	[sflag:s19] =	ssyncadd.s32 $0xFFFFF800;
	(pc) =	sbr.rel @p0 .LBB2_7-.Ltmp2, $4  }
0xd4: {  	[spmem:s14] =	stream.linear.scatter [tilespmem:s23], [sflag:$0x1], $0x800, $0x38;
	[tilespmem:$0x1FBB8] =	vst v63  }
0xd5: {  	_ =	swait.ge [sflag:s19], $0x800  }
0xd6: {  	[sflag:s19] =	ssyncset.done $0x0  }
0xd7: {  	[sflag:s19] =	ssyncadd.s32 $0xFFFFF800  }
0xd8: {  	s1 =	simm.s32 $0x40;
	s18 =	simm.s32 $0x0  }
.LBB2_3:
0xd9: {  	p1 =	sne.s32 s1, $0x9C40;
	[tilespmem:s18+$0x0] =	vst v1;
	s18 =	smov.u32 s1;
	s1 =	sadd.s32 $0x40, s1  }
.Ltmp3:
0xda: {  	(pc) =	sbr.rel @p1 .LBB2_3-.Ltmp3, $2  }
0xdb: {  	_ =	sdelay $0x2  }
0xdc: {  	s18 =	sshra.s32 s18, $0x2  }
0xdd: {  	[tilespmem:s18+$0x0] =	vst v1;
	s1 =	simm.s32 $0x0;
	s18 =	simm.s32 $0x10D40;
	s5 =	rddreg [dreg:$0x3]  }
0xde: {  	[tilespmem:s18], [sflag:$0x1] =	stream.linear.gather [hbm4b:s5+s1], $0x400, $0x38;
	[tilespmem:$0x1FBB8] =	vst v63  }
0xdf: {  	_ =	swait.ge [sflag:s19], $0x400  }
0xe0: {  	[sflag:s19] =	ssyncset.done $0x0  }
0xe1: {  	[sflag:s19] =	ssyncadd.s32 $0xFFFFFC00  }
0xe2: {  	s20 =	simm.s32 $0x10;
	v6 =	vld [tilespmem:s18+$0x0]  }
.LBB2_5:
0xe3: {  	p1 =	sne.s32 s20, $0x3F0;
	_ =	sdelay $0x3  }
.Ltmp4:
0xe4: {  	(pc) =	sbr.rel @p1 .LBB2_5-.Ltmp4, $4  }
0xe5: {  	_ = 	snop  }
0xe6: {  	v7 =	vor.u32 s1, v2;
	s1 =	smov.u32 s20  }
0xe7: {  	s18 =	sadd.s32 $0x10, s18;
	[tilespmem:v6+s6+$0x0] =	vst.idx.msk $0xffff, v7  }
0xe8: {  	s20 =	sadd.s32 $0x10, s20;
	v6 =	vld [tilespmem:s18+$0x0]  }
0xe9: {  	_ =	sdelay $0x6  }
0xea: {  	v7 =	vor.u32 s1, v2  }
0xeb: {  	s28 =	rddreg [dreg:$0x7];
	[tilespmem:v6+s6+$0x0] =	vst.idx.msk $0xffff, v7  }
0xec: {  	[spmem:s28] =	stream.linear.scatter [tilespmem:s6], [sflag:$0x1], $0x2720, $0x38;
	[tilespmem:$0x1FBB8] =	vst v63  }
0xed: {  	_ =	swait.ge [sflag:s19], $0x2720  }
0xee: {  	[sflag:s19] =	ssyncset.done $0x0  }
0xef: {  	[sflag:s19] =	ssyncadd.s32 $0xFFFFD8E0  }
.LBB2_7:
0xf0: {  	[bflag:$0x0] =	sbarrier.arrive $0xFFFF  }
0xf1: {  	_ =	strace $0x8000004A  }
0xf2: {  	s1 =	simm.s32 $0x0;
	s5 =	rddreg [dreg:$0x7]  }
0xf3: {  	[tilespmem:s1], [sflag:$0x1] =	stream.linear.gather [spmem:s5], $0x2720, $0x200038;
	[tilespmem:$0x1FBB8] =	vst v63  }
0xf4: {  	_ =	swait.ge [sflag:s19], $0x2720  }
0xf5: {  	[sflag:s19] =	ssyncset.done $0x0  }
0xf6: {  	[sflag:s19] =	ssyncadd.s32 $0xFFFFD8E0  }
0xf7: {  	_ =	strace $0x9000004A  }
0xf8: {  	v8 =	vimm.s32 $0x0;
	v6 =	vimm.s32 $0x0;
	v7 =	vimm.s32 $0x0;
	_ =	strace $0x8000004B  }
.LBB2_8:
0xf9: {  	s18 =	sshra.s32 s1, $0x2  }
0xfa: {  	v9 =	vld [tilespmem:s18+$0x4E30];
	_ =	sdelay $0x6  }
0xfb: {  	v10 =	vld [tilespmem:s18+$0x2720]  }
0xfc: {  	v9 =	vld.idx.msk [tilespmem:v9+s6+$0x0], $0xffff;
	_ =	sdelay $0x4  }
0xfd: {  	vm1 =	vlt.s32 v10, $0x1400;
	vm0 =	vgt.s32 v9, $0xFFFFFFFF  }
0xfe: {  	vm1 =	vmand vm1, vm0  }
0xff: {  	vm2 =	vge.s32 v10, $0x1400;
	v11 =	vsel vm1, $0x1, v3  }
0x100: {  	vm0 =	vmand vm0, vm2;
	(xrf0) =	vadd.scan.msk.s32 $0xffff, v11  }
0x101: {  	v11 =	vsel vm0, $0x1, v3  }
0x102: {  	(xrf0) =	vadd.scan.msk.s32 $0xffff, v11;
	_ =	sdelay $0x3  }
0x103: {  	v11, _, _ =	vpop (xrf0)  }
0x104: {  	v12 =	vadd.s32 v11, v7  }
0x105: {  	v13, _, _ =	vpop (xrf0);
	v12 =	vadd.s32 $0xFFFFFFFF, v12  }
0x106: {  	v8 =	vsub.s32 v8, v13  }
0x107: {  	v8 =	vadd.s32 $0x2800, v8;
	_ =	sdelay $0x2  }
0x108: {  	[tilespmem:v12+s24+$0x0] =	vst.idx.msk vm1, v9  }
0x109: {  	[tilespmem:v12+s25+$0x0] =	vst.idx.msk vm1, v10  }
0x10a: {  	[tilespmem:v8+s24+$0x0] =	vst.idx.msk vm0, v9  }
0x10b: {  	[tilespmem:v8+s25+$0x0] =	vst.idx.msk vm0, v10  }
0x10c: {  	v8 =	vld [tilespmem:s18+$0x4E40];
	_ =	sdelay $0x6  }
0x10d: {  	v9 =	vld [tilespmem:s18+$0x2730]  }
0x10e: {  	v8 =	vld.idx.msk [tilespmem:v8+s6+$0x0], $0xffff;
	_ =	sdelay $0x4  }
0x10f: {  	vm14 =	vlt.s32 v9, $0x1400;
	vm13 =	vgt.s32 v8, $0xFFFFFFFF  }
0x110: {  	vm1 =	vmand vm14, vm13  }
0x111: {  	vm15 =	vge.s32 v9, $0x1400;
	v10 =	vsel vm1, $0x1, v3  }
0x112: {  	vm0 =	vmand vm13, vm15;
	(xrf0) =	vadd.scan.msk.s32 $0xffff, v10  }
0x113: {  	v10 =	vsel vm0, $0x1, v3  }
0x114: {  	(xrf0) =	vadd.scan.msk.s32 $0xffff, v10;
	v10 =	vperm.xlane v11, v4;
	_ =	sdelay $0x1  }
0x115: {  	v7 =	vadd.s32 v7, v10;
	v10 =	vperm.xlane v13, v4;
	_ =	sdelay $0x1  }
0x116: {  	v11, _, _ =	vpop (xrf0)  }
0x117: {  	v62 =	vadd.s32 v11, v7  }
0x118: {  	v6 =	vadd.s32 v6, v10;
	v10, _, _ =	vpop (xrf0);
	v12 =	vadd.s32 $0xFFFFFFFF, v62  }
0x119: {  	v63 =	vadd.s32 v10, v6  }
0x11a: {  	v13 =	vsub.s32 $0x2800, v63  }
0x11b: {  	p1 =	sne.s32 s1, $0x9B80  }
.Ltmp5:
0x11c: {  	_ = 	snop;
	(pc) =	sbr.rel @p1 .LBB2_8-.Ltmp5, $4  }
0x11d: {  	v10 =	vperm.xlane v10, v4;
	[tilespmem:v12+s24+$0x0] =	vst.idx.msk vm1, v8  }
0x11e: {  	v11 =	vperm.xlane v11, v4;
	[tilespmem:v12+s25+$0x0] =	vst.idx.msk vm1, v9  }
0x11f: {  	v6 =	vadd.s32 v6, v10;
	[tilespmem:v13+s24+$0x0] =	vst.idx.msk vm0, v8  }
0x120: {  	s1 =	sadd.s32 $0x80, s1;
	v7 =	vadd.s32 v7, v11;
	v8 =	vsub.s32 $0x0, v6;
	[tilespmem:v13+s25+$0x0] =	vst.idx.msk vm0, v9  }
0x121: {  	v8 =	vld [tilespmem:$0x7530];
	_ =	sdelay $0x6  }
0x122: {  	v9 =	vld [tilespmem:$0x4E20]  }
0x123: {  	v8 =	vld.idx.msk [tilespmem:v8+s6+$0x0], $0xffff;
	_ =	sdelay $0x4  }
0x124: {  	vm1 =	vlt.s32 v9, $0x1400;
	vm0 =	vgt.s32 v8, $0xFFFFFFFF  }
0x125: {  	vm1 =	vmand vm1, vm0  }
0x126: {  	vm2 =	vge.s32 v9, $0x1400;
	v10 =	vsel vm1, $0x1, v3  }
0x127: {  	vm0 =	vmand vm0, vm2;
	(xrf0) =	vadd.scan.msk.s32 $0xffff, v10  }
0x128: {  	v57 =	vsel vm0, $0x1, v3  }
0x129: {  	(xrf0) =	vadd.scan.msk.s32 $0xffff, v57;
	_ =	sdelay $0x3  }
0x12a: {  	v58, _, _ =	vpop (xrf0)  }
0x12b: {  	v11 =	vadd.s32 v58, v7  }
0x12c: {  	v12, _, _ =	vpop (xrf0);
	v11 =	vadd.s32 $0xFFFFFFFF, v11  }
0x12d: {  	v13 =	vadd.s32 v12, v6  }
0x12e: {  	v13 =	vsub.s32 $0x2800, v13;
	_ =	sdelay $0x1  }
0x12f: {  	s1 =	simm.s32 $0x7540  }
0x130: {  	s18 =	simm.s32 $0x9D40;
	[tilespmem:v11+s1+$0x0] =	vst.idx.msk vm1, v8  }
0x131: {  	v10 =	vperm.xlane v58, v4;
	[tilespmem:v11+s18+$0x0] =	vst.idx.msk vm1, v9  }
0x132: {  	[tilespmem:v13+s1+$0x0] =	vst.idx.msk vm0, v8  }
0x133: {  	v7 =	vadd.s32 v7, v10;
	[tilespmem:v13+s18+$0x0] =	vst.idx.msk vm0, v9  }
0x134: {  	v7 =	vxor.u32 $0x80000000, v7;
	_ =	strace $0x9000004B  }
0x135: {  	(xrf0) =	vmax.scan.msk.u32 $0xffff, v7;
	_ =	sdelay $0x5  }
0x136: {  	v7, _, _ =	vpop (xrf0)  }
0x137: {  	(v2sf) =	vpush v7, $0xF;
	_ =	sdelay $0x3  }
0x138: {  	v7 =	vperm.xlane v12, v4;
	_ =	sdelay $0x1  }
0x139: {  	v6 =	vadd.s32 v6, v7  }
0x13a: {  	v6 =	vxor.u32 $0x80000000, v6  }
0x13b: {  	(xrf0) =	vmax.scan.msk.u32 $0xffff, v6;
	_ =	sdelay $0x5  }
0x13c: {  	v6, _, _ =	vpop (xrf0)  }
0x13d: {  	s28 =	spop (v2sf);
	(v2sf) =	vpush v6, $0xF  }
0x13e: {  	s20 =	sxor.u32 $0x80000000, s28  }
0x13f: {  	v6 =	vadd.s32 s20, v2  }
0x140: {  	s7 =	sadd.s32 $0x80000010, s28  }
0x141: {  	v7 =	vadd.s32 s7, v2  }
0x142: {  	s5 =	sadd.s32 $0x80000020, s28  }
0x143: {  	v59 =	vadd.s32 s5, v2  }
0x144: {  	s7 =	sadd.s32 $0x80000030, s28;
	[tilespmem:v6+s1+$0x0] =	vst.idx.msk $0xffff, v5  }
0x145: {  	[tilespmem:v6+s18+$0x0] =	vst.idx.msk $0xffff, v3;
	v6 =	vadd.s32 s7, v2  }
0x146: {  	s5 =	sadd.s32 $0x80000040, s28;
	[tilespmem:v7+s1+$0x0] =	vst.idx.msk $0xffff, v5  }
0x147: {  	[tilespmem:v7+s18+$0x0] =	vst.idx.msk $0xffff, v3;
	v7 =	vadd.s32 s5, v2  }
0x148: {  	s7 =	sadd.s32 $0x80000050, s28;
	[tilespmem:v59+s1+$0x0] =	vst.idx.msk $0xffff, v5  }
0x149: {  	v60 =	vadd.s32 s7, v2;
	[tilespmem:v59+s18+$0x0] =	vst.idx.msk $0xffff, v3  }
0x14a: {  	s5 =	sadd.s32 $0x80000060, s28;
	[tilespmem:v6+s1+$0x0] =	vst.idx.msk $0xffff, v5  }
0x14b: {  	[tilespmem:v6+s18+$0x0] =	vst.idx.msk $0xffff, v3;
	v6 =	vadd.s32 s5, v2  }
0x14c: {  	s5 =	sadd.s32 $0x80000070, s28;
	s20 =	spop (v2sf);
	[tilespmem:v7+s1+$0x0] =	vst.idx.msk $0xffff, v5  }
0x14d: {  	s7 =	sxor.u32 $0x80000000, s20;
	[tilespmem:v7+s18+$0x0] =	vst.idx.msk $0xffff, v3;
	v7 =	vadd.s32 s5, v2  }
0x14e: {  	[tilespmem:v60+s1+$0x0] =	vst.idx.msk $0xffff, v5;
	s5 =	ssub.s32 $0x2780, s7  }
0x14f: {  	[tilespmem:v60+s18+$0x0] =	vst.idx.msk $0xffff, v3;
	v61 =	vadd.s32 s5, v2  }
0x150: {  	s5 =	ssub.s32 $0x2790, s7;
	[tilespmem:v6+s1+$0x0] =	vst.idx.msk $0xffff, v5  }
0x151: {  	[tilespmem:v6+s18+$0x0] =	vst.idx.msk $0xffff, v3;
	v6 =	vadd.s32 s5, v2  }
0x152: {  	s5 =	ssub.s32 $0x27A0, s7;
	[tilespmem:v7+s1+$0x0] =	vst.idx.msk $0xffff, v5  }
0x153: {  	[tilespmem:v7+s18+$0x0] =	vst.idx.msk $0xffff, v3;
	v7 =	vadd.s32 s5, v2  }
0x154: {  	s5 =	ssub.s32 $0x27B0, s7;
	[tilespmem:v61+s1+$0x0] =	vst.idx.msk $0xffff, v5  }
0x155: {  	v62 =	vadd.s32 s5, v2;
	[tilespmem:v61+s18+$0x0] =	vst.idx.msk $0xffff, v3  }
0x156: {  	s5 =	ssub.s32 $0x27C0, s7;
	[tilespmem:v6+s1+$0x0] =	vst.idx.msk $0xffff, v5  }
0x157: {  	[tilespmem:v6+s18+$0x0] =	vst.idx.msk $0xffff, v3;
	v6 =	vadd.s32 s5, v2  }
0x158: {  	s5 =	ssub.s32 $0x27D0, s7;
	[tilespmem:v7+s1+$0x0] =	vst.idx.msk $0xffff, v5  }
0x159: {  	[tilespmem:v7+s18+$0x0] =	vst.idx.msk $0xffff, v3;
	v7 =	vadd.s32 s5, v2  }
0x15a: {  	s5 =	ssub.s32 $0x27E0, s7;
	[tilespmem:v62+s1+$0x0] =	vst.idx.msk $0xffff, v5  }
0x15b: {  	v63 =	vadd.s32 s5, v2;
	[tilespmem:v62+s18+$0x0] =	vst.idx.msk $0xffff, v3  }
0x15c: {  	s7 =	ssub.s32 $0x27F0, s7;
	[tilespmem:v6+s1+$0x0] =	vst.idx.msk $0xffff, v5  }
0x15d: {  	[tilespmem:v6+s18+$0x0] =	vst.idx.msk $0xffff, v3;
	v6 =	vadd.s32 s7, v2  }
0x15e: {  	s7 =	sadd.s32 $0x8000007F, s28;
	[tilespmem:v7+s1+$0x0] =	vst.idx.msk $0xffff, v5  }
0x15f: {  	s28 =	sshrl.u32 s7, $0x7;
	[tilespmem:v7+s18+$0x0] =	vst.idx.msk $0xffff, v3  }
0x160: {  	p1 =	seq.s32 s28, $0x0;
	[tilespmem:v63+s1+$0x0] =	vst.idx.msk $0xffff, v5  }
.Ltmp6:
0x161: {  	[tilespmem:v63+s18+$0x0] =	vst.idx.msk $0xffff, v3;
	(pc) =	sbr.rel @p1 .LBB2_13-.Ltmp6, $4  }
0x162: {  	[tilespmem:v6+s1+$0x0] =	vst.idx.msk $0xffff, v5  }
0x163: {  	[tilespmem:v6+s18+$0x0] =	vst.idx.msk $0xffff, v3  }
0x164: {  	[bflag:$0x0] =	sbarrier.arrive $0xFFFF  }
0x165: {  	_ =	strace $0x8000004C  }
0x166: {  	[tilespmem:s31], [sflag:$0x1] =	stream.indirect.gather [spmem:s2], $0x80, s18, s30, $0x2000b8;
	[tilespmem:$0x1FBB8] =	vst v63  }
0x167: {  	p1 =	sne.s32 s28, $0x1;
	_ =	swait.ge [sflag:s19], $0x4000  }
.Ltmp7:
0x168: {  	[sflag:s19] =	ssyncset.done $0x0;
	(pc) =	sbr.rel @!p1 .LBB2_12-.Ltmp7, $4  }
0x169: {  	[sflag:s19] =	ssyncadd.s32 $0xFFFFC000  }
0x16a: {  	[spmem:s4] =	stream.indirect.scatter.add.f32 [tilespmem:s31], [sflag:$0x1], $0x80, s1, s30, $0x2000b8;
	[tilespmem:$0x1FBB8] =	vst v63  }
0x16b: {  	_ =	swait.ge [sflag:s19], $0x4000  }
0x16c: {  	s28 =	sadd.s32 $0xFFFFFFFF, s28;
	[sflag:s19] =	ssyncset.done $0x0  }
.LBB2_11:
0x16d: {  	[sflag:s19] =	ssyncadd.s32 $0xFFFFC000;
	s18 =	sadd.s32 $0x80, s18;
	s1 =	sadd.s32 $0x80, s1  }
0x16e: {  	[tilespmem:s31], [sflag:$0x1] =	stream.indirect.gather [spmem:s2], $0x80, s18, s30, $0x2000b8;
	[tilespmem:$0x1FBB8] =	vst v63  }
0x16f: {  	p1 =	sne.s32 s28, $0x1;
	s28 =	sadd.s32 $0xFFFFFFFF, s28;
	_ =	swait.ge [sflag:s19], $0x4000  }
.Ltmp8:
0x170: {  	[sflag:s19] =	ssyncset.done $0x0;
	(pc) =	sbr.rel @p1 .LBB2_11-.Ltmp8, $4  }
0x171: {  	[sflag:s19] =	ssyncadd.s32 $0xFFFFC000  }
0x172: {  	[spmem:s4] =	stream.indirect.scatter.add.f32 [tilespmem:s31], [sflag:$0x1], $0x80, s1, s30, $0x2000b8;
	[tilespmem:$0x1FBB8] =	vst v63  }
0x173: {  	_ =	swait.ge [sflag:s19], $0x4000  }
0x174: {  	[sflag:s19] =	ssyncset.done $0x0  }
.LBB2_12:
0x175: {  	[sflag:s19] =	ssyncadd.s32 $0xFFFFC000  }
.LBB2_13:
0x176: {  	s1 =	sadd.s32 $0x8000007F, s20  }
0x177: {  	s20 =	sshrl.u32 s1, $0x7  }
0x178: {  	p1 =	seq.s32 s20, $0x0  }
.Ltmp9:
0x179: {  	_ = 	snop;
	(pc) =	sbr.rel @p1 .LBB2_17-.Ltmp9, $1  }
0x17a: {  	_ =	sdelay $0x3  }
0x17b: {  	s1 =	sshll.u32 s20, $0x9  }
0x17c: {  	s1 =	ssub.s32 $0x0, s1  }
0x17d: {  	s5 =	sshra.s32 s1, $0x2  }
0x17e: {  	s1 =	sadd.s32 $0xC540, s5  }
0x17f: {  	[tilespmem:s31], [sflag:$0x1] =	stream.indirect.gather [hbm4b:s0+s30], $0x80, s1, s30, $0x2000b8;
	[tilespmem:$0x1FBB8] =	vst v63  }
0x180: {  	p1 =	sne.s32 s20, $0x1;
	_ =	swait.ge [sflag:s19], $0x4000  }
.Ltmp10:
0x181: {  	[sflag:s19] =	ssyncset.done $0x0;
	(pc) =	sbr.rel @!p1 .LBB2_16-.Ltmp10, $4  }
0x182: {  	s18 =	sadd.s32 $0x9D40, s5;
	[sflag:s19] =	ssyncadd.s32 $0xFFFFC000  }
0x183: {  	[spmem:s4] =	stream.indirect.scatter.add.f32 [tilespmem:s31], [sflag:$0x1], $0x80, s18, s30, $0x2000b8;
	[tilespmem:$0x1FBB8] =	vst v63  }
0x184: {  	_ =	swait.ge [sflag:s19], $0x4000  }
0x185: {  	s20 =	sadd.s32 $0xFFFFFFFF, s20;
	[sflag:s19] =	ssyncset.done $0x0  }
.LBB2_15:
0x186: {  	[sflag:s19] =	ssyncadd.s32 $0xFFFFC000;
	s1 =	sadd.s32 $0x80, s1;
	s18 =	sadd.s32 $0x80, s18  }
0x187: {  	[tilespmem:s31], [sflag:$0x1] =	stream.indirect.gather [hbm4b:s0+s30], $0x80, s1, s30, $0x2000b8;
	[tilespmem:$0x1FBB8] =	vst v63  }
0x188: {  	p1 =	sne.s32 s20, $0x1;
	s20 =	sadd.s32 $0xFFFFFFFF, s20;
	_ =	swait.ge [sflag:s19], $0x4000  }
.Ltmp11:
0x189: {  	[sflag:s19] =	ssyncset.done $0x0;
	(pc) =	sbr.rel @p1 .LBB2_15-.Ltmp11, $4  }
0x18a: {  	[sflag:s19] =	ssyncadd.s32 $0xFFFFC000  }
0x18b: {  	[spmem:s4] =	stream.indirect.scatter.add.f32 [tilespmem:s31], [sflag:$0x1], $0x80, s18, s30, $0x2000b8;
	[tilespmem:$0x1FBB8] =	vst v63  }
0x18c: {  	_ =	swait.ge [sflag:s19], $0x4000  }
0x18d: {  	[sflag:s19] =	ssyncset.done $0x0  }
.Ltmp12:
0x18e: {  	_ = 	snop;
	(pc) =	sbr.rel .LBB2_16-.Ltmp12, $1  }
0x18f: {  	_ =	sdelay $0x3  }
.LBB2_18:
0x190: {  	_ =	sfence.sel $0x180000  }
0x191: {  	[bflag:$0x0] =	sbarrier.arrive $0xFFFF  }
0x192: {  	_ =	strace $0x90000047  }
0x193: {  	[bflag:$0x2] =	sbarrier.arrive $0xFFFF  }
0x194: {  	s0 =	rddreg [dreg:$0x8]  }
0x195: {  	s0 =	sadd.s32 @!p0 $0x100000, s0  }
0x196: {  	[sflag:s0] =	ssyncadd.tile.s32 @!p0 $0x1;
	_ =	shalt  }
.Lfunc_end2:
_tile_overlayer_lowered:
.L_overlay_start_2:
0x197: {  	(tag) =	ssettag $0x2  }
0x198: {  	s0 =	rddreg [dreg:$0x0];
	s2 =	stileid.u32  }
0x199: {  	s1 =	rddreg [dreg:$0x1];
	p0 =	sne.s32 s2, $0x0  }
0x19a: {  	s3 =	rddreg [dreg:$0x2];
	[bflag:$0x3] =	sbarrier.arrive $0xFFFF;
	s2 =	simm.s32 @!p0 $0x1C01  }
0x19b: {  	[timem:s3], [sflag:s2] =	dma.local @!p0 [hbm:s0], s1  }
0x19c: {  	s0 =	simm.s32 @!p0 $0x1  }
0x19d: {  	_ =	swait.ge @!p0 [sflag:s0], s1  }
0x19e: {  	s1 =	ssub.s32 @!p0 $0x0, s1;
	[sflag:s0] =	ssyncset.done @!p0 $0x0  }
0x19f: {  	[sflag:s0] =	ssyncadd.s32 @!p0 s1  }
0x1a0: {  	[bflag:$0x3] =	sbarrier.arrive $0xFFFF  }
0x1a1: {  	_ =	shalt  }

</sc_bundles>
